<compile_context>
chip_gen: v7x
topology: tpu7x:2x2x1
jax: 0.10.2.dev20260603
libtpu: 0.0.44.dev20260713+nightly
codegen_flags: <defaults>
</compile_context>

<pallas_src>
import functools

import jax
import jax.numpy as jnp
from jax import lax
from jax.experimental import pallas as pl
from jax.experimental.pallas import tpu as pltpu
from jax.experimental.pallas import tpu_sc as plsc

N = 10000
E = 320000
D_FEAT = 128
HIDDEN = 16
NUM_CLASSES = 10

NC = 2
NS = 16
NW = NC * NS
N2 = 10240
RPT = N2 // NS
EPW = E // NW
K = 2000
NB = EPW // K
BLK = 1000


def _sc_mesh():
    return plsc.VectorSubcoreMesh(core_axis_name="c", subcore_axis_name="s")


def _degree(col):

    @functools.partial(
        pl.kernel,
        out_type=jax.ShapeDtypeStruct((NC, N2, 128), jnp.float32),
        mesh=_sc_mesh(),
        compiler_params=pltpu.CompilerParams(use_tc_tiling_on_sc=False),
        scratch_types=[
            pltpu.VMEM_SHARED((N2,), jnp.float32),
            pltpu.VMEM((RPT,), jnp.float32),
            pltpu.VMEM((RPT, HIDDEN), jnp.float32),
            pltpu.VMEM((K,), jnp.int32),
            pltpu.VMEM((K,), jnp.int32),
            pltpu.SemaphoreType.DMA,
            pltpu.SemaphoreType.DMA,
            pltpu.VMEM((K,), jnp.float32),
        ],
    )
    def deg_kernel(col_hbm, out_hbm, hist_sp, zbuf, dbuf, cidx0, cidx1,
                   csem0, csem1, ones_v):
        cid = lax.axis_index("c")
        sid = lax.axis_index("s")
        wid = sid * NC + cid
        nsl = pl.ds(sid * RPT, RPT)

        def fill_zero(i, _):
            zbuf[pl.ds(i * 16, 16)] = jnp.zeros((16,), jnp.float32)
            return 0

        lax.fori_loop(0, RPT // 16, fill_zero, 0)

        def fill_one(i, _):
            ones_v[pl.ds(i * 16, 16)] = jnp.ones((16,), jnp.float32)
            return 0

        lax.fori_loop(0, K // 16, fill_one, 0)

        pltpu.sync_copy(zbuf, hist_sp.at[nsl])
        plsc.subcore_barrier()

        base = wid * EPW
        bufs = ((cidx0, csem0), (cidx1, csem1))

        def start(i, b):
            cidx, csem = bufs[b]
            return pltpu.async_copy(col_hbm.at[pl.ds(base + i * K, K)], cidx, csem)

        d = start(0, 0)
        for i in range(NB):
            b = i % 2
            d.wait()
            if i + 1 < NB:
                d = start(i + 1, (i + 1) % 2)
            pltpu.sync_copy(ones_v, hist_sp.at[bufs[b][0]], add=True)

        plsc.subcore_barrier()

        pltpu.sync_copy(hist_sp.at[nsl], zbuf)

        def splat(g, _):
            v = zbuf[pl.ds(g * 16, 16)]
            for j in range(16):
                dbuf[g * 16 + j, :] = jnp.full((HIDDEN,), v[j], jnp.float32)
            return 0

        lax.fori_loop(0, RPT // 16, splat, 0)
        pltpu.sync_copy(dbuf, out_hbm.at[cid, nsl, pl.ds(0, HIDDEN)])

    return deg_kernel(col)


def _propagate(y_pad, row, col):

    @functools.partial(
        pl.kernel,
        out_type=jax.ShapeDtypeStruct((NC, N2, 128), jnp.float32),
        mesh=_sc_mesh(),
        compiler_params=pltpu.CompilerParams(use_tc_tiling_on_sc=False),
        scratch_types=[
            pltpu.VMEM_SHARED((N2, HIDDEN), jnp.float32),
            pltpu.VMEM_SHARED((N2, HIDDEN), jnp.float32),
            pltpu.VMEM((RPT, HIDDEN), jnp.float32),
            pltpu.VMEM((K,), jnp.int32),
            pltpu.VMEM((K,), jnp.int32),
            pltpu.VMEM((K, HIDDEN), jnp.float32),
            pltpu.SemaphoreType.DMA,
            pltpu.VMEM((K,), jnp.int32),
            pltpu.VMEM((K,), jnp.int32),
            pltpu.VMEM((K, HIDDEN), jnp.float32),
            pltpu.SemaphoreType.DMA,
        ],
    )
    def prop_kernel(y_hbm, row_hbm, col_hbm, out_hbm, y_sp, acc_sp, stage,
                    ridx0, cidx0, msg0, sem0, ridx1, cidx1, msg1, sem1):
        cid = lax.axis_index("c")
        sid = lax.axis_index("s")
        wid = sid * NC + cid
        nsl = pl.ds(sid * RPT, RPT)
        lanes = pl.ds(0, HIDDEN)

        pltpu.sync_copy(y_hbm.at[nsl, lanes], stage)
        pltpu.sync_copy(stage, y_sp.at[nsl])
        pltpu.sync_copy(stage, acc_sp.at[nsl])
        plsc.subcore_barrier()

        base = wid * EPW
        bufs = ((ridx0, cidx0, msg0, sem0), (ridx1, cidx1, msg1, sem1))

        def start(i, b):
            ridx, cidx, msg, sem = bufs[b]
            pltpu.sync_copy(row_hbm.at[pl.ds(base + i * K, K)], ridx)
            pltpu.sync_copy(col_hbm.at[pl.ds(base + i * K, K)], cidx)
            return pltpu.async_copy(y_sp.at[ridx], msg, sem)

        d = start(0, 0)
        for i in range(NB):
            b = i % 2
            d.wait()
            if i + 1 < NB:
                d = start(i + 1, (i + 1) % 2)
            pltpu.sync_copy(bufs[b][2], acc_sp.at[bufs[b][1]], add=True)

        plsc.subcore_barrier()
        pltpu.sync_copy(acc_sp.at[nsl], out_hbm.at[cid, nsl, lanes])

    return prop_kernel(y_pad, row, col)


def _row128(i):
    return (i, 0)


def _prep1(x, W1, W2, hist):

    def body(x_ref, w1_ref, w2_ref, h0_ref, h1_ref, y_ref, dmat_ref, w2x_ref):
        deg = h0_ref[0] + h1_ref[0] + 1.0
        dis = lax.rsqrt(deg)
        xw = jnp.dot(x_ref[...], w1_ref[...], preferred_element_type=jnp.float32)
        y = xw * dis[:, :HIDDEN]
        y_ref[...] = jnp.concatenate(
            [y, jnp.zeros((BLK, 128 - HIDDEN), jnp.float32)], axis=1
        )
        dmat_ref[...] = dis

        @pl.when(pl.program_id(0) == 0)
        def _():
            w2x_ref[...] = jnp.zeros((128, 128), jnp.float32)
            w2x_ref[0:HIDDEN, 0:NUM_CLASSES] = w2_ref[...]

    return pl.pallas_call(
        body,
        grid=(N // BLK,),
        in_specs=[
            pl.BlockSpec((BLK, D_FEAT), _row128),
            pl.BlockSpec((D_FEAT, HIDDEN), lambda i: (0, 0)),
            pl.BlockSpec((HIDDEN, NUM_CLASSES), lambda i: (0, 0)),
            pl.BlockSpec((1, BLK, 128), lambda i: (0, i, 0)),
            pl.BlockSpec((1, BLK, 128), lambda i: (1, i, 0)),
        ],
        out_specs=[
            pl.BlockSpec((BLK, 128), _row128),
            pl.BlockSpec((BLK, 128), _row128),
            pl.BlockSpec((128, 128), lambda i: (0, 0)),
        ],
        out_shape=[
            jax.ShapeDtypeStruct((N2, 128), jnp.float32),
            jax.ShapeDtypeStruct((N2, 128), jnp.float32),
            jax.ShapeDtypeStruct((128, 128), jnp.float32),
        ],
    )(x, W1, W2, hist, hist)


def _mid(acc, y1, dmat, b1p, w2x):

    def body(a0_ref, a1_ref, y_ref, d_ref, b_ref, w_ref, y2_ref):
        lane = lax.broadcasted_iota(jnp.int32, (BLK, 128), 1)
        h = d_ref[...] * (a0_ref[0] + a1_ref[0] - y_ref[...]) + b_ref[...]
        h = jnp.maximum(h, 0.0)
        h = jnp.where(lane < HIDDEN, h, 0.0)
        y2_ref[...] = (
            jnp.dot(h, w_ref[...], preferred_element_type=jnp.float32) * d_ref[...]
        )

    return pl.pallas_call(
        body,
        grid=(N // BLK,),
        in_specs=[
            pl.BlockSpec((1, BLK, 128), lambda i: (0, i, 0)),
            pl.BlockSpec((1, BLK, 128), lambda i: (1, i, 0)),
            pl.BlockSpec((BLK, 128), _row128),
            pl.BlockSpec((BLK, 128), _row128),
            pl.BlockSpec((1, 128), lambda i: (0, 0)),
            pl.BlockSpec((128, 128), lambda i: (0, 0)),
        ],
        out_specs=pl.BlockSpec((BLK, 128), _row128),
        out_shape=jax.ShapeDtypeStruct((N2, 128), jnp.float32),
    )(acc, acc, y1, dmat, b1p, w2x)


def _final(acc, y2, dmat, b2p):

    def body(a0_ref, a1_ref, y_ref, d_ref, b_ref, o_ref):
        o = d_ref[...] * (a0_ref[0] + a1_ref[0] - y_ref[...])
        o10 = o[:, :NUM_CLASSES] + b_ref[...][:, :NUM_CLASSES]
        m = jnp.max(o10, axis=1, keepdims=True)
        z = o10 - m
        lse = jnp.log(jnp.sum(jnp.exp(z), axis=1, keepdims=True))
        o_ref[...] = z - lse

    return pl.pallas_call(
        body,
        grid=(N // BLK,),
        in_specs=[
            pl.BlockSpec((1, BLK, 128), lambda i: (0, i, 0)),
            pl.BlockSpec((1, BLK, 128), lambda i: (1, i, 0)),
            pl.BlockSpec((BLK, 128), _row128),
            pl.BlockSpec((BLK, 128), _row128),
            pl.BlockSpec((1, 128), lambda i: (0, 0)),
        ],
        out_specs=pl.BlockSpec((BLK, NUM_CLASSES), _row128),
        out_shape=jax.ShapeDtypeStruct((N, NUM_CLASSES), jnp.float32),
    )(acc, acc, y2, dmat, b2p)


def kernel(x, edge_index, W1, b1, W2, b2):
    row = edge_index[0]
    col = edge_index[1]
    b1p = jnp.pad(b1, (0, 128 - HIDDEN)).reshape(1, 128)
    b2p = jnp.pad(b2, (0, 128 - NUM_CLASSES)).reshape(1, 128)

    hist = _degree(col)
    y1, dmat, w2x = _prep1(x, W1, W2, hist)
    acc = _propagate(y1, row, col)
    y2 = _mid(acc, y1, dmat, b1p, w2x)
    acc2 = _propagate(y2, row, col)
    return _final(acc2, y2, dmat, b2p)

# --- scband reference (transcript-rebuilt; emitter-appended) ---
"""Pipeline reference for scband-net-58969900974604 (READ-ONLY COPY).

The authoritative reference and input builder live on the scoring server;
editing this copy changes nothing except your own understanding.
"""

import jax, jax.numpy as jnp
import numpy as np

N = 10000
E = 320000
D_FEAT = 128
HIDDEN = 16
NUM_CLASSES = 10


def gcn_conv(x, edge_index, W, b):
    # Faithful to PyG GCNConv: linear transform, add self-loops,
    # symmetric normalization D^{-1/2} (A+I) D^{-1/2}, scatter-add, bias.
    num_nodes = x.shape[0]
    loops = jnp.arange(num_nodes, dtype=edge_index.dtype)
    row = jnp.concatenate([edge_index[0], loops])  # src
    col = jnp.concatenate([edge_index[1], loops])  # dst
    xw = x @ W
    ones = jnp.ones(col.shape[0], dtype=xw.dtype)
    deg = jax.ops.segment_sum(ones, col, num_segments=num_nodes)
    deg_inv_sqrt = jnp.where(deg > 0, 1.0 / jnp.sqrt(deg), 0.0)
    norm = deg_inv_sqrt[row] * deg_inv_sqrt[col]
    msg = xw[row] * norm[:, None]
    out = jax.ops.segment_sum(msg, col, num_segments=num_nodes)
    return out + b


def setup_inputs(seed: int = 0) -> dict:
    key = jax.random.key(seed)
    k1, k2, k3, k4 = jax.random.split(key, 4)
    x = jax.random.normal(k1, (N, D_FEAT), dtype=jnp.float32)
    edge_index = jax.random.randint(k2, (2, E), 0, N, dtype=jnp.int32)
    W1 = jax.random.normal(k3, (D_FEAT, HIDDEN), dtype=jnp.float32) * (1.0 / np.sqrt(D_FEAT))
    b1 = jnp.zeros((HIDDEN,), dtype=jnp.float32)
    W2 = jax.random.normal(k4, (HIDDEN, NUM_CLASSES), dtype=jnp.float32) * (1.0 / np.sqrt(HIDDEN))
    b2 = jnp.zeros((NUM_CLASSES,), dtype=jnp.float32)
    return {"x": x, "edge_index": edge_index, "W1": W1, "b1": b1, "W2": W2, "b2": b2}


def reference(x, edge_index, W1, b1, W2, b2):
    h = jax.nn.relu(gcn_conv(x, edge_index, W1, b1))
    # dropout is identity in eval mode (training=False)
    h = gcn_conv(h, edge_index, W2, b2)
    return jax.nn.log_softmax(h, axis=1)

if __name__ == "__main__":
    import jax
    _d = setup_inputs()
    print(jax.jit(kernel)(*tuple(_d.values())))

</pallas_src>

<mosaic_0001>
#map = affine_map<(d0, d1) -> (0)>
#map1 = affine_map<(d0, d1) -> (0, 0, 0)>
module attributes {stable_mosaic.version = 14 : i64} {
  func.func @deg_kernel(%arg0: i32, %arg1: i32, %arg2: memref<320000xi32, #tpu.memory_space<hbm>>, %arg3: memref<2x10240x128xf32, #tpu.memory_space<hbm>>, %arg4: memref<10240xf32, #tpu.memory_space<vmem_shared>>, %arg5: memref<640xf32, #tpu.memory_space<vmem>>, %arg6: memref<640x16xf32, #tpu.memory_space<vmem>>, %arg7: memref<2000xi32, #tpu.memory_space<vmem>>, %arg8: memref<2000xi32, #tpu.memory_space<vmem>>, %arg9: memref<!tpu.dma_semaphore, #tpu.memory_space<semaphore_mem>>, %arg10: memref<!tpu.dma_semaphore, #tpu.memory_space<semaphore_mem>>, %arg11: memref<2000xf32, #tpu.memory_space<vmem>>) attributes {dimension_semantics = [#tpu.dimension_semantics<core_parallel>, #tpu.dimension_semantics<subcore_parallel>], iteration_bounds = array<i64: 2, 16>, scalar_prefetch = 0 : i64, scratch_operands = 8 : i64, tpu.core_type = #tpu.core_type<sc_vector_subcore>, window_params = [{transform_indices = #map}, {transform_indices = #map1}]} {
    %mul3A = arith.constant 2 : i32
    %mul3A_0 = arith.muli %arg1, %mul3A : i32
    %add3A = arith.addi %mul3A_0, %arg0 : i32
    %mul3A_1 = arith.constant 640 : i32
    %mul3A_2 = arith.muli %arg1, %mul3A_1 : i32
    %scan3A = arith.constant 0 : i32
    %scan3A_3 = arith.constant 0 : i32
    %scan3A_4 = arith.constant 40 : i32
    %scan3A_5 = arith.addi %scan3A_3, %scan3A_4 : i32
    %scan3A_6 = arith.constant 1 : i32
    %scan3A_7 = scf.for %scan3A_54 = %scan3A_3 to %scan3A_5 step %scan3A_6 iter_args(%scan3A_55 = %scan3A) -> (i32)  : i32 {
      %broadcast_in_dim3A = arith.constant 0.000000e+00 : f32
      %broadcast_in_dim3A_56 = vector.broadcast %broadcast_in_dim3A : f32 to vector<16xf32>
      %mul3A_57 = arith.constant 16 : i32
      %mul3A_58 = arith.muli %scan3A_54, %mul3A_57 : i32
      %swap3A = arith.index_cast %mul3A_58 : i32 to index
      %swap3A_59 = tpu.vector_load %arg5[%swap3A] {strides = array<i32>} : memref<640xf32, #tpu.memory_space<vmem>>, vector<16xf32>,
      %swap3A_60 = vector.shape_cast %swap3A_59 : vector<16xf32> to vector<16xf32>
      %swap3A_61 = vector.shape_cast %broadcast_in_dim3A_56 : vector<16xf32> to vector<16xf32>
      tpu.vector_store %arg5[%swap3A], %swap3A_61 {strides = array<i32>} : memref<640xf32, #tpu.memory_space<vmem>>, vector<16xf32>,
      %scan3A_62 = arith.constant 0 : i32
      scf.yield %scan3A_62 : i32
    }
    %scan3A_8 = arith.constant 40 : i32
    %scan3A_9 = arith.constant 0 : i32
    %scan3A_10 = arith.constant 0 : i32
    %scan3A_11 = arith.constant 125 : i32
    %scan3A_12 = arith.addi %scan3A_10, %scan3A_11 : i32
    %scan3A_13 = arith.constant 1 : i32
    %scan3A_14 = scf.for %scan3A_54 = %scan3A_10 to %scan3A_12 step %scan3A_13 iter_args(%scan3A_55 = %scan3A_9) -> (i32)  : i32 {
      %broadcast_in_dim3A = arith.constant 1.000000e+00 : f32
      %broadcast_in_dim3A_56 = vector.broadcast %broadcast_in_dim3A : f32 to vector<16xf32>
      %mul3A_57 = arith.constant 16 : i32
      %mul3A_58 = arith.muli %scan3A_54, %mul3A_57 : i32
      %swap3A = arith.index_cast %mul3A_58 : i32 to index
      %swap3A_59 = tpu.vector_load %arg11[%swap3A] {strides = array<i32>} : memref<2000xf32, #tpu.memory_space<vmem>>, vector<16xf32>,
      %swap3A_60 = vector.shape_cast %swap3A_59 : vector<16xf32> to vector<16xf32>
      %swap3A_61 = vector.shape_cast %broadcast_in_dim3A_56 : vector<16xf32> to vector<16xf32>
      tpu.vector_store %arg11[%swap3A], %swap3A_61 {strides = array<i32>} : memref<2000xf32, #tpu.memory_space<vmem>>, vector<16xf32>,
      %scan3A_62 = arith.constant 0 : i32
      scf.yield %scan3A_62 : i32
    }
    %scan3A_15 = arith.constant 125 : i32
    "tpu.region"() ({
      %run_scoped3A = tpu.sem_alloc : memref<!tpu.dma_semaphore, #tpu.memory_space<semaphore_mem>>
      %dma_start3A_54 = tpu.memref_slice %arg4[%mul3A_2] : memref<10240xf32, #tpu.memory_space<vmem_shared>> -> memref<640xf32, #tpu.memory_space<vmem_shared>>
      %dma_start3A_55 = tpu.memref_slice %arg4[%mul3A_2] : memref<10240xf32, #tpu.memory_space<vmem_shared>> -> memref<640xf32, #tpu.memory_space<vmem_shared>>
      tpu.enqueue_dma source(%arg5 : memref<640xf32, #tpu.memory_space<vmem>>) target(%dma_start3A_55 : memref<640xf32, #tpu.memory_space<vmem_shared>>) target_semaphore(%run_scoped3A : memref<!tpu.dma_semaphore, #tpu.memory_space<semaphore_mem>>)
      %dma_wait3A_56 = tpu.memref_slice %arg4[%mul3A_2] : memref<10240xf32, #tpu.memory_space<vmem_shared>> -> memref<640xf32, #tpu.memory_space<vmem_shared>>
      %dma_wait3A_57 = tpu.memref_slice %arg4[%mul3A_2] : memref<10240xf32, #tpu.memory_space<vmem_shared>> -> memref<640xf32, #tpu.memory_space<vmem_shared>>
      tpu.wait_dma2 semaphore(%run_scoped3A : memref<!tpu.dma_semaphore, #tpu.memory_space<semaphore_mem>>) src(%arg5 : memref<640xf32, #tpu.memory_space<vmem>>) dst(%dma_wait3A_57 : memref<640xf32, #tpu.memory_space<vmem_shared>>)
      tpu.yield
    }) : () -> ()
    %barrier3A = arith.constant 0 : index
    tpu.barrier barrier_id(%barrier3A)
    %mul3A_16 = arith.constant 10000 : i32
    %mul3A_17 = arith.muli %add3A, %mul3A_16 : i32
    %add3A_18 = arith.constant 0 : i32
    %add3A_19 = arith.addi %mul3A_17, %add3A_18 : i32
    %dma_start3A = tpu.memref_slice %arg2[%add3A_19] : memref<320000xi32, #tpu.memory_space<hbm>> -> memref<2000xi32, #tpu.memory_space<hbm>>
    %dma_start3A_20 = tpu.memref_slice %arg2[%add3A_19] : memref<320000xi32, #tpu.memory_space<hbm>> -> memref<2000xi32, #tpu.memory_space<hbm>>
    tpu.enqueue_dma source(%dma_start3A_20 : memref<2000xi32, #tpu.memory_space<hbm>>) target(%arg7 : memref<2000xi32, #tpu.memory_space<vmem>>) target_semaphore(%arg9 : memref<!tpu.dma_semaphore, #tpu.memory_space<semaphore_mem>>)
    %dma_wait3A = tpu.memref_slice %arg2[%add3A_19] : memref<320000xi32, #tpu.memory_space<hbm>> -> memref<2000xi32, #tpu.memory_space<hbm>>
    %dma_wait3A_21 = tpu.memref_slice %arg2[%add3A_19] : memref<320000xi32, #tpu.memory_space<hbm>> -> memref<2000xi32, #tpu.memory_space<hbm>>
    tpu.wait_dma2 semaphore(%arg9 : memref<!tpu.dma_semaphore, #tpu.memory_space<semaphore_mem>>) src(%dma_wait3A_21 : memref<2000xi32, #tpu.memory_space<hbm>>) dst(%arg7 : memref<2000xi32, #tpu.memory_space<vmem>>)
    %add3A_22 = arith.constant 2000 : i32
    %add3A_23 = arith.addi %mul3A_17, %add3A_22 : i32
    %dma_start3A_24 = tpu.memref_slice %arg2[%add3A_23] : memref<320000xi32, #tpu.memory_space<hbm>> -> memref<2000xi32, #tpu.memory_space<hbm>>
    %dma_start3A_25 = tpu.memref_slice %arg2[%add3A_23] : memref<320000xi32, #tpu.memory_space<hbm>> -> memref<2000xi32, #tpu.memory_space<hbm>>
    tpu.enqueue_dma source(%dma_start3A_25 : memref<2000xi32, #tpu.memory_space<hbm>>) target(%arg8 : memref<2000xi32, #tpu.memory_space<vmem>>) target_semaphore(%arg10 : memref<!tpu.dma_semaphore, #tpu.memory_space<semaphore_mem>>)
    "tpu.region"() ({
      %run_scoped3A = tpu.sem_alloc : memref<!tpu.dma_semaphore, #tpu.memory_space<semaphore_mem>>
      %dma_start3A_54 = arith.constant 0 : i32
      %dma_start3A_55 = tpu.memref_slice %arg4[%dma_start3A_54] : memref<10240xf32, #tpu.memory_space<vmem_shared>> -> memref<10240xf32, #tpu.memory_space<vmem_shared>>
      tpu.enqueue_indirect_dma source(%arg11 : memref<2000xf32, #tpu.memory_space<vmem>>) target(%dma_start3A_55 : memref<10240xf32, #tpu.memory_space<vmem_shared>>) offsets(%arg7 : memref<2000xi32, #tpu.memory_space<vmem>>) semaphore(%run_scoped3A : memref<!tpu.dma_semaphore, #tpu.memory_space<semaphore_mem>>) {add = true}
      %dma_wait3A_56 = arith.constant 0 : i32
      %dma_wait3A_57 = tpu.memref_slice %arg4[%dma_wait3A_56] : memref<10240xf32, #tpu.memory_space<vmem_shared>> -> memref<10240xf32, #tpu.memory_space<vmem_shared>>
      tpu.wait_indirect_dma semaphore(%run_scoped3A : memref<!tpu.dma_semaphore, #tpu.memory_space<semaphore_mem>>) src(%arg11 : memref<2000xf32, #tpu.memory_space<vmem>>) dst(%dma_wait3A_57 : memref<10240xf32, #tpu.memory_space<vmem_shared>>)
      tpu.yield
    }) : () -> ()
    %dma_wait3A_26 = tpu.memref_slice %arg2[%add3A_23] : memref<320000xi32, #tpu.memory_space<hbm>> -> memref<2000xi32, #tpu.memory_space<hbm>>
    %dma_wait3A_27 = tpu.memref_slice %arg2[%add3A_23] : memref<320000xi32, #tpu.memory_space<hbm>> -> memref<2000xi32, #tpu.memory_space<hbm>>
    tpu.wait_dma2 semaphore(%arg10 : memref<!tpu.dma_semaphore, #tpu.memory_space<semaphore_mem>>) src(%dma_wait3A_27 : memref<2000xi32, #tpu.memory_space<hbm>>) dst(%arg8 : memref<2000xi32, #tpu.memory_space<vmem>>)
    %add3A_28 = arith.constant 4000 : i32
    %add3A_29 = arith.addi %mul3A_17, %add3A_28 : i32
    %dma_start3A_30 = tpu.memref_slice %arg2[%add3A_29] : memref<320000xi32, #tpu.memory_space<hbm>> -> memref<2000xi32, #tpu.memory_space<hbm>>
    %dma_start3A_31 = tpu.memref_slice %arg2[%add3A_29] : memref<320000xi32, #tpu.memory_space<hbm>> -> memref<2000xi32, #tpu.memory_space<hbm>>
    tpu.enqueue_dma source(%dma_start3A_31 : memref<2000xi32, #tpu.memory_space<hbm>>) target(%arg7 : memref<2000xi32, #tpu.memory_space<vmem>>) target_semaphore(%arg9 : memref<!tpu.dma_semaphore, #tpu.memory_space<semaphore_mem>>)
    "tpu.region"() ({
      %run_scoped3A = tpu.sem_alloc : memref<!tpu.dma_semaphore, #tpu.memory_space<semaphore_mem>>
      %dma_start3A_54 = arith.constant 0 : i32
      %dma_start3A_55 = tpu.memref_slice %arg4[%dma_start3A_54] : memref<10240xf32, #tpu.memory_space<vmem_shared>> -> memref<10240xf32, #tpu.memory_space<vmem_shared>>
      tpu.enqueue_indirect_dma source(%arg11 : memref<2000xf32, #tpu.memory_space<vmem>>) target(%dma_start3A_55 : memref<10240xf32, #tpu.memory_space<vmem_shared>>) offsets(%arg8 : memref<2000xi32, #tpu.memory_space<vmem>>) semaphore(%run_scoped3A : memref<!tpu.dma_semaphore, #tpu.memory_space<semaphore_mem>>) {add = true}
      %dma_wait3A_56 = arith.constant 0 : i32
      %dma_wait3A_57 = tpu.memref_slice %arg4[%dma_wait3A_56] : memref<10240xf32, #tpu.memory_space<vmem_shared>> -> memref<10240xf32, #tpu.memory_space<vmem_shared>>
      tpu.wait_indirect_dma semaphore(%run_scoped3A : memref<!tpu.dma_semaphore, #tpu.memory_space<semaphore_mem>>) src(%arg11 : memref<2000xf32, #tpu.memory_space<vmem>>) dst(%dma_wait3A_57 : memref<10240xf32, #tpu.memory_space<vmem_shared>>)
      tpu.yield
    }) : () -> ()
    %dma_wait3A_32 = tpu.memref_slice %arg2[%add3A_29] : memref<320000xi32, #tpu.memory_space<hbm>> -> memref<2000xi32, #tpu.memory_space<hbm>>
    %dma_wait3A_33 = tpu.memref_slice %arg2[%add3A_29] : memref<320000xi32, #tpu.memory_space<hbm>> -> memref<2000xi32, #tpu.memory_space<hbm>>
    tpu.wait_dma2 semaphore(%arg9 : memref<!tpu.dma_semaphore, #tpu.memory_space<semaphore_mem>>) src(%dma_wait3A_33 : memref<2000xi32, #tpu.memory_space<hbm>>) dst(%arg7 : memref<2000xi32, #tpu.memory_space<vmem>>)
    %add3A_34 = arith.constant 6000 : i32
    %add3A_35 = arith.addi %mul3A_17, %add3A_34 : i32
    %dma_start3A_36 = tpu.memref_slice %arg2[%add3A_35] : memref<320000xi32, #tpu.memory_space<hbm>> -> memref<2000xi32, #tpu.memory_space<hbm>>
    %dma_start3A_37 = tpu.memref_slice %arg2[%add3A_35] : memref<320000xi32, #tpu.memory_space<hbm>> -> memref<2000xi32, #tpu.memory_space<hbm>>
    tpu.enqueue_dma source(%dma_start3A_37 : memref<2000xi32, #tpu.memory_space<hbm>>) target(%arg8 : memref<2000xi32, #tpu.memory_space<vmem>>) target_semaphore(%arg10 : memref<!tpu.dma_semaphore, #tpu.memory_space<semaphore_mem>>)
    "tpu.region"() ({
      %run_scoped3A = tpu.sem_alloc : memref<!tpu.dma_semaphore, #tpu.memory_space<semaphore_mem>>
      %dma_start3A_54 = arith.constant 0 : i32
      %dma_start3A_55 = tpu.memref_slice %arg4[%dma_start3A_54] : memref<10240xf32, #tpu.memory_space<vmem_shared>> -> memref<10240xf32, #tpu.memory_space<vmem_shared>>
      tpu.enqueue_indirect_dma source(%arg11 : memref<2000xf32, #tpu.memory_space<vmem>>) target(%dma_start3A_55 : memref<10240xf32, #tpu.memory_space<vmem_shared>>) offsets(%arg7 : memref<2000xi32, #tpu.memory_space<vmem>>) semaphore(%run_scoped3A : memref<!tpu.dma_semaphore, #tpu.memory_space<semaphore_mem>>) {add = true}
      %dma_wait3A_56 = arith.constant 0 : i32
      %dma_wait3A_57 = tpu.memref_slice %arg4[%dma_wait3A_56] : memref<10240xf32, #tpu.memory_space<vmem_shared>> -> memref<10240xf32, #tpu.memory_space<vmem_shared>>
      tpu.wait_indirect_dma semaphore(%run_scoped3A : memref<!tpu.dma_semaphore, #tpu.memory_space<semaphore_mem>>) src(%arg11 : memref<2000xf32, #tpu.memory_space<vmem>>) dst(%dma_wait3A_57 : memref<10240xf32, #tpu.memory_space<vmem_shared>>)
      tpu.yield
    }) : () -> ()
    %dma_wait3A_38 = tpu.memref_slice %arg2[%add3A_35] : memref<320000xi32, #tpu.memory_space<hbm>> -> memref<2000xi32, #tpu.memory_space<hbm>>
    %dma_wait3A_39 = tpu.memref_slice %arg2[%add3A_35] : memref<320000xi32, #tpu.memory_space<hbm>> -> memref<2000xi32, #tpu.memory_space<hbm>>
    tpu.wait_dma2 semaphore(%arg10 : memref<!tpu.dma_semaphore, #tpu.memory_space<semaphore_mem>>) src(%dma_wait3A_39 : memref<2000xi32, #tpu.memory_space<hbm>>) dst(%arg8 : memref<2000xi32, #tpu.memory_space<vmem>>)
    %add3A_40 = arith.constant 8000 : i32
    %add3A_41 = arith.addi %mul3A_17, %add3A_40 : i32
    %dma_start3A_42 = tpu.memref_slice %arg2[%add3A_41] : memref<320000xi32, #tpu.memory_space<hbm>> -> memref<2000xi32, #tpu.memory_space<hbm>>
    %dma_start3A_43 = tpu.memref_slice %arg2[%add3A_41] : memref<320000xi32, #tpu.memory_space<hbm>> -> memref<2000xi32, #tpu.memory_space<hbm>>
    tpu.enqueue_dma source(%dma_start3A_43 : memref<2000xi32, #tpu.memory_space<hbm>>) target(%arg7 : memref<2000xi32, #tpu.memory_space<vmem>>) target_semaphore(%arg9 : memref<!tpu.dma_semaphore, #tpu.memory_space<semaphore_mem>>)
    "tpu.region"() ({
      %run_scoped3A = tpu.sem_alloc : memref<!tpu.dma_semaphore, #tpu.memory_space<semaphore_mem>>
      %dma_start3A_54 = arith.constant 0 : i32
      %dma_start3A_55 = tpu.memref_slice %arg4[%dma_start3A_54] : memref<10240xf32, #tpu.memory_space<vmem_shared>> -> memref<10240xf32, #tpu.memory_space<vmem_shared>>
      tpu.enqueue_indirect_dma source(%arg11 : memref<2000xf32, #tpu.memory_space<vmem>>) target(%dma_start3A_55 : memref<10240xf32, #tpu.memory_space<vmem_shared>>) offsets(%arg8 : memref<2000xi32, #tpu.memory_space<vmem>>) semaphore(%run_scoped3A : memref<!tpu.dma_semaphore, #tpu.memory_space<semaphore_mem>>) {add = true}
      %dma_wait3A_56 = arith.constant 0 : i32
      %dma_wait3A_57 = tpu.memref_slice %arg4[%dma_wait3A_56] : memref<10240xf32, #tpu.memory_space<vmem_shared>> -> memref<10240xf32, #tpu.memory_space<vmem_shared>>
      tpu.wait_indirect_dma semaphore(%run_scoped3A : memref<!tpu.dma_semaphore, #tpu.memory_space<semaphore_mem>>) src(%arg11 : memref<2000xf32, #tpu.memory_space<vmem>>) dst(%dma_wait3A_57 : memref<10240xf32, #tpu.memory_space<vmem_shared>>)
      tpu.yield
    }) : () -> ()
    %dma_wait3A_44 = tpu.memref_slice %arg2[%add3A_41] : memref<320000xi32, #tpu.memory_space<hbm>> -> memref<2000xi32, #tpu.memory_space<hbm>>
    %dma_wait3A_45 = tpu.memref_slice %arg2[%add3A_41] : memref<320000xi32, #tpu.memory_space<hbm>> -> memref<2000xi32, #tpu.memory_space<hbm>>
    tpu.wait_dma2 semaphore(%arg9 : memref<!tpu.dma_semaphore, #tpu.memory_space<semaphore_mem>>) src(%dma_wait3A_45 : memref<2000xi32, #tpu.memory_space<hbm>>) dst(%arg7 : memref<2000xi32, #tpu.memory_space<vmem>>)
    "tpu.region"() ({
      %run_scoped3A = tpu.sem_alloc : memref<!tpu.dma_semaphore, #tpu.memory_space<semaphore_mem>>
      %dma_start3A_54 = arith.constant 0 : i32
      %dma_start3A_55 = tpu.memref_slice %arg4[%dma_start3A_54] : memref<10240xf32, #tpu.memory_space<vmem_shared>> -> memref<10240xf32, #tpu.memory_space<vmem_shared>>
      tpu.enqueue_indirect_dma source(%arg11 : memref<2000xf32, #tpu.memory_space<vmem>>) target(%dma_start3A_55 : memref<10240xf32, #tpu.memory_space<vmem_shared>>) offsets(%arg7 : memref<2000xi32, #tpu.memory_space<vmem>>) semaphore(%run_scoped3A : memref<!tpu.dma_semaphore, #tpu.memory_space<semaphore_mem>>) {add = true}
      %dma_wait3A_56 = arith.constant 0 : i32
      %dma_wait3A_57 = tpu.memref_slice %arg4[%dma_wait3A_56] : memref<10240xf32, #tpu.memory_space<vmem_shared>> -> memref<10240xf32, #tpu.memory_space<vmem_shared>>
      tpu.wait_indirect_dma semaphore(%run_scoped3A : memref<!tpu.dma_semaphore, #tpu.memory_space<semaphore_mem>>) src(%arg11 : memref<2000xf32, #tpu.memory_space<vmem>>) dst(%dma_wait3A_57 : memref<10240xf32, #tpu.memory_space<vmem_shared>>)
      tpu.yield
    }) : () -> ()
    %barrier3A_46 = arith.constant 0 : index
    tpu.barrier barrier_id(%barrier3A_46)
    "tpu.region"() ({
      %run_scoped3A = tpu.sem_alloc : memref<!tpu.dma_semaphore, #tpu.memory_space<semaphore_mem>>
      %dma_start3A_54 = tpu.memref_slice %arg4[%mul3A_2] : memref<10240xf32, #tpu.memory_space<vmem_shared>> -> memref<640xf32, #tpu.memory_space<vmem_shared>>
      %dma_start3A_55 = tpu.memref_slice %arg4[%mul3A_2] : memref<10240xf32, #tpu.memory_space<vmem_shared>> -> memref<640xf32, #tpu.memory_space<vmem_shared>>
      tpu.enqueue_dma source(%dma_start3A_55 : memref<640xf32, #tpu.memory_space<vmem_shared>>) target(%arg5 : memref<640xf32, #tpu.memory_space<vmem>>) target_semaphore(%run_scoped3A : memref<!tpu.dma_semaphore, #tpu.memory_space<semaphore_mem>>)
      %dma_wait3A_56 = tpu.memref_slice %arg4[%mul3A_2] : memref<10240xf32, #tpu.memory_space<vmem_shared>> -> memref<640xf32, #tpu.memory_space<vmem_shared>>
      %dma_wait3A_57 = tpu.memref_slice %arg4[%mul3A_2] : memref<10240xf32, #tpu.memory_space<vmem_shared>> -> memref<640xf32, #tpu.memory_space<vmem_shared>>
      tpu.wait_dma2 semaphore(%run_scoped3A : memref<!tpu.dma_semaphore, #tpu.memory_space<semaphore_mem>>) src(%dma_wait3A_57 : memref<640xf32, #tpu.memory_space<vmem_shared>>) dst(%arg5 : memref<640xf32, #tpu.memory_space<vmem>>)
      tpu.yield
    }) : () -> ()
    %scan3A_47 = arith.constant 0 : i32
    %scan3A_48 = arith.constant 0 : i32
    %scan3A_49 = arith.constant 40 : i32
    %scan3A_50 = arith.addi %scan3A_48, %scan3A_49 : i32
    %scan3A_51 = arith.constant 1 : i32
    %scan3A_52 = scf.for %scan3A_54 = %scan3A_48 to %scan3A_50 step %scan3A_51 iter_args(%scan3A_55 = %scan3A_47) -> (i32)  : i32 {
      %mul3A_56 = arith.constant 16 : i32
      %mul3A_57 = arith.muli %scan3A_54, %mul3A_56 : i32
      %get3A = arith.index_cast %mul3A_57 : i32 to index
      %get3A_58 = tpu.vector_load %arg5[%get3A] {strides = array<i32>} : memref<640xf32, #tpu.memory_space<vmem>>, vector<16xf32>,
      %get3A_59 = vector.shape_cast %get3A_58 : vector<16xf32> to vector<16xf32>
      %slice3A = vector.extract_strided_slice %get3A_59 {offsets = [0], sizes = [1], strides = [1]} : vector<16xf32> to vector<1xf32>
      %squeeze3A = vector.extract %slice3A[0] : f32 from vector<1xf32>
      %broadcast_in_dim3A = vector.broadcast %squeeze3A : f32 to vector<16xf32>
      %mul3A_60 = arith.constant 16 : i32
      %mul3A_61 = arith.muli %scan3A_54, %mul3A_60 : i32
      %add3A_62 = arith.constant 0 : i32
      %add3A_63 = arith.addi %mul3A_61, %add3A_62 : i32
      %swap3A = arith.index_cast %add3A_63 : i32 to index
      %swap3A_64 = arith.constant 0 : index
      %swap3A_65 = tpu.vector_load %arg6[%swap3A, %swap3A_64] {strides = array<i32>} : memref<640x16xf32, #tpu.memory_space<vmem>>, vector<1x16xf32>,
      %swap3A_66 = vector.shape_cast %swap3A_65 : vector<1x16xf32> to vector<16xf32>
      %swap3A_67 = vector.shape_cast %broadcast_in_dim3A : vector<16xf32> to vector<1x16xf32>
      tpu.vector_store %arg6[%swap3A, %swap3A_64], %swap3A_67 {strides = array<i32>} : memref<640x16xf32, #tpu.memory_space<vmem>>, vector<1x16xf32>,
      %slice3A_68 = vector.extract_strided_slice %get3A_59 {offsets = [1], sizes = [1], strides = [1]} : vector<16xf32> to vector<1xf32>
      %squeeze3A_69 = vector.extract %slice3A_68[0] : f32 from vector<1xf32>
      %broadcast_in_dim3A_70 = vector.broadcast %squeeze3A_69 : f32 to vector<16xf32>
      %mul3A_71 = arith.constant 16 : i32
      %mul3A_72 = arith.muli %scan3A_54, %mul3A_71 : i32
      %add3A_73 = arith.constant 1 : i32
      %add3A_74 = arith.addi %mul3A_72, %add3A_73 : i32
      %swap3A_75 = arith.index_cast %add3A_74 : i32 to index
      %swap3A_76 = arith.constant 0 : index
      %swap3A_77 = tpu.vector_load %arg6[%swap3A_75, %swap3A_76] {strides = array<i32>} : memref<640x16xf32, #tpu.memory_space<vmem>>, vector<1x16xf32>,
      %swap3A_78 = vector.shape_cast %swap3A_77 : vector<1x16xf32> to vector<16xf32>
      %swap3A_79 = vector.shape_cast %broadcast_in_dim3A_70 : vector<16xf32> to vector<1x16xf32>
      tpu.vector_store %arg6[%swap3A_75, %swap3A_76], %swap3A_79 {strides = array<i32>} : memref<640x16xf32, #tpu.memory_space<vmem>>, vector<1x16xf32>,
      %slice3A_80 = vector.extract_strided_slice %get3A_59 {offsets = [2], sizes = [1], strides = [1]} : vector<16xf32> to vector<1xf32>
      %squeeze3A_81 = vector.extract %slice3A_80[0] : f32 from vector<1xf32>
      %broadcast_in_dim3A_82 = vector.broadcast %squeeze3A_81 : f32 to vector<16xf32>
      %mul3A_83 = arith.constant 16 : i32
      %mul3A_84 = arith.muli %scan3A_54, %mul3A_83 : i32
      %add3A_85 = arith.constant 2 : i32
      %add3A_86 = arith.addi %mul3A_84, %add3A_85 : i32
      %swap3A_87 = arith.index_cast %add3A_86 : i32 to index
      %swap3A_88 = arith.constant 0 : index
      %swap3A_89 = tpu.vector_load %arg6[%swap3A_87, %swap3A_88] {strides = array<i32>} : memref<640x16xf32, #tpu.memory_space<vmem>>, vector<1x16xf32>,
      %swap3A_90 = vector.shape_cast %swap3A_89 : vector<1x16xf32> to vector<16xf32>
      %swap3A_91 = vector.shape_cast %broadcast_in_dim3A_82 : vector<16xf32> to vector<1x16xf32>
      tpu.vector_store %arg6[%swap3A_87, %swap3A_88], %swap3A_91 {strides = array<i32>} : memref<640x16xf32, #tpu.memory_space<vmem>>, vector<1x16xf32>,
      %slice3A_92 = vector.extract_strided_slice %get3A_59 {offsets = [3], sizes = [1], strides = [1]} : vector<16xf32> to vector<1xf32>
      %squeeze3A_93 = vector.extract %slice3A_92[0] : f32 from vector<1xf32>
      %broadcast_in_dim3A_94 = vector.broadcast %squeeze3A_93 : f32 to vector<16xf32>
      %mul3A_95 = arith.constant 16 : i32
      %mul3A_96 = arith.muli %scan3A_54, %mul3A_95 : i32
      %add3A_97 = arith.constant 3 : i32
      %add3A_98 = arith.addi %mul3A_96, %add3A_97 : i32
      %swap3A_99 = arith.index_cast %add3A_98 : i32 to index
      %swap3A_100 = arith.constant 0 : index
      %swap3A_101 = tpu.vector_load %arg6[%swap3A_99, %swap3A_100] {strides = array<i32>} : memref<640x16xf32, #tpu.memory_space<vmem>>, vector<1x16xf32>,
      %swap3A_102 = vector.shape_cast %swap3A_101 : vector<1x16xf32> to vector<16xf32>
      %swap3A_103 = vector.shape_cast %broadcast_in_dim3A_94 : vector<16xf32> to vector<1x16xf32>
      tpu.vector_store %arg6[%swap3A_99, %swap3A_100], %swap3A_103 {strides = array<i32>} : memref<640x16xf32, #tpu.memory_space<vmem>>, vector<1x16xf32>,
      %slice3A_104 = vector.extract_strided_slice %get3A_59 {offsets = [4], sizes = [1], strides = [1]} : vector<16xf32> to vector<1xf32>
      %squeeze3A_105 = vector.extract %slice3A_104[0] : f32 from vector<1xf32>
      %broadcast_in_dim3A_106 = vector.broadcast %squeeze3A_105 : f32 to vector<16xf32>
      %mul3A_107 = arith.constant 16 : i32
      %mul3A_108 = arith.muli %scan3A_54, %mul3A_107 : i32
      %add3A_109 = arith.constant 4 : i32
      %add3A_110 = arith.addi %mul3A_108, %add3A_109 : i32
      %swap3A_111 = arith.index_cast %add3A_110 : i32 to index
      %swap3A_112 = arith.constant 0 : index
      %swap3A_113 = tpu.vector_load %arg6[%swap3A_111, %swap3A_112] {strides = array<i32>} : memref<640x16xf32, #tpu.memory_space<vmem>>, vector<1x16xf32>,
      %swap3A_114 = vector.shape_cast %swap3A_113 : vector<1x16xf32> to vector<16xf32>
      %swap3A_115 = vector.shape_cast %broadcast_in_dim3A_106 : vector<16xf32> to vector<1x16xf32>
      tpu.vector_store %arg6[%swap3A_111, %swap3A_112], %swap3A_115 {strides = array<i32>} : memref<640x16xf32, #tpu.memory_space<vmem>>, vector<1x16xf32>,
      %slice3A_116 = vector.extract_strided_slice %get3A_59 {offsets = [5], sizes = [1], strides = [1]} : vector<16xf32> to vector<1xf32>
      %squeeze3A_117 = vector.extract %slice3A_116[0] : f32 from vector<1xf32>
      %broadcast_in_dim3A_118 = vector.broadcast %squeeze3A_117 : f32 to vector<16xf32>
      %mul3A_119 = arith.constant 16 : i32
      %mul3A_120 = arith.muli %scan3A_54, %mul3A_119 : i32
      %add3A_121 = arith.constant 5 : i32
      %add3A_122 = arith.addi %mul3A_120, %add3A_121 : i32
      %swap3A_123 = arith.index_cast %add3A_122 : i32 to index
      %swap3A_124 = arith.constant 0 : index
      %swap3A_125 = tpu.vector_load %arg6[%swap3A_123, %swap3A_124] {strides = array<i32>} : memref<640x16xf32, #tpu.memory_space<vmem>>, vector<1x16xf32>,
      %swap3A_126 = vector.shape_cast %swap3A_125 : vector<1x16xf32> to vector<16xf32>
      %swap3A_127 = vector.shape_cast %broadcast_in_dim3A_118 : vector<16xf32> to vector<1x16xf32>
      tpu.vector_store %arg6[%swap3A_123, %swap3A_124], %swap3A_127 {strides = array<i32>} : memref<640x16xf32, #tpu.memory_space<vmem>>, vector<1x16xf32>,
      %slice3A_128 = vector.extract_strided_slice %get3A_59 {offsets = [6], sizes = [1], strides = [1]} : vector<16xf32> to vector<1xf32>
      %squeeze3A_129 = vector.extract %slice3A_128[0] : f32 from vector<1xf32>
      %broadcast_in_dim3A_130 = vector.broadcast %squeeze3A_129 : f32 to vector<16xf32>
      %mul3A_131 = arith.constant 16 : i32
      %mul3A_132 = arith.muli %scan3A_54, %mul3A_131 : i32
      %add3A_133 = arith.constant 6 : i32
      %add3A_134 = arith.addi %mul3A_132, %add3A_133 : i32
      %swap3A_135 = arith.index_cast %add3A_134 : i32 to index
      %swap3A_136 = arith.constant 0 : index
      %swap3A_137 = tpu.vector_load %arg6[%swap3A_135, %swap3A_136] {strides = array<i32>} : memref<640x16xf32, #tpu.memory_space<vmem>>, vector<1x16xf32>,
      %swap3A_138 = vector.shape_cast %swap3A_137 : vector<1x16xf32> to vector<16xf32>
      %swap3A_139 = vector.shape_cast %broadcast_in_dim3A_130 : vector<16xf32> to vector<1x16xf32>
      tpu.vector_store %arg6[%swap3A_135, %swap3A_136], %swap3A_139 {strides = array<i32>} : memref<640x16xf32, #tpu.memory_space<vmem>>, vector<1x16xf32>,
      %slice3A_140 = vector.extract_strided_slice %get3A_59 {offsets = [7], sizes = [1], strides = [1]} : vector<16xf32> to vector<1xf32>
      %squeeze3A_141 = vector.extract %slice3A_140[0] : f32 from vector<1xf32>
      %broadcast_in_dim3A_142 = vector.broadcast %squeeze3A_141 : f32 to vector<16xf32>
      %mul3A_143 = arith.constant 16 : i32
      %mul3A_144 = arith.muli %scan3A_54, %mul3A_143 : i32
      %add3A_145 = arith.constant 7 : i32
      %add3A_146 = arith.addi %mul3A_144, %add3A_145 : i32
      %swap3A_147 = arith.index_cast %add3A_146 : i32 to index
      %swap3A_148 = arith.constant 0 : index
      %swap3A_149 = tpu.vector_load %arg6[%swap3A_147, %swap3A_148] {strides = array<i32>} : memref<640x16xf32, #tpu.memory_space<vmem>>, vector<1x16xf32>,
      %swap3A_150 = vector.shape_cast %swap3A_149 : vector<1x16xf32> to vector<16xf32>
      %swap3A_151 = vector.shape_cast %broadcast_in_dim3A_142 : vector<16xf32> to vector<1x16xf32>
      tpu.vector_store %arg6[%swap3A_147, %swap3A_148], %swap3A_151 {strides = array<i32>} : memref<640x16xf32, #tpu.memory_space<vmem>>, vector<1x16xf32>,
      %slice3A_152 = vector.extract_strided_slice %get3A_59 {offsets = [8], sizes = [1], strides = [1]} : vector<16xf32> to vector<1xf32>
      %squeeze3A_153 = vector.extract %slice3A_152[0] : f32 from vector<1xf32>
      %broadcast_in_dim3A_154 = vector.broadcast %squeeze3A_153 : f32 to vector<16xf32>
      %mul3A_155 = arith.constant 16 : i32
      %mul3A_156 = arith.muli %scan3A_54, %mul3A_155 : i32
      %add3A_157 = arith.constant 8 : i32
      %add3A_158 = arith.addi %mul3A_156, %add3A_157 : i32
      %swap3A_159 = arith.index_cast %add3A_158 : i32 to index
      %swap3A_160 = arith.constant 0 : index
      %swap3A_161 = tpu.vector_load %arg6[%swap3A_159, %swap3A_160] {strides = array<i32>} : memref<640x16xf32, #tpu.memory_space<vmem>>, vector<1x16xf32>,
      %swap3A_162 = vector.shape_cast %swap3A_161 : vector<1x16xf32> to vector<16xf32>
      %swap3A_163 = vector.shape_cast %broadcast_in_dim3A_154 : vector<16xf32> to vector<1x16xf32>
      tpu.vector_store %arg6[%swap3A_159, %swap3A_160], %swap3A_163 {strides = array<i32>} : memref<640x16xf32, #tpu.memory_space<vmem>>, vector<1x16xf32>,
      %slice3A_164 = vector.extract_strided_slice %get3A_59 {offsets = [9], sizes = [1], strides = [1]} : vector<16xf32> to vector<1xf32>
      %squeeze3A_165 = vector.extract %slice3A_164[0] : f32 from vector<1xf32>
      %broadcast_in_dim3A_166 = vector.broadcast %squeeze3A_165 : f32 to vector<16xf32>
      %mul3A_167 = arith.constant 16 : i32
      %mul3A_168 = arith.muli %scan3A_54, %mul3A_167 : i32
      %add3A_169 = arith.constant 9 : i32
      %add3A_170 = arith.addi %mul3A_168, %add3A_169 : i32
      %swap3A_171 = arith.index_cast %add3A_170 : i32 to index
      %swap3A_172 = arith.constant 0 : index
      %swap3A_173 = tpu.vector_load %arg6[%swap3A_171, %swap3A_172] {strides = array<i32>} : memref<640x16xf32, #tpu.memory_space<vmem>>, vector<1x16xf32>,
      %swap3A_174 = vector.shape_cast %swap3A_173 : vector<1x16xf32> to vector<16xf32>
      %swap3A_175 = vector.shape_cast %broadcast_in_dim3A_166 : vector<16xf32> to vector<1x16xf32>
      tpu.vector_store %arg6[%swap3A_171, %swap3A_172], %swap3A_175 {strides = array<i32>} : memref<640x16xf32, #tpu.memory_space<vmem>>, vector<1x16xf32>,
      %slice3A_176 = vector.extract_strided_slice %get3A_59 {offsets = [10], sizes = [1], strides = [1]} : vector<16xf32> to vector<1xf32>
      %squeeze3A_177 = vector.extract %slice3A_176[0] : f32 from vector<1xf32>
      %broadcast_in_dim3A_178 = vector.broadcast %squeeze3A_177 : f32 to vector<16xf32>
      %mul3A_179 = arith.constant 16 : i32
      %mul3A_180 = arith.muli %scan3A_54, %mul3A_179 : i32
      %add3A_181 = arith.constant 10 : i32
      %add3A_182 = arith.addi %mul3A_180, %add3A_181 : i32
      %swap3A_183 = arith.index_cast %add3A_182 : i32 to index
      %swap3A_184 = arith.constant 0 : index
      %swap3A_185 = tpu.vector_load %arg6[%swap3A_183, %swap3A_184] {strides = array<i32>} : memref<640x16xf32, #tpu.memory_space<vmem>>, vector<1x16xf32>,
      %swap3A_186 = vector.shape_cast %swap3A_185 : vector<1x16xf32> to vector<16xf32>
      %swap3A_187 = vector.shape_cast %broadcast_in_dim3A_178 : vector<16xf32> to vector<1x16xf32>
      tpu.vector_store %arg6[%swap3A_183, %swap3A_184], %swap3A_187 {strides = array<i32>} : memref<640x16xf32, #tpu.memory_space<vmem>>, vector<1x16xf32>,
      %slice3A_188 = vector.extract_strided_slice %get3A_59 {offsets = [11], sizes = [1], strides = [1]} : vector<16xf32> to vector<1xf32>
      %squeeze3A_189 = vector.extract %slice3A_188[0] : f32 from vector<1xf32>
      %broadcast_in_dim3A_190 = vector.broadcast %squeeze3A_189 : f32 to vector<16xf32>
      %mul3A_191 = arith.constant 16 : i32
      %mul3A_192 = arith.muli %scan3A_54, %mul3A_191 : i32
      %add3A_193 = arith.constant 11 : i32
      %add3A_194 = arith.addi %mul3A_192, %add3A_193 : i32
      %swap3A_195 = arith.index_cast %add3A_194 : i32 to index
      %swap3A_196 = arith.constant 0 : index
      %swap3A_197 = tpu.vector_load %arg6[%swap3A_195, %swap3A_196] {strides = array<i32>} : memref<640x16xf32, #tpu.memory_space<vmem>>, vector<1x16xf32>,
      %swap3A_198 = vector.shape_cast %swap3A_197 : vector<1x16xf32> to vector<16xf32>
      %swap3A_199 = vector.shape_cast %broadcast_in_dim3A_190 : vector<16xf32> to vector<1x16xf32>
      tpu.vector_store %arg6[%swap3A_195, %swap3A_196], %swap3A_199 {strides = array<i32>} : memref<640x16xf32, #tpu.memory_space<vmem>>, vector<1x16xf32>,
      %slice3A_200 = vector.extract_strided_slice %get3A_59 {offsets = [12], sizes = [1], strides = [1]} : vector<16xf32> to vector<1xf32>
      %squeeze3A_201 = vector.extract %slice3A_200[0] : f32 from vector<1xf32>
      %broadcast_in_dim3A_202 = vector.broadcast %squeeze3A_201 : f32 to vector<16xf32>
      %mul3A_203 = arith.constant 16 : i32
      %mul3A_204 = arith.muli %scan3A_54, %mul3A_203 : i32
      %add3A_205 = arith.constant 12 : i32
      %add3A_206 = arith.addi %mul3A_204, %add3A_205 : i32
      %swap3A_207 = arith.index_cast %add3A_206 : i32 to index
      %swap3A_208 = arith.constant 0 : index
      %swap3A_209 = tpu.vector_load %arg6[%swap3A_207, %swap3A_208] {strides = array<i32>} : memref<640x16xf32, #tpu.memory_space<vmem>>, vector<1x16xf32>,
      %swap3A_210 = vector.shape_cast %swap3A_209 : vector<1x16xf32> to vector<16xf32>
      %swap3A_211 = vector.shape_cast %broadcast_in_dim3A_202 : vector<16xf32> to vector<1x16xf32>
      tpu.vector_store %arg6[%swap3A_207, %swap3A_208], %swap3A_211 {strides = array<i32>} : memref<640x16xf32, #tpu.memory_space<vmem>>, vector<1x16xf32>,
      %slice3A_212 = vector.extract_strided_slice %get3A_59 {offsets = [13], sizes = [1], strides = [1]} : vector<16xf32> to vector<1xf32>
      %squeeze3A_213 = vector.extract %slice3A_212[0] : f32 from vector<1xf32>
      %broadcast_in_dim3A_214 = vector.broadcast %squeeze3A_213 : f32 to vector<16xf32>
      %mul3A_215 = arith.constant 16 : i32
      %mul3A_216 = arith.muli %scan3A_54, %mul3A_215 : i32
      %add3A_217 = arith.constant 13 : i32
      %add3A_218 = arith.addi %mul3A_216, %add3A_217 : i32
      %swap3A_219 = arith.index_cast %add3A_218 : i32 to index
      %swap3A_220 = arith.constant 0 : index
      %swap3A_221 = tpu.vector_load %arg6[%swap3A_219, %swap3A_220] {strides = array<i32>} : memref<640x16xf32, #tpu.memory_space<vmem>>, vector<1x16xf32>,
      %swap3A_222 = vector.shape_cast %swap3A_221 : vector<1x16xf32> to vector<16xf32>
      %swap3A_223 = vector.shape_cast %broadcast_in_dim3A_214 : vector<16xf32> to vector<1x16xf32>
      tpu.vector_store %arg6[%swap3A_219, %swap3A_220], %swap3A_223 {strides = array<i32>} : memref<640x16xf32, #tpu.memory_space<vmem>>, vector<1x16xf32>,
      %slice3A_224 = vector.extract_strided_slice %get3A_59 {offsets = [14], sizes = [1], strides = [1]} : vector<16xf32> to vector<1xf32>
      %squeeze3A_225 = vector.extract %slice3A_224[0] : f32 from vector<1xf32>
      %broadcast_in_dim3A_226 = vector.broadcast %squeeze3A_225 : f32 to vector<16xf32>
      %mul3A_227 = arith.constant 16 : i32
      %mul3A_228 = arith.muli %scan3A_54, %mul3A_227 : i32
      %add3A_229 = arith.constant 14 : i32
      %add3A_230 = arith.addi %mul3A_228, %add3A_229 : i32
      %swap3A_231 = arith.index_cast %add3A_230 : i32 to index
      %swap3A_232 = arith.constant 0 : index
      %swap3A_233 = tpu.vector_load %arg6[%swap3A_231, %swap3A_232] {strides = array<i32>} : memref<640x16xf32, #tpu.memory_space<vmem>>, vector<1x16xf32>,
      %swap3A_234 = vector.shape_cast %swap3A_233 : vector<1x16xf32> to vector<16xf32>
      %swap3A_235 = vector.shape_cast %broadcast_in_dim3A_226 : vector<16xf32> to vector<1x16xf32>
      tpu.vector_store %arg6[%swap3A_231, %swap3A_232], %swap3A_235 {strides = array<i32>} : memref<640x16xf32, #tpu.memory_space<vmem>>, vector<1x16xf32>,
      %slice3A_236 = vector.extract_strided_slice %get3A_59 {offsets = [15], sizes = [1], strides = [1]} : vector<16xf32> to vector<1xf32>
      %squeeze3A_237 = vector.extract %slice3A_236[0] : f32 from vector<1xf32>
      %broadcast_in_dim3A_238 = vector.broadcast %squeeze3A_237 : f32 to vector<16xf32>
      %mul3A_239 = arith.constant 16 : i32
      %mul3A_240 = arith.muli %scan3A_54, %mul3A_239 : i32
      %add3A_241 = arith.constant 15 : i32
      %add3A_242 = arith.addi %mul3A_240, %add3A_241 : i32
      %swap3A_243 = arith.index_cast %add3A_242 : i32 to index
      %swap3A_244 = arith.constant 0 : index
      %swap3A_245 = tpu.vector_load %arg6[%swap3A_243, %swap3A_244] {strides = array<i32>} : memref<640x16xf32, #tpu.memory_space<vmem>>, vector<1x16xf32>,
      %swap3A_246 = vector.shape_cast %swap3A_245 : vector<1x16xf32> to vector<16xf32>
      %swap3A_247 = vector.shape_cast %broadcast_in_dim3A_238 : vector<16xf32> to vector<1x16xf32>
      tpu.vector_store %arg6[%swap3A_243, %swap3A_244], %swap3A_247 {strides = array<i32>} : memref<640x16xf32, #tpu.memory_space<vmem>>, vector<1x16xf32>,
      %scan3A_248 = arith.constant 0 : i32
      scf.yield %scan3A_248 : i32
    }
    %scan3A_53 = arith.constant 40 : i32
    "tpu.region"() ({
      %run_scoped3A = tpu.sem_alloc : memref<!tpu.dma_semaphore, #tpu.memory_space<semaphore_mem>>
      %dma_start3A_54 = arith.constant 0 : i32
      %dma_start3A_55 = tpu.memref_slice %arg3[%arg0, %mul3A_2, %dma_start3A_54] : memref<2x10240x128xf32, #tpu.memory_space<hbm>> -> memref<1x640x16xf32, #tpu.memory_space<hbm>>
      %dma_start3A_56 = tpu.memref_squeeze %dma_start3A_55 : memref<1x640x16xf32, #tpu.memory_space<hbm>> -> memref<640x16xf32, #tpu.memory_space<hbm>>
      %dma_start3A_57 = arith.constant 0 : i32
      %dma_start3A_58 = tpu.memref_slice %arg3[%arg0, %mul3A_2, %dma_start3A_57] : memref<2x10240x128xf32, #tpu.memory_space<hbm>> -> memref<1x640x16xf32, #tpu.memory_space<hbm>>
      %dma_start3A_59 = tpu.memref_squeeze %dma_start3A_58 : memref<1x640x16xf32, #tpu.memory_space<hbm>> -> memref<640x16xf32, #tpu.memory_space<hbm>>
      tpu.enqueue_dma source(%arg6 : memref<640x16xf32, #tpu.memory_space<vmem>>) target(%dma_start3A_59 : memref<640x16xf32, #tpu.memory_space<hbm>>) target_semaphore(%run_scoped3A : memref<!tpu.dma_semaphore, #tpu.memory_space<semaphore_mem>>)
      %dma_wait3A_60 = arith.constant 0 : i32
      %dma_wait3A_61 = tpu.memref_slice %arg3[%arg0, %mul3A_2, %dma_wait3A_60] : memref<2x10240x128xf32, #tpu.memory_space<hbm>> -> memref<1x640x16xf32, #tpu.memory_space<hbm>>
      %dma_wait3A_62 = tpu.memref_squeeze %dma_wait3A_61 : memref<1x640x16xf32, #tpu.memory_space<hbm>> -> memref<640x16xf32, #tpu.memory_space<hbm>>
      %dma_wait3A_63 = arith.constant 0 : i32
      %dma_wait3A_64 = tpu.memref_slice %arg3[%arg0, %mul3A_2, %dma_wait3A_63] : memref<2x10240x128xf32, #tpu.memory_space<hbm>> -> memref<1x640x16xf32, #tpu.memory_space<hbm>>
      %dma_wait3A_65 = tpu.memref_squeeze %dma_wait3A_64 : memref<1x640x16xf32, #tpu.memory_space<hbm>> -> memref<640x16xf32, #tpu.memory_space<hbm>>
      tpu.wait_dma2 semaphore(%run_scoped3A : memref<!tpu.dma_semaphore, #tpu.memory_space<semaphore_mem>>) src(%arg6 : memref<640x16xf32, #tpu.memory_space<vmem>>) dst(%dma_wait3A_65 : memref<640x16xf32, #tpu.memory_space<hbm>>)
      tpu.yield
    }) : () -> ()
    return
  }
}

#map = affine_map<(d0, d1) -> (0, 0)>
#map1 = affine_map<(d0, d1) -> (0)>
#map2 = affine_map<(d0, d1) -> (0, 0, 0)>
module attributes {stable_mosaic.version = 14 : i64} {
  func.func @prop_kernel(%arg0: i32, %arg1: i32, %arg2: memref<10240x128xf32, #tpu.memory_space<hbm>>, %arg3: memref<320000xi32, #tpu.memory_space<hbm>>, %arg4: memref<320000xi32, #tpu.memory_space<hbm>>, %arg5: memref<2x10240x128xf32, #tpu.memory_space<hbm>>, %arg6: memref<10240x16xf32, #tpu.memory_space<vmem_shared>>, %arg7: memref<10240x16xf32, #tpu.memory_space<vmem_shared>>, %arg8: memref<640x16xf32, #tpu.memory_space<vmem>>, %arg9: memref<2000xi32, #tpu.memory_space<vmem>>, %arg10: memref<2000xi32, #tpu.memory_space<vmem>>, %arg11: memref<2000x16xf32, #tpu.memory_space<vmem>>, %arg12: memref<!tpu.dma_semaphore, #tpu.memory_space<semaphore_mem>>, %arg13: memref<2000xi32, #tpu.memory_space<vmem>>, %arg14: memref<2000xi32, #tpu.memory_space<vmem>>, %arg15: memref<2000x16xf32, #tpu.memory_space<vmem>>, %arg16: memref<!tpu.dma_semaphore, #tpu.memory_space<semaphore_mem>>) attributes {dimension_semantics = [#tpu.dimension_semantics<core_parallel>, #tpu.dimension_semantics<subcore_parallel>], iteration_bounds = array<i64: 2, 16>, scalar_prefetch = 0 : i64, scratch_operands = 11 : i64, tpu.core_type = #tpu.core_type<sc_vector_subcore>, window_params = [{transform_indices = #map}, {transform_indices = #map1}, {transform_indices = #map1}, {transform_indices = #map2}]} {
    %mul3A = arith.constant 2 : i32
    %mul3A_0 = arith.muli %arg1, %mul3A : i32
    %add3A = arith.addi %mul3A_0, %arg0 : i32
    %mul3A_1 = arith.constant 640 : i32
    %mul3A_2 = arith.muli %arg1, %mul3A_1 : i32
    "tpu.region"() ({
      %run_scoped3A = tpu.sem_alloc : memref<!tpu.dma_semaphore, #tpu.memory_space<semaphore_mem>>
      %dma_start3A_54 = arith.constant 0 : i32
      %dma_start3A_55 = tpu.memref_slice %arg2[%mul3A_2, %dma_start3A_54] : memref<10240x128xf32, #tpu.memory_space<hbm>> -> memref<640x16xf32, #tpu.memory_space<hbm>>
      %dma_start3A_56 = arith.constant 0 : i32
      %dma_start3A_57 = tpu.memref_slice %arg2[%mul3A_2, %dma_start3A_56] : memref<10240x128xf32, #tpu.memory_space<hbm>> -> memref<640x16xf32, #tpu.memory_space<hbm>>
      tpu.enqueue_dma source(%dma_start3A_57 : memref<640x16xf32, #tpu.memory_space<hbm>>) target(%arg8 : memref<640x16xf32, #tpu.memory_space<vmem>>) target_semaphore(%run_scoped3A : memref<!tpu.dma_semaphore, #tpu.memory_space<semaphore_mem>>)
      %dma_wait3A_58 = arith.constant 0 : i32
      %dma_wait3A_59 = tpu.memref_slice %arg2[%mul3A_2, %dma_wait3A_58] : memref<10240x128xf32, #tpu.memory_space<hbm>> -> memref<640x16xf32, #tpu.memory_space<hbm>>
      %dma_wait3A_60 = arith.constant 0 : i32
      %dma_wait3A_61 = tpu.memref_slice %arg2[%mul3A_2, %dma_wait3A_60] : memref<10240x128xf32, #tpu.memory_space<hbm>> -> memref<640x16xf32, #tpu.memory_space<hbm>>
      tpu.wait_dma2 semaphore(%run_scoped3A : memref<!tpu.dma_semaphore, #tpu.memory_space<semaphore_mem>>) src(%dma_wait3A_61 : memref<640x16xf32, #tpu.memory_space<hbm>>) dst(%arg8 : memref<640x16xf32, #tpu.memory_space<vmem>>)
      tpu.yield
    }) : () -> ()
    "tpu.region"() ({
      %run_scoped3A = tpu.sem_alloc : memref<!tpu.dma_semaphore, #tpu.memory_space<semaphore_mem>>
      %dma_start3A_54 = arith.constant 0 : i32
      %dma_start3A_55 = tpu.memref_slice %arg6[%mul3A_2, %dma_start3A_54] : memref<10240x16xf32, #tpu.memory_space<vmem_shared>> -> memref<640x16xf32, #tpu.memory_space<vmem_shared>>
      %dma_start3A_56 = arith.constant 0 : i32
      %dma_start3A_57 = tpu.memref_slice %arg6[%mul3A_2, %dma_start3A_56] : memref<10240x16xf32, #tpu.memory_space<vmem_shared>> -> memref<640x16xf32, #tpu.memory_space<vmem_shared>>
      tpu.enqueue_dma source(%arg8 : memref<640x16xf32, #tpu.memory_space<vmem>>) target(%dma_start3A_57 : memref<640x16xf32, #tpu.memory_space<vmem_shared>>) target_semaphore(%run_scoped3A : memref<!tpu.dma_semaphore, #tpu.memory_space<semaphore_mem>>)
      %dma_wait3A_58 = arith.constant 0 : i32
      %dma_wait3A_59 = tpu.memref_slice %arg6[%mul3A_2, %dma_wait3A_58] : memref<10240x16xf32, #tpu.memory_space<vmem_shared>> -> memref<640x16xf32, #tpu.memory_space<vmem_shared>>
      %dma_wait3A_60 = arith.constant 0 : i32
      %dma_wait3A_61 = tpu.memref_slice %arg6[%mul3A_2, %dma_wait3A_60] : memref<10240x16xf32, #tpu.memory_space<vmem_shared>> -> memref<640x16xf32, #tpu.memory_space<vmem_shared>>
      tpu.wait_dma2 semaphore(%run_scoped3A : memref<!tpu.dma_semaphore, #tpu.memory_space<semaphore_mem>>) src(%arg8 : memref<640x16xf32, #tpu.memory_space<vmem>>) dst(%dma_wait3A_61 : memref<640x16xf32, #tpu.memory_space<vmem_shared>>)
      tpu.yield
    }) : () -> ()
    "tpu.region"() ({
      %run_scoped3A = tpu.sem_alloc : memref<!tpu.dma_semaphore, #tpu.memory_space<semaphore_mem>>
      %dma_start3A_54 = arith.constant 0 : i32
      %dma_start3A_55 = tpu.memref_slice %arg7[%mul3A_2, %dma_start3A_54] : memref<10240x16xf32, #tpu.memory_space<vmem_shared>> -> memref<640x16xf32, #tpu.memory_space<vmem_shared>>
      %dma_start3A_56 = arith.constant 0 : i32
      %dma_start3A_57 = tpu.memref_slice %arg7[%mul3A_2, %dma_start3A_56] : memref<10240x16xf32, #tpu.memory_space<vmem_shared>> -> memref<640x16xf32, #tpu.memory_space<vmem_shared>>
      tpu.enqueue_dma source(%arg8 : memref<640x16xf32, #tpu.memory_space<vmem>>) target(%dma_start3A_57 : memref<640x16xf32, #tpu.memory_space<vmem_shared>>) target_semaphore(%run_scoped3A : memref<!tpu.dma_semaphore, #tpu.memory_space<semaphore_mem>>)
      %dma_wait3A_58 = arith.constant 0 : i32
      %dma_wait3A_59 = tpu.memref_slice %arg7[%mul3A_2, %dma_wait3A_58] : memref<10240x16xf32, #tpu.memory_space<vmem_shared>> -> memref<640x16xf32, #tpu.memory_space<vmem_shared>>
      %dma_wait3A_60 = arith.constant 0 : i32
      %dma_wait3A_61 = tpu.memref_slice %arg7[%mul3A_2, %dma_wait3A_60] : memref<10240x16xf32, #tpu.memory_space<vmem_shared>> -> memref<640x16xf32, #tpu.memory_space<vmem_shared>>
      tpu.wait_dma2 semaphore(%run_scoped3A : memref<!tpu.dma_semaphore, #tpu.memory_space<semaphore_mem>>) src(%arg8 : memref<640x16xf32, #tpu.memory_space<vmem>>) dst(%dma_wait3A_61 : memref<640x16xf32, #tpu.memory_space<vmem_shared>>)
      tpu.yield
    }) : () -> ()
    %barrier3A = arith.constant 0 : index
    tpu.barrier barrier_id(%barrier3A)
    %mul3A_3 = arith.constant 10000 : i32
    %mul3A_4 = arith.muli %add3A, %mul3A_3 : i32
    %add3A_5 = arith.constant 0 : i32
    %add3A_6 = arith.addi %mul3A_4, %add3A_5 : i32
    "tpu.region"() ({
      %run_scoped3A = tpu.sem_alloc : memref<!tpu.dma_semaphore, #tpu.memory_space<semaphore_mem>>
      %dma_start3A_54 = tpu.memref_slice %arg3[%add3A_6] : memref<320000xi32, #tpu.memory_space<hbm>> -> memref<2000xi32, #tpu.memory_space<hbm>>
      %dma_start3A_55 = tpu.memref_slice %arg3[%add3A_6] : memref<320000xi32, #tpu.memory_space<hbm>> -> memref<2000xi32, #tpu.memory_space<hbm>>
      tpu.enqueue_dma source(%dma_start3A_55 : memref<2000xi32, #tpu.memory_space<hbm>>) target(%arg9 : memref<2000xi32, #tpu.memory_space<vmem>>) target_semaphore(%run_scoped3A : memref<!tpu.dma_semaphore, #tpu.memory_space<semaphore_mem>>)
      %dma_wait3A_56 = tpu.memref_slice %arg3[%add3A_6] : memref<320000xi32, #tpu.memory_space<hbm>> -> memref<2000xi32, #tpu.memory_space<hbm>>
      %dma_wait3A_57 = tpu.memref_slice %arg3[%add3A_6] : memref<320000xi32, #tpu.memory_space<hbm>> -> memref<2000xi32, #tpu.memory_space<hbm>>
      tpu.wait_dma2 semaphore(%run_scoped3A : memref<!tpu.dma_semaphore, #tpu.memory_space<semaphore_mem>>) src(%dma_wait3A_57 : memref<2000xi32, #tpu.memory_space<hbm>>) dst(%arg9 : memref<2000xi32, #tpu.memory_space<vmem>>)
      tpu.yield
    }) : () -> ()
    %add3A_7 = arith.constant 0 : i32
    %add3A_8 = arith.addi %mul3A_4, %add3A_7 : i32
    "tpu.region"() ({
      %run_scoped3A = tpu.sem_alloc : memref<!tpu.dma_semaphore, #tpu.memory_space<semaphore_mem>>
      %dma_start3A_54 = tpu.memref_slice %arg4[%add3A_8] : memref<320000xi32, #tpu.memory_space<hbm>> -> memref<2000xi32, #tpu.memory_space<hbm>>
      %dma_start3A_55 = tpu.memref_slice %arg4[%add3A_8] : memref<320000xi32, #tpu.memory_space<hbm>> -> memref<2000xi32, #tpu.memory_space<hbm>>
      tpu.enqueue_dma source(%dma_start3A_55 : memref<2000xi32, #tpu.memory_space<hbm>>) target(%arg10 : memref<2000xi32, #tpu.memory_space<vmem>>) target_semaphore(%run_scoped3A : memref<!tpu.dma_semaphore, #tpu.memory_space<semaphore_mem>>)
      %dma_wait3A_56 = tpu.memref_slice %arg4[%add3A_8] : memref<320000xi32, #tpu.memory_space<hbm>> -> memref<2000xi32, #tpu.memory_space<hbm>>
      %dma_wait3A_57 = tpu.memref_slice %arg4[%add3A_8] : memref<320000xi32, #tpu.memory_space<hbm>> -> memref<2000xi32, #tpu.memory_space<hbm>>
      tpu.wait_dma2 semaphore(%run_scoped3A : memref<!tpu.dma_semaphore, #tpu.memory_space<semaphore_mem>>) src(%dma_wait3A_57 : memref<2000xi32, #tpu.memory_space<hbm>>) dst(%arg10 : memref<2000xi32, #tpu.memory_space<vmem>>)
      tpu.yield
    }) : () -> ()
    %dma_start3A = arith.constant 0 : i32
    %dma_start3A_9 = arith.constant 0 : i32
    %dma_start3A_10 = tpu.memref_slice %arg6[%dma_start3A, %dma_start3A_9] : memref<10240x16xf32, #tpu.memory_space<vmem_shared>> -> memref<10240x16xf32, #tpu.memory_space<vmem_shared>>
    tpu.enqueue_indirect_dma source(%dma_start3A_10 : memref<10240x16xf32, #tpu.memory_space<vmem_shared>>) target(%arg11 : memref<2000x16xf32, #tpu.memory_space<vmem>>) offsets(%arg9 : memref<2000xi32, #tpu.memory_space<vmem>>) semaphore(%arg12 : memref<!tpu.dma_semaphore, #tpu.memory_space<semaphore_mem>>)
    %dma_wait3A = arith.constant 0 : i32
    %dma_wait3A_11 = arith.constant 0 : i32
    %dma_wait3A_12 = tpu.memref_slice %arg6[%dma_wait3A, %dma_wait3A_11] : memref<10240x16xf32, #tpu.memory_space<vmem_shared>> -> memref<10240x16xf32, #tpu.memory_space<vmem_shared>>
    tpu.wait_indirect_dma semaphore(%arg12 : memref<!tpu.dma_semaphore, #tpu.memory_space<semaphore_mem>>) src(%dma_wait3A_12 : memref<10240x16xf32, #tpu.memory_space<vmem_shared>>) dst(%arg11 : memref<2000x16xf32, #tpu.memory_space<vmem>>)
    %add3A_13 = arith.constant 2000 : i32
    %add3A_14 = arith.addi %mul3A_4, %add3A_13 : i32
    "tpu.region"() ({
      %run_scoped3A = tpu.sem_alloc : memref<!tpu.dma_semaphore, #tpu.memory_space<semaphore_mem>>
      %dma_start3A_54 = tpu.memref_slice %arg3[%add3A_14] : memref<320000xi32, #tpu.memory_space<hbm>> -> memref<2000xi32, #tpu.memory_space<hbm>>
      %dma_start3A_55 = tpu.memref_slice %arg3[%add3A_14] : memref<320000xi32, #tpu.memory_space<hbm>> -> memref<2000xi32, #tpu.memory_space<hbm>>
      tpu.enqueue_dma source(%dma_start3A_55 : memref<2000xi32, #tpu.memory_space<hbm>>) target(%arg13 : memref<2000xi32, #tpu.memory_space<vmem>>) target_semaphore(%run_scoped3A : memref<!tpu.dma_semaphore, #tpu.memory_space<semaphore_mem>>)
      %dma_wait3A_56 = tpu.memref_slice %arg3[%add3A_14] : memref<320000xi32, #tpu.memory_space<hbm>> -> memref<2000xi32, #tpu.memory_space<hbm>>
      %dma_wait3A_57 = tpu.memref_slice %arg3[%add3A_14] : memref<320000xi32, #tpu.memory_space<hbm>> -> memref<2000xi32, #tpu.memory_space<hbm>>
      tpu.wait_dma2 semaphore(%run_scoped3A : memref<!tpu.dma_semaphore, #tpu.memory_space<semaphore_mem>>) src(%dma_wait3A_57 : memref<2000xi32, #tpu.memory_space<hbm>>) dst(%arg13 : memref<2000xi32, #tpu.memory_space<vmem>>)
      tpu.yield
    }) : () -> ()
    %add3A_15 = arith.constant 2000 : i32
    %add3A_16 = arith.addi %mul3A_4, %add3A_15 : i32
    "tpu.region"() ({
      %run_scoped3A = tpu.sem_alloc : memref<!tpu.dma_semaphore, #tpu.memory_space<semaphore_mem>>
      %dma_start3A_54 = tpu.memref_slice %arg4[%add3A_16] : memref<320000xi32, #tpu.memory_space<hbm>> -> memref<2000xi32, #tpu.memory_space<hbm>>
      %dma_start3A_55 = tpu.memref_slice %arg4[%add3A_16] : memref<320000xi32, #tpu.memory_space<hbm>> -> memref<2000xi32, #tpu.memory_space<hbm>>
      tpu.enqueue_dma source(%dma_start3A_55 : memref<2000xi32, #tpu.memory_space<hbm>>) target(%arg14 : memref<2000xi32, #tpu.memory_space<vmem>>) target_semaphore(%run_scoped3A : memref<!tpu.dma_semaphore, #tpu.memory_space<semaphore_mem>>)
      %dma_wait3A_56 = tpu.memref_slice %arg4[%add3A_16] : memref<320000xi32, #tpu.memory_space<hbm>> -> memref<2000xi32, #tpu.memory_space<hbm>>
      %dma_wait3A_57 = tpu.memref_slice %arg4[%add3A_16] : memref<320000xi32, #tpu.memory_space<hbm>> -> memref<2000xi32, #tpu.memory_space<hbm>>
      tpu.wait_dma2 semaphore(%run_scoped3A : memref<!tpu.dma_semaphore, #tpu.memory_space<semaphore_mem>>) src(%dma_wait3A_57 : memref<2000xi32, #tpu.memory_space<hbm>>) dst(%arg14 : memref<2000xi32, #tpu.memory_space<vmem>>)
      tpu.yield
    }) : () -> ()
    %dma_start3A_17 = arith.constant 0 : i32
    %dma_start3A_18 = arith.constant 0 : i32
    %dma_start3A_19 = tpu.memref_slice %arg6[%dma_start3A_17, %dma_start3A_18] : memref<10240x16xf32, #tpu.memory_space<vmem_shared>> -> memref<10240x16xf32, #tpu.memory_space<vmem_shared>>
    tpu.enqueue_indirect_dma source(%dma_start3A_19 : memref<10240x16xf32, #tpu.memory_space<vmem_shared>>) target(%arg15 : memref<2000x16xf32, #tpu.memory_space<vmem>>) offsets(%arg13 : memref<2000xi32, #tpu.memory_space<vmem>>) semaphore(%arg16 : memref<!tpu.dma_semaphore, #tpu.memory_space<semaphore_mem>>)
    "tpu.region"() ({
      %run_scoped3A = tpu.sem_alloc : memref<!tpu.dma_semaphore, #tpu.memory_space<semaphore_mem>>
      %dma_start3A_54 = arith.constant 0 : i32
      %dma_start3A_55 = arith.constant 0 : i32
      %dma_start3A_56 = tpu.memref_slice %arg7[%dma_start3A_54, %dma_start3A_55] : memref<10240x16xf32, #tpu.memory_space<vmem_shared>> -> memref<10240x16xf32, #tpu.memory_space<vmem_shared>>
      tpu.enqueue_indirect_dma source(%arg11 : memref<2000x16xf32, #tpu.memory_space<vmem>>) target(%dma_start3A_56 : memref<10240x16xf32, #tpu.memory_space<vmem_shared>>) offsets(%arg10 : memref<2000xi32, #tpu.memory_space<vmem>>) semaphore(%run_scoped3A : memref<!tpu.dma_semaphore, #tpu.memory_space<semaphore_mem>>) {add = true}
      %dma_wait3A_57 = arith.constant 0 : i32
      %dma_wait3A_58 = arith.constant 0 : i32
      %dma_wait3A_59 = tpu.memref_slice %arg7[%dma_wait3A_57, %dma_wait3A_58] : memref<10240x16xf32, #tpu.memory_space<vmem_shared>> -> memref<10240x16xf32, #tpu.memory_space<vmem_shared>>
      tpu.wait_indirect_dma semaphore(%run_scoped3A : memref<!tpu.dma_semaphore, #tpu.memory_space<semaphore_mem>>) src(%arg11 : memref<2000x16xf32, #tpu.memory_space<vmem>>) dst(%dma_wait3A_59 : memref<10240x16xf32, #tpu.memory_space<vmem_shared>>)
      tpu.yield
    }) : () -> ()
    %dma_wait3A_20 = arith.constant 0 : i32
    %dma_wait3A_21 = arith.constant 0 : i32
    %dma_wait3A_22 = tpu.memref_slice %arg6[%dma_wait3A_20, %dma_wait3A_21] : memref<10240x16xf32, #tpu.memory_space<vmem_shared>> -> memref<10240x16xf32, #tpu.memory_space<vmem_shared>>
    tpu.wait_indirect_dma semaphore(%arg16 : memref<!tpu.dma_semaphore, #tpu.memory_space<semaphore_mem>>) src(%dma_wait3A_22 : memref<10240x16xf32, #tpu.memory_space<vmem_shared>>) dst(%arg15 : memref<2000x16xf32, #tpu.memory_space<vmem>>)
    %add3A_23 = arith.constant 4000 : i32
    %add3A_24 = arith.addi %mul3A_4, %add3A_23 : i32
    "tpu.region"() ({
      %run_scoped3A = tpu.sem_alloc : memref<!tpu.dma_semaphore, #tpu.memory_space<semaphore_mem>>
      %dma_start3A_54 = tpu.memref_slice %arg3[%add3A_24] : memref<320000xi32, #tpu.memory_space<hbm>> -> memref<2000xi32, #tpu.memory_space<hbm>>
      %dma_start3A_55 = tpu.memref_slice %arg3[%add3A_24] : memref<320000xi32, #tpu.memory_space<hbm>> -> memref<2000xi32, #tpu.memory_space<hbm>>
      tpu.enqueue_dma source(%dma_start3A_55 : memref<2000xi32, #tpu.memory_space<hbm>>) target(%arg9 : memref<2000xi32, #tpu.memory_space<vmem>>) target_semaphore(%run_scoped3A : memref<!tpu.dma_semaphore, #tpu.memory_space<semaphore_mem>>)
      %dma_wait3A_56 = tpu.memref_slice %arg3[%add3A_24] : memref<320000xi32, #tpu.memory_space<hbm>> -> memref<2000xi32, #tpu.memory_space<hbm>>
      %dma_wait3A_57 = tpu.memref_slice %arg3[%add3A_24] : memref<320000xi32, #tpu.memory_space<hbm>> -> memref<2000xi32, #tpu.memory_space<hbm>>
      tpu.wait_dma2 semaphore(%run_scoped3A : memref<!tpu.dma_semaphore, #tpu.memory_space<semaphore_mem>>) src(%dma_wait3A_57 : memref<2000xi32, #tpu.memory_space<hbm>>) dst(%arg9 : memref<2000xi32, #tpu.memory_space<vmem>>)
      tpu.yield
    }) : () -> ()
    %add3A_25 = arith.constant 4000 : i32
    %add3A_26 = arith.addi %mul3A_4, %add3A_25 : i32
    "tpu.region"() ({
      %run_scoped3A = tpu.sem_alloc : memref<!tpu.dma_semaphore, #tpu.memory_space<semaphore_mem>>
      %dma_start3A_54 = tpu.memref_slice %arg4[%add3A_26] : memref<320000xi32, #tpu.memory_space<hbm>> -> memref<2000xi32, #tpu.memory_space<hbm>>
      %dma_start3A_55 = tpu.memref_slice %arg4[%add3A_26] : memref<320000xi32, #tpu.memory_space<hbm>> -> memref<2000xi32, #tpu.memory_space<hbm>>
      tpu.enqueue_dma source(%dma_start3A_55 : memref<2000xi32, #tpu.memory_space<hbm>>) target(%arg10 : memref<2000xi32, #tpu.memory_space<vmem>>) target_semaphore(%run_scoped3A : memref<!tpu.dma_semaphore, #tpu.memory_space<semaphore_mem>>)
      %dma_wait3A_56 = tpu.memref_slice %arg4[%add3A_26] : memref<320000xi32, #tpu.memory_space<hbm>> -> memref<2000xi32, #tpu.memory_space<hbm>>
      %dma_wait3A_57 = tpu.memref_slice %arg4[%add3A_26] : memref<320000xi32, #tpu.memory_space<hbm>> -> memref<2000xi32, #tpu.memory_space<hbm>>
      tpu.wait_dma2 semaphore(%run_scoped3A : memref<!tpu.dma_semaphore, #tpu.memory_space<semaphore_mem>>) src(%dma_wait3A_57 : memref<2000xi32, #tpu.memory_space<hbm>>) dst(%arg10 : memref<2000xi32, #tpu.memory_space<vmem>>)
      tpu.yield
    }) : () -> ()
    %dma_start3A_27 = arith.constant 0 : i32
    %dma_start3A_28 = arith.constant 0 : i32
    %dma_start3A_29 = tpu.memref_slice %arg6[%dma_start3A_27, %dma_start3A_28] : memref<10240x16xf32, #tpu.memory_space<vmem_shared>> -> memref<10240x16xf32, #tpu.memory_space<vmem_shared>>
    tpu.enqueue_indirect_dma source(%dma_start3A_29 : memref<10240x16xf32, #tpu.memory_space<vmem_shared>>) target(%arg11 : memref<2000x16xf32, #tpu.memory_space<vmem>>) offsets(%arg9 : memref<2000xi32, #tpu.memory_space<vmem>>) semaphore(%arg12 : memref<!tpu.dma_semaphore, #tpu.memory_space<semaphore_mem>>)
    "tpu.region"() ({
      %run_scoped3A = tpu.sem_alloc : memref<!tpu.dma_semaphore, #tpu.memory_space<semaphore_mem>>
      %dma_start3A_54 = arith.constant 0 : i32
      %dma_start3A_55 = arith.constant 0 : i32
      %dma_start3A_56 = tpu.memref_slice %arg7[%dma_start3A_54, %dma_start3A_55] : memref<10240x16xf32, #tpu.memory_space<vmem_shared>> -> memref<10240x16xf32, #tpu.memory_space<vmem_shared>>
      tpu.enqueue_indirect_dma source(%arg15 : memref<2000x16xf32, #tpu.memory_space<vmem>>) target(%dma_start3A_56 : memref<10240x16xf32, #tpu.memory_space<vmem_shared>>) offsets(%arg14 : memref<2000xi32, #tpu.memory_space<vmem>>) semaphore(%run_scoped3A : memref<!tpu.dma_semaphore, #tpu.memory_space<semaphore_mem>>) {add = true}
      %dma_wait3A_57 = arith.constant 0 : i32
      %dma_wait3A_58 = arith.constant 0 : i32
      %dma_wait3A_59 = tpu.memref_slice %arg7[%dma_wait3A_57, %dma_wait3A_58] : memref<10240x16xf32, #tpu.memory_space<vmem_shared>> -> memref<10240x16xf32, #tpu.memory_space<vmem_shared>>
      tpu.wait_indirect_dma semaphore(%run_scoped3A : memref<!tpu.dma_semaphore, #tpu.memory_space<semaphore_mem>>) src(%arg15 : memref<2000x16xf32, #tpu.memory_space<vmem>>) dst(%dma_wait3A_59 : memref<10240x16xf32, #tpu.memory_space<vmem_shared>>)
      tpu.yield
    }) : () -> ()
    %dma_wait3A_30 = arith.constant 0 : i32
    %dma_wait3A_31 = arith.constant 0 : i32
    %dma_wait3A_32 = tpu.memref_slice %arg6[%dma_wait3A_30, %dma_wait3A_31] : memref<10240x16xf32, #tpu.memory_space<vmem_shared>> -> memref<10240x16xf32, #tpu.memory_space<vmem_shared>>
    tpu.wait_indirect_dma semaphore(%arg12 : memref<!tpu.dma_semaphore, #tpu.memory_space<semaphore_mem>>) src(%dma_wait3A_32 : memref<10240x16xf32, #tpu.memory_space<vmem_shared>>) dst(%arg11 : memref<2000x16xf32, #tpu.memory_space<vmem>>)
    %add3A_33 = arith.constant 6000 : i32
    %add3A_34 = arith.addi %mul3A_4, %add3A_33 : i32
    "tpu.region"() ({
      %run_scoped3A = tpu.sem_alloc : memref<!tpu.dma_semaphore, #tpu.memory_space<semaphore_mem>>
      %dma_start3A_54 = tpu.memref_slice %arg3[%add3A_34] : memref<320000xi32, #tpu.memory_space<hbm>> -> memref<2000xi32, #tpu.memory_space<hbm>>
      %dma_start3A_55 = tpu.memref_slice %arg3[%add3A_34] : memref<320000xi32, #tpu.memory_space<hbm>> -> memref<2000xi32, #tpu.memory_space<hbm>>
      tpu.enqueue_dma source(%dma_start3A_55 : memref<2000xi32, #tpu.memory_space<hbm>>) target(%arg13 : memref<2000xi32, #tpu.memory_space<vmem>>) target_semaphore(%run_scoped3A : memref<!tpu.dma_semaphore, #tpu.memory_space<semaphore_mem>>)
      %dma_wait3A_56 = tpu.memref_slice %arg3[%add3A_34] : memref<320000xi32, #tpu.memory_space<hbm>> -> memref<2000xi32, #tpu.memory_space<hbm>>
      %dma_wait3A_57 = tpu.memref_slice %arg3[%add3A_34] : memref<320000xi32, #tpu.memory_space<hbm>> -> memref<2000xi32, #tpu.memory_space<hbm>>
      tpu.wait_dma2 semaphore(%run_scoped3A : memref<!tpu.dma_semaphore, #tpu.memory_space<semaphore_mem>>) src(%dma_wait3A_57 : memref<2000xi32, #tpu.memory_space<hbm>>) dst(%arg13 : memref<2000xi32, #tpu.memory_space<vmem>>)
      tpu.yield
    }) : () -> ()
    %add3A_35 = arith.constant 6000 : i32
    %add3A_36 = arith.addi %mul3A_4, %add3A_35 : i32
    "tpu.region"() ({
      %run_scoped3A = tpu.sem_alloc : memref<!tpu.dma_semaphore, #tpu.memory_space<semaphore_mem>>
      %dma_start3A_54 = tpu.memref_slice %arg4[%add3A_36] : memref<320000xi32, #tpu.memory_space<hbm>> -> memref<2000xi32, #tpu.memory_space<hbm>>
      %dma_start3A_55 = tpu.memref_slice %arg4[%add3A_36] : memref<320000xi32, #tpu.memory_space<hbm>> -> memref<2000xi32, #tpu.memory_space<hbm>>
      tpu.enqueue_dma source(%dma_start3A_55 : memref<2000xi32, #tpu.memory_space<hbm>>) target(%arg14 : memref<2000xi32, #tpu.memory_space<vmem>>) target_semaphore(%run_scoped3A : memref<!tpu.dma_semaphore, #tpu.memory_space<semaphore_mem>>)
      %dma_wait3A_56 = tpu.memref_slice %arg4[%add3A_36] : memref<320000xi32, #tpu.memory_space<hbm>> -> memref<2000xi32, #tpu.memory_space<hbm>>
      %dma_wait3A_57 = tpu.memref_slice %arg4[%add3A_36] : memref<320000xi32, #tpu.memory_space<hbm>> -> memref<2000xi32, #tpu.memory_space<hbm>>
      tpu.wait_dma2 semaphore(%run_scoped3A : memref<!tpu.dma_semaphore, #tpu.memory_space<semaphore_mem>>) src(%dma_wait3A_57 : memref<2000xi32, #tpu.memory_space<hbm>>) dst(%arg14 : memref<2000xi32, #tpu.memory_space<vmem>>)
      tpu.yield
    }) : () -> ()
    %dma_start3A_37 = arith.constant 0 : i32
    %dma_start3A_38 = arith.constant 0 : i32
    %dma_start3A_39 = tpu.memref_slice %arg6[%dma_start3A_37, %dma_start3A_38] : memref<10240x16xf32, #tpu.memory_space<vmem_shared>> -> memref<10240x16xf32, #tpu.memory_space<vmem_shared>>
    tpu.enqueue_indirect_dma source(%dma_start3A_39 : memref<10240x16xf32, #tpu.memory_space<vmem_shared>>) target(%arg15 : memref<2000x16xf32, #tpu.memory_space<vmem>>) offsets(%arg13 : memref<2000xi32, #tpu.memory_space<vmem>>) semaphore(%arg16 : memref<!tpu.dma_semaphore, #tpu.memory_space<semaphore_mem>>)
    "tpu.region"() ({
      %run_scoped3A = tpu.sem_alloc : memref<!tpu.dma_semaphore, #tpu.memory_space<semaphore_mem>>
      %dma_start3A_54 = arith.constant 0 : i32
      %dma_start3A_55 = arith.constant 0 : i32
      %dma_start3A_56 = tpu.memref_slice %arg7[%dma_start3A_54, %dma_start3A_55] : memref<10240x16xf32, #tpu.memory_space<vmem_shared>> -> memref<10240x16xf32, #tpu.memory_space<vmem_shared>>
      tpu.enqueue_indirect_dma source(%arg11 : memref<2000x16xf32, #tpu.memory_space<vmem>>) target(%dma_start3A_56 : memref<10240x16xf32, #tpu.memory_space<vmem_shared>>) offsets(%arg10 : memref<2000xi32, #tpu.memory_space<vmem>>) semaphore(%run_scoped3A : memref<!tpu.dma_semaphore, #tpu.memory_space<semaphore_mem>>) {add = true}
      %dma_wait3A_57 = arith.constant 0 : i32
      %dma_wait3A_58 = arith.constant 0 : i32
      %dma_wait3A_59 = tpu.memref_slice %arg7[%dma_wait3A_57, %dma_wait3A_58] : memref<10240x16xf32, #tpu.memory_space<vmem_shared>> -> memref<10240x16xf32, #tpu.memory_space<vmem_shared>>
      tpu.wait_indirect_dma semaphore(%run_scoped3A : memref<!tpu.dma_semaphore, #tpu.memory_space<semaphore_mem>>) src(%arg11 : memref<2000x16xf32, #tpu.memory_space<vmem>>) dst(%dma_wait3A_59 : memref<10240x16xf32, #tpu.memory_space<vmem_shared>>)
      tpu.yield
    }) : () -> ()
    %dma_wait3A_40 = arith.constant 0 : i32
    %dma_wait3A_41 = arith.constant 0 : i32
    %dma_wait3A_42 = tpu.memref_slice %arg6[%dma_wait3A_40, %dma_wait3A_41] : memref<10240x16xf32, #tpu.memory_space<vmem_shared>> -> memref<10240x16xf32, #tpu.memory_space<vmem_shared>>
    tpu.wait_indirect_dma semaphore(%arg16 : memref<!tpu.dma_semaphore, #tpu.memory_space<semaphore_mem>>) src(%dma_wait3A_42 : memref<10240x16xf32, #tpu.memory_space<vmem_shared>>) dst(%arg15 : memref<2000x16xf32, #tpu.memory_space<vmem>>)
    %add3A_43 = arith.constant 8000 : i32
    %add3A_44 = arith.addi %mul3A_4, %add3A_43 : i32
    "tpu.region"() ({
      %run_scoped3A = tpu.sem_alloc : memref<!tpu.dma_semaphore, #tpu.memory_space<semaphore_mem>>
      %dma_start3A_54 = tpu.memref_slice %arg3[%add3A_44] : memref<320000xi32, #tpu.memory_space<hbm>> -> memref<2000xi32, #tpu.memory_space<hbm>>
      %dma_start3A_55 = tpu.memref_slice %arg3[%add3A_44] : memref<320000xi32, #tpu.memory_space<hbm>> -> memref<2000xi32, #tpu.memory_space<hbm>>
      tpu.enqueue_dma source(%dma_start3A_55 : memref<2000xi32, #tpu.memory_space<hbm>>) target(%arg9 : memref<2000xi32, #tpu.memory_space<vmem>>) target_semaphore(%run_scoped3A : memref<!tpu.dma_semaphore, #tpu.memory_space<semaphore_mem>>)
      %dma_wait3A_56 = tpu.memref_slice %arg3[%add3A_44] : memref<320000xi32, #tpu.memory_space<hbm>> -> memref<2000xi32, #tpu.memory_space<hbm>>
      %dma_wait3A_57 = tpu.memref_slice %arg3[%add3A_44] : memref<320000xi32, #tpu.memory_space<hbm>> -> memref<2000xi32, #tpu.memory_space<hbm>>
      tpu.wait_dma2 semaphore(%run_scoped3A : memref<!tpu.dma_semaphore, #tpu.memory_space<semaphore_mem>>) src(%dma_wait3A_57 : memref<2000xi32, #tpu.memory_space<hbm>>) dst(%arg9 : memref<2000xi32, #tpu.memory_space<vmem>>)
      tpu.yield
    }) : () -> ()
    %add3A_45 = arith.constant 8000 : i32
    %add3A_46 = arith.addi %mul3A_4, %add3A_45 : i32
    "tpu.region"() ({
      %run_scoped3A = tpu.sem_alloc : memref<!tpu.dma_semaphore, #tpu.memory_space<semaphore_mem>>
      %dma_start3A_54 = tpu.memref_slice %arg4[%add3A_46] : memref<320000xi32, #tpu.memory_space<hbm>> -> memref<2000xi32, #tpu.memory_space<hbm>>
      %dma_start3A_55 = tpu.memref_slice %arg4[%add3A_46] : memref<320000xi32, #tpu.memory_space<hbm>> -> memref<2000xi32, #tpu.memory_space<hbm>>
      tpu.enqueue_dma source(%dma_start3A_55 : memref<2000xi32, #tpu.memory_space<hbm>>) target(%arg10 : memref<2000xi32, #tpu.memory_space<vmem>>) target_semaphore(%run_scoped3A : memref<!tpu.dma_semaphore, #tpu.memory_space<semaphore_mem>>)
      %dma_wait3A_56 = tpu.memref_slice %arg4[%add3A_46] : memref<320000xi32, #tpu.memory_space<hbm>> -> memref<2000xi32, #tpu.memory_space<hbm>>
      %dma_wait3A_57 = tpu.memref_slice %arg4[%add3A_46] : memref<320000xi32, #tpu.memory_space<hbm>> -> memref<2000xi32, #tpu.memory_space<hbm>>
      tpu.wait_dma2 semaphore(%run_scoped3A : memref<!tpu.dma_semaphore, #tpu.memory_space<semaphore_mem>>) src(%dma_wait3A_57 : memref<2000xi32, #tpu.memory_space<hbm>>) dst(%arg10 : memref<2000xi32, #tpu.memory_space<vmem>>)
      tpu.yield
    }) : () -> ()
    %dma_start3A_47 = arith.constant 0 : i32
    %dma_start3A_48 = arith.constant 0 : i32
    %dma_start3A_49 = tpu.memref_slice %arg6[%dma_start3A_47, %dma_start3A_48] : memref<10240x16xf32, #tpu.memory_space<vmem_shared>> -> memref<10240x16xf32, #tpu.memory_space<vmem_shared>>
    tpu.enqueue_indirect_dma source(%dma_start3A_49 : memref<10240x16xf32, #tpu.memory_space<vmem_shared>>) target(%arg11 : memref<2000x16xf32, #tpu.memory_space<vmem>>) offsets(%arg9 : memref<2000xi32, #tpu.memory_space<vmem>>) semaphore(%arg12 : memref<!tpu.dma_semaphore, #tpu.memory_space<semaphore_mem>>)
    "tpu.region"() ({
      %run_scoped3A = tpu.sem_alloc : memref<!tpu.dma_semaphore, #tpu.memory_space<semaphore_mem>>
      %dma_start3A_54 = arith.constant 0 : i32
      %dma_start3A_55 = arith.constant 0 : i32
      %dma_start3A_56 = tpu.memref_slice %arg7[%dma_start3A_54, %dma_start3A_55] : memref<10240x16xf32, #tpu.memory_space<vmem_shared>> -> memref<10240x16xf32, #tpu.memory_space<vmem_shared>>
      tpu.enqueue_indirect_dma source(%arg15 : memref<2000x16xf32, #tpu.memory_space<vmem>>) target(%dma_start3A_56 : memref<10240x16xf32, #tpu.memory_space<vmem_shared>>) offsets(%arg14 : memref<2000xi32, #tpu.memory_space<vmem>>) semaphore(%run_scoped3A : memref<!tpu.dma_semaphore, #tpu.memory_space<semaphore_mem>>) {add = true}
      %dma_wait3A_57 = arith.constant 0 : i32
      %dma_wait3A_58 = arith.constant 0 : i32
      %dma_wait3A_59 = tpu.memref_slice %arg7[%dma_wait3A_57, %dma_wait3A_58] : memref<10240x16xf32, #tpu.memory_space<vmem_shared>> -> memref<10240x16xf32, #tpu.memory_space<vmem_shared>>
      tpu.wait_indirect_dma semaphore(%run_scoped3A : memref<!tpu.dma_semaphore, #tpu.memory_space<semaphore_mem>>) src(%arg15 : memref<2000x16xf32, #tpu.memory_space<vmem>>) dst(%dma_wait3A_59 : memref<10240x16xf32, #tpu.memory_space<vmem_shared>>)
      tpu.yield
    }) : () -> ()
    %dma_wait3A_50 = arith.constant 0 : i32
    %dma_wait3A_51 = arith.constant 0 : i32
    %dma_wait3A_52 = tpu.memref_slice %arg6[%dma_wait3A_50, %dma_wait3A_51] : memref<10240x16xf32, #tpu.memory_space<vmem_shared>> -> memref<10240x16xf32, #tpu.memory_space<vmem_shared>>
    tpu.wait_indirect_dma semaphore(%arg12 : memref<!tpu.dma_semaphore, #tpu.memory_space<semaphore_mem>>) src(%dma_wait3A_52 : memref<10240x16xf32, #tpu.memory_space<vmem_shared>>) dst(%arg11 : memref<2000x16xf32, #tpu.memory_space<vmem>>)
    "tpu.region"() ({
      %run_scoped3A = tpu.sem_alloc : memref<!tpu.dma_semaphore, #tpu.memory_space<semaphore_mem>>
      %dma_start3A_54 = arith.constant 0 : i32
      %dma_start3A_55 = arith.constant 0 : i32
      %dma_start3A_56 = tpu.memref_slice %arg7[%dma_start3A_54, %dma_start3A_55] : memref<10240x16xf32, #tpu.memory_space<vmem_shared>> -> memref<10240x16xf32, #tpu.memory_space<vmem_shared>>
      tpu.enqueue_indirect_dma source(%arg11 : memref<2000x16xf32, #tpu.memory_space<vmem>>) target(%dma_start3A_56 : memref<10240x16xf32, #tpu.memory_space<vmem_shared>>) offsets(%arg10 : memref<2000xi32, #tpu.memory_space<vmem>>) semaphore(%run_scoped3A : memref<!tpu.dma_semaphore, #tpu.memory_space<semaphore_mem>>) {add = true}
      %dma_wait3A_57 = arith.constant 0 : i32
      %dma_wait3A_58 = arith.constant 0 : i32
      %dma_wait3A_59 = tpu.memref_slice %arg7[%dma_wait3A_57, %dma_wait3A_58] : memref<10240x16xf32, #tpu.memory_space<vmem_shared>> -> memref<10240x16xf32, #tpu.memory_space<vmem_shared>>
      tpu.wait_indirect_dma semaphore(%run_scoped3A : memref<!tpu.dma_semaphore, #tpu.memory_space<semaphore_mem>>) src(%arg11 : memref<2000x16xf32, #tpu.memory_space<vmem>>) dst(%dma_wait3A_59 : memref<10240x16xf32, #tpu.memory_space<vmem_shared>>)
      tpu.yield
    }) : () -> ()
    %barrier3A_53 = arith.constant 0 : index
    tpu.barrier barrier_id(%barrier3A_53)
    "tpu.region"() ({
      %run_scoped3A = tpu.sem_alloc : memref<!tpu.dma_semaphore, #tpu.memory_space<semaphore_mem>>
      %dma_start3A_54 = arith.constant 0 : i32
      %dma_start3A_55 = tpu.memref_slice %arg5[%arg0, %mul3A_2, %dma_start3A_54] : memref<2x10240x128xf32, #tpu.memory_space<hbm>> -> memref<1x640x16xf32, #tpu.memory_space<hbm>>
      %dma_start3A_56 = tpu.memref_squeeze %dma_start3A_55 : memref<1x640x16xf32, #tpu.memory_space<hbm>> -> memref<640x16xf32, #tpu.memory_space<hbm>>
      %dma_start3A_57 = arith.constant 0 : i32
      %dma_start3A_58 = tpu.memref_slice %arg7[%mul3A_2, %dma_start3A_57] : memref<10240x16xf32, #tpu.memory_space<vmem_shared>> -> memref<640x16xf32, #tpu.memory_space<vmem_shared>>
      tpu.enqueue_dma source(%dma_start3A_58 : memref<640x16xf32, #tpu.memory_space<vmem_shared>>) target(%dma_start3A_56 : memref<640x16xf32, #tpu.memory_space<hbm>>) target_semaphore(%run_scoped3A : memref<!tpu.dma_semaphore, #tpu.memory_space<semaphore_mem>>)
      %dma_wait3A_59 = arith.constant 0 : i32
      %dma_wait3A_60 = tpu.memref_slice %arg5[%arg0, %mul3A_2, %dma_wait3A_59] : memref<2x10240x128xf32, #tpu.memory_space<hbm>> -> memref<1x640x16xf32, #tpu.memory_space<hbm>>
      %dma_wait3A_61 = tpu.memref_squeeze %dma_wait3A_60 : memref<1x640x16xf32, #tpu.memory_space<hbm>> -> memref<640x16xf32, #tpu.memory_space<hbm>>
      %dma_wait3A_62 = arith.constant 0 : i32
      %dma_wait3A_63 = tpu.memref_slice %arg7[%mul3A_2, %dma_wait3A_62] : memref<10240x16xf32, #tpu.memory_space<vmem_shared>> -> memref<640x16xf32, #tpu.memory_space<vmem_shared>>
      tpu.wait_dma2 semaphore(%run_scoped3A : memref<!tpu.dma_semaphore, #tpu.memory_space<semaphore_mem>>) src(%dma_wait3A_63 : memref<640x16xf32, #tpu.memory_space<vmem_shared>>) dst(%dma_wait3A_61 : memref<640x16xf32, #tpu.memory_space<hbm>>)
      tpu.yield
    }) : () -> ()
    return
  }
}

#map = affine_map<(d0, d1) -> (0, 0)>
#map1 = affine_map<(d0, d1) -> (0)>
#map2 = affine_map<(d0, d1) -> (0, 0, 0)>
module attributes {stable_mosaic.version = 14 : i64} {
  func.func @prop_kernel(%arg0: i32, %arg1: i32, %arg2: memref<10240x128xf32, #tpu.memory_space<hbm>>, %arg3: memref<320000xi32, #tpu.memory_space<hbm>>, %arg4: memref<320000xi32, #tpu.memory_space<hbm>>, %arg5: memref<2x10240x128xf32, #tpu.memory_space<hbm>>, %arg6: memref<10240x16xf32, #tpu.memory_space<vmem_shared>>, %arg7: memref<10240x16xf32, #tpu.memory_space<vmem_shared>>, %arg8: memref<640x16xf32, #tpu.memory_space<vmem>>, %arg9: memref<2000xi32, #tpu.memory_space<vmem>>, %arg10: memref<2000xi32, #tpu.memory_space<vmem>>, %arg11: memref<2000x16xf32, #tpu.memory_space<vmem>>, %arg12: memref<!tpu.dma_semaphore, #tpu.memory_space<semaphore_mem>>, %arg13: memref<2000xi32, #tpu.memory_space<vmem>>, %arg14: memref<2000xi32, #tpu.memory_space<vmem>>, %arg15: memref<2000x16xf32, #tpu.memory_space<vmem>>, %arg16: memref<!tpu.dma_semaphore, #tpu.memory_space<semaphore_mem>>) attributes {dimension_semantics = [#tpu.dimension_semantics<core_parallel>, #tpu.dimension_semantics<subcore_parallel>], iteration_bounds = array<i64: 2, 16>, scalar_prefetch = 0 : i64, scratch_operands = 11 : i64, tpu.core_type = #tpu.core_type<sc_vector_subcore>, window_params = [{transform_indices = #map}, {transform_indices = #map1}, {transform_indices = #map1}, {transform_indices = #map2}]} {
    %mul3A = arith.constant 2 : i32
    %mul3A_0 = arith.muli %arg1, %mul3A : i32
    %add3A = arith.addi %mul3A_0, %arg0 : i32
    %mul3A_1 = arith.constant 640 : i32
    %mul3A_2 = arith.muli %arg1, %mul3A_1 : i32
    "tpu.region"() ({
      %run_scoped3A = tpu.sem_alloc : memref<!tpu.dma_semaphore, #tpu.memory_space<semaphore_mem>>
      %dma_start3A_54 = arith.constant 0 : i32
      %dma_start3A_55 = tpu.memref_slice %arg2[%mul3A_2, %dma_start3A_54] : memref<10240x128xf32, #tpu.memory_space<hbm>> -> memref<640x16xf32, #tpu.memory_space<hbm>>
      %dma_start3A_56 = arith.constant 0 : i32
      %dma_start3A_57 = tpu.memref_slice %arg2[%mul3A_2, %dma_start3A_56] : memref<10240x128xf32, #tpu.memory_space<hbm>> -> memref<640x16xf32, #tpu.memory_space<hbm>>
      tpu.enqueue_dma source(%dma_start3A_57 : memref<640x16xf32, #tpu.memory_space<hbm>>) target(%arg8 : memref<640x16xf32, #tpu.memory_space<vmem>>) target_semaphore(%run_scoped3A : memref<!tpu.dma_semaphore, #tpu.memory_space<semaphore_mem>>)
      %dma_wait3A_58 = arith.constant 0 : i32
      %dma_wait3A_59 = tpu.memref_slice %arg2[%mul3A_2, %dma_wait3A_58] : memref<10240x128xf32, #tpu.memory_space<hbm>> -> memref<640x16xf32, #tpu.memory_space<hbm>>
      %dma_wait3A_60 = arith.constant 0 : i32
      %dma_wait3A_61 = tpu.memref_slice %arg2[%mul3A_2, %dma_wait3A_60] : memref<10240x128xf32, #tpu.memory_space<hbm>> -> memref<640x16xf32, #tpu.memory_space<hbm>>
      tpu.wait_dma2 semaphore(%run_scoped3A : memref<!tpu.dma_semaphore, #tpu.memory_space<semaphore_mem>>) src(%dma_wait3A_61 : memref<640x16xf32, #tpu.memory_space<hbm>>) dst(%arg8 : memref<640x16xf32, #tpu.memory_space<vmem>>)
      tpu.yield
    }) : () -> ()
    "tpu.region"() ({
      %run_scoped3A = tpu.sem_alloc : memref<!tpu.dma_semaphore, #tpu.memory_space<semaphore_mem>>
      %dma_start3A_54 = arith.constant 0 : i32
      %dma_start3A_55 = tpu.memref_slice %arg6[%mul3A_2, %dma_start3A_54] : memref<10240x16xf32, #tpu.memory_space<vmem_shared>> -> memref<640x16xf32, #tpu.memory_space<vmem_shared>>
      %dma_start3A_56 = arith.constant 0 : i32
      %dma_start3A_57 = tpu.memref_slice %arg6[%mul3A_2, %dma_start3A_56] : memref<10240x16xf32, #tpu.memory_space<vmem_shared>> -> memref<640x16xf32, #tpu.memory_space<vmem_shared>>
      tpu.enqueue_dma source(%arg8 : memref<640x16xf32, #tpu.memory_space<vmem>>) target(%dma_start3A_57 : memref<640x16xf32, #tpu.memory_space<vmem_shared>>) target_semaphore(%run_scoped3A : memref<!tpu.dma_semaphore, #tpu.memory_space<semaphore_mem>>)
      %dma_wait3A_58 = arith.constant 0 : i32
      %dma_wait3A_59 = tpu.memref_slice %arg6[%mul3A_2, %dma_wait3A_58] : memref<10240x16xf32, #tpu.memory_space<vmem_shared>> -> memref<640x16xf32, #tpu.memory_space<vmem_shared>>
      %dma_wait3A_60 = arith.constant 0 : i32
      %dma_wait3A_61 = tpu.memref_slice %arg6[%mul3A_2, %dma_wait3A_60] : memref<10240x16xf32, #tpu.memory_space<vmem_shared>> -> memref<640x16xf32, #tpu.memory_space<vmem_shared>>
      tpu.wait_dma2 semaphore(%run_scoped3A : memref<!tpu.dma_semaphore, #tpu.memory_space<semaphore_mem>>) src(%arg8 : memref<640x16xf32, #tpu.memory_space<vmem>>) dst(%dma_wait3A_61 : memref<640x16xf32, #tpu.memory_space<vmem_shared>>)
      tpu.yield
    }) : () -> ()
    "tpu.region"() ({
      %run_scoped3A = tpu.sem_alloc : memref<!tpu.dma_semaphore, #tpu.memory_space<semaphore_mem>>
      %dma_start3A_54 = arith.constant 0 : i32
      %dma_start3A_55 = tpu.memref_slice %arg7[%mul3A_2, %dma_start3A_54] : memref<10240x16xf32, #tpu.memory_space<vmem_shared>> -> memref<640x16xf32, #tpu.memory_space<vmem_shared>>
      %dma_start3A_56 = arith.constant 0 : i32
      %dma_start3A_57 = tpu.memref_slice %arg7[%mul3A_2, %dma_start3A_56] : memref<10240x16xf32, #tpu.memory_space<vmem_shared>> -> memref<640x16xf32, #tpu.memory_space<vmem_shared>>
      tpu.enqueue_dma source(%arg8 : memref<640x16xf32, #tpu.memory_space<vmem>>) target(%dma_start3A_57 : memref<640x16xf32, #tpu.memory_space<vmem_shared>>) target_semaphore(%run_scoped3A : memref<!tpu.dma_semaphore, #tpu.memory_space<semaphore_mem>>)
      %dma_wait3A_58 = arith.constant 0 : i32
      %dma_wait3A_59 = tpu.memref_slice %arg7[%mul3A_2, %dma_wait3A_58] : memref<10240x16xf32, #tpu.memory_space<vmem_shared>> -> memref<640x16xf32, #tpu.memory_space<vmem_shared>>
      %dma_wait3A_60 = arith.constant 0 : i32
      %dma_wait3A_61 = tpu.memref_slice %arg7[%mul3A_2, %dma_wait3A_60] : memref<10240x16xf32, #tpu.memory_space<vmem_shared>> -> memref<640x16xf32, #tpu.memory_space<vmem_shared>>
      tpu.wait_dma2 semaphore(%run_scoped3A : memref<!tpu.dma_semaphore, #tpu.memory_space<semaphore_mem>>) src(%arg8 : memref<640x16xf32, #tpu.memory_space<vmem>>) dst(%dma_wait3A_61 : memref<640x16xf32, #tpu.memory_space<vmem_shared>>)
      tpu.yield
    }) : () -> ()
    %barrier3A = arith.constant 0 : index
    tpu.barrier barrier_id(%barrier3A)
    %mul3A_3 = arith.constant 10000 : i32
    %mul3A_4 = arith.muli %add3A, %mul3A_3 : i32
    %add3A_5 = arith.constant 0 : i32
    %add3A_6 = arith.addi %mul3A_4, %add3A_5 : i32
    "tpu.region"() ({
      %run_scoped3A = tpu.sem_alloc : memref<!tpu.dma_semaphore, #tpu.memory_space<semaphore_mem>>
      %dma_start3A_54 = tpu.memref_slice %arg3[%add3A_6] : memref<320000xi32, #tpu.memory_space<hbm>> -> memref<2000xi32, #tpu.memory_space<hbm>>
      %dma_start3A_55 = tpu.memref_slice %arg3[%add3A_6] : memref<320000xi32, #tpu.memory_space<hbm>> -> memref<2000xi32, #tpu.memory_space<hbm>>
      tpu.enqueue_dma source(%dma_start3A_55 : memref<2000xi32, #tpu.memory_space<hbm>>) target(%arg9 : memref<2000xi32, #tpu.memory_space<vmem>>) target_semaphore(%run_scoped3A : memref<!tpu.dma_semaphore, #tpu.memory_space<semaphore_mem>>)
      %dma_wait3A_56 = tpu.memref_slice %arg3[%add3A_6] : memref<320000xi32, #tpu.memory_space<hbm>> -> memref<2000xi32, #tpu.memory_space<hbm>>
      %dma_wait3A_57 = tpu.memref_slice %arg3[%add3A_6] : memref<320000xi32, #tpu.memory_space<hbm>> -> memref<2000xi32, #tpu.memory_space<hbm>>
      tpu.wait_dma2 semaphore(%run_scoped3A : memref<!tpu.dma_semaphore, #tpu.memory_space<semaphore_mem>>) src(%dma_wait3A_57 : memref<2000xi32, #tpu.memory_space<hbm>>) dst(%arg9 : memref<2000xi32, #tpu.memory_space<vmem>>)
      tpu.yield
    }) : () -> ()
    %add3A_7 = arith.constant 0 : i32
    %add3A_8 = arith.addi %mul3A_4, %add3A_7 : i32
    "tpu.region"() ({
      %run_scoped3A = tpu.sem_alloc : memref<!tpu.dma_semaphore, #tpu.memory_space<semaphore_mem>>
      %dma_start3A_54 = tpu.memref_slice %arg4[%add3A_8] : memref<320000xi32, #tpu.memory_space<hbm>> -> memref<2000xi32, #tpu.memory_space<hbm>>
      %dma_start3A_55 = tpu.memref_slice %arg4[%add3A_8] : memref<320000xi32, #tpu.memory_space<hbm>> -> memref<2000xi32, #tpu.memory_space<hbm>>
      tpu.enqueue_dma source(%dma_start3A_55 : memref<2000xi32, #tpu.memory_space<hbm>>) target(%arg10 : memref<2000xi32, #tpu.memory_space<vmem>>) target_semaphore(%run_scoped3A : memref<!tpu.dma_semaphore, #tpu.memory_space<semaphore_mem>>)
      %dma_wait3A_56 = tpu.memref_slice %arg4[%add3A_8] : memref<320000xi32, #tpu.memory_space<hbm>> -> memref<2000xi32, #tpu.memory_space<hbm>>
      %dma_wait3A_57 = tpu.memref_slice %arg4[%add3A_8] : memref<320000xi32, #tpu.memory_space<hbm>> -> memref<2000xi32, #tpu.memory_space<hbm>>
      tpu.wait_dma2 semaphore(%run_scoped3A : memref<!tpu.dma_semaphore, #tpu.memory_space<semaphore_mem>>) src(%dma_wait3A_57 : memref<2000xi32, #tpu.memory_space<hbm>>) dst(%arg10 : memref<2000xi32, #tpu.memory_space<vmem>>)
      tpu.yield
    }) : () -> ()
    %dma_start3A = arith.constant 0 : i32
    %dma_start3A_9 = arith.constant 0 : i32
    %dma_start3A_10 = tpu.memref_slice %arg6[%dma_start3A, %dma_start3A_9] : memref<10240x16xf32, #tpu.memory_space<vmem_shared>> -> memref<10240x16xf32, #tpu.memory_space<vmem_shared>>
    tpu.enqueue_indirect_dma source(%dma_start3A_10 : memref<10240x16xf32, #tpu.memory_space<vmem_shared>>) target(%arg11 : memref<2000x16xf32, #tpu.memory_space<vmem>>) offsets(%arg9 : memref<2000xi32, #tpu.memory_space<vmem>>) semaphore(%arg12 : memref<!tpu.dma_semaphore, #tpu.memory_space<semaphore_mem>>)
    %dma_wait3A = arith.constant 0 : i32
    %dma_wait3A_11 = arith.constant 0 : i32
    %dma_wait3A_12 = tpu.memref_slice %arg6[%dma_wait3A, %dma_wait3A_11] : memref<10240x16xf32, #tpu.memory_space<vmem_shared>> -> memref<10240x16xf32, #tpu.memory_space<vmem_shared>>
    tpu.wait_indirect_dma semaphore(%arg12 : memref<!tpu.dma_semaphore, #tpu.memory_space<semaphore_mem>>) src(%dma_wait3A_12 : memref<10240x16xf32, #tpu.memory_space<vmem_shared>>) dst(%arg11 : memref<2000x16xf32, #tpu.memory_space<vmem>>)
    %add3A_13 = arith.constant 2000 : i32
    %add3A_14 = arith.addi %mul3A_4, %add3A_13 : i32
    "tpu.region"() ({
      %run_scoped3A = tpu.sem_alloc : memref<!tpu.dma_semaphore, #tpu.memory_space<semaphore_mem>>
      %dma_start3A_54 = tpu.memref_slice %arg3[%add3A_14] : memref<320000xi32, #tpu.memory_space<hbm>> -> memref<2000xi32, #tpu.memory_space<hbm>>
      %dma_start3A_55 = tpu.memref_slice %arg3[%add3A_14] : memref<320000xi32, #tpu.memory_space<hbm>> -> memref<2000xi32, #tpu.memory_space<hbm>>
      tpu.enqueue_dma source(%dma_start3A_55 : memref<2000xi32, #tpu.memory_space<hbm>>) target(%arg13 : memref<2000xi32, #tpu.memory_space<vmem>>) target_semaphore(%run_scoped3A : memref<!tpu.dma_semaphore, #tpu.memory_space<semaphore_mem>>)
      %dma_wait3A_56 = tpu.memref_slice %arg3[%add3A_14] : memref<320000xi32, #tpu.memory_space<hbm>> -> memref<2000xi32, #tpu.memory_space<hbm>>
      %dma_wait3A_57 = tpu.memref_slice %arg3[%add3A_14] : memref<320000xi32, #tpu.memory_space<hbm>> -> memref<2000xi32, #tpu.memory_space<hbm>>
      tpu.wait_dma2 semaphore(%run_scoped3A : memref<!tpu.dma_semaphore, #tpu.memory_space<semaphore_mem>>) src(%dma_wait3A_57 : memref<2000xi32, #tpu.memory_space<hbm>>) dst(%arg13 : memref<2000xi32, #tpu.memory_space<vmem>>)
      tpu.yield
    }) : () -> ()
    %add3A_15 = arith.constant 2000 : i32
    %add3A_16 = arith.addi %mul3A_4, %add3A_15 : i32
    "tpu.region"() ({
      %run_scoped3A = tpu.sem_alloc : memref<!tpu.dma_semaphore, #tpu.memory_space<semaphore_mem>>
      %dma_start3A_54 = tpu.memref_slice %arg4[%add3A_16] : memref<320000xi32, #tpu.memory_space<hbm>> -> memref<2000xi32, #tpu.memory_space<hbm>>
      %dma_start3A_55 = tpu.memref_slice %arg4[%add3A_16] : memref<320000xi32, #tpu.memory_space<hbm>> -> memref<2000xi32, #tpu.memory_space<hbm>>
      tpu.enqueue_dma source(%dma_start3A_55 : memref<2000xi32, #tpu.memory_space<hbm>>) target(%arg14 : memref<2000xi32, #tpu.memory_space<vmem>>) target_semaphore(%run_scoped3A : memref<!tpu.dma_semaphore, #tpu.memory_space<semaphore_mem>>)
      %dma_wait3A_56 = tpu.memref_slice %arg4[%add3A_16] : memref<320000xi32, #tpu.memory_space<hbm>> -> memref<2000xi32, #tpu.memory_space<hbm>>
      %dma_wait3A_57 = tpu.memref_slice %arg4[%add3A_16] : memref<320000xi32, #tpu.memory_space<hbm>> -> memref<2000xi32, #tpu.memory_space<hbm>>
      tpu.wait_dma2 semaphore(%run_scoped3A : memref<!tpu.dma_semaphore, #tpu.memory_space<semaphore_mem>>) src(%dma_wait3A_57 : memref<2000xi32, #tpu.memory_space<hbm>>) dst(%arg14 : memref<2000xi32, #tpu.memory_space<vmem>>)
      tpu.yield
    }) : () -> ()
    %dma_start3A_17 = arith.constant 0 : i32
    %dma_start3A_18 = arith.constant 0 : i32
    %dma_start3A_19 = tpu.memref_slice %arg6[%dma_start3A_17, %dma_start3A_18] : memref<10240x16xf32, #tpu.memory_space<vmem_shared>> -> memref<10240x16xf32, #tpu.memory_space<vmem_shared>>
    tpu.enqueue_indirect_dma source(%dma_start3A_19 : memref<10240x16xf32, #tpu.memory_space<vmem_shared>>) target(%arg15 : memref<2000x16xf32, #tpu.memory_space<vmem>>) offsets(%arg13 : memref<2000xi32, #tpu.memory_space<vmem>>) semaphore(%arg16 : memref<!tpu.dma_semaphore, #tpu.memory_space<semaphore_mem>>)
    "tpu.region"() ({
      %run_scoped3A = tpu.sem_alloc : memref<!tpu.dma_semaphore, #tpu.memory_space<semaphore_mem>>
      %dma_start3A_54 = arith.constant 0 : i32
      %dma_start3A_55 = arith.constant 0 : i32
      %dma_start3A_56 = tpu.memref_slice %arg7[%dma_start3A_54, %dma_start3A_55] : memref<10240x16xf32, #tpu.memory_space<vmem_shared>> -> memref<10240x16xf32, #tpu.memory_space<vmem_shared>>
      tpu.enqueue_indirect_dma source(%arg11 : memref<2000x16xf32, #tpu.memory_space<vmem>>) target(%dma_start3A_56 : memref<10240x16xf32, #tpu.memory_space<vmem_shared>>) offsets(%arg10 : memref<2000xi32, #tpu.memory_space<vmem>>) semaphore(%run_scoped3A : memref<!tpu.dma_semaphore, #tpu.memory_space<semaphore_mem>>) {add = true}
      %dma_wait3A_57 = arith.constant 0 : i32
      %dma_wait3A_58 = arith.constant 0 : i32
      %dma_wait3A_59 = tpu.memref_slice %arg7[%dma_wait3A_57, %dma_wait3A_58] : memref<10240x16xf32, #tpu.memory_space<vmem_shared>> -> memref<10240x16xf32, #tpu.memory_space<vmem_shared>>
      tpu.wait_indirect_dma semaphore(%run_scoped3A : memref<!tpu.dma_semaphore, #tpu.memory_space<semaphore_mem>>) src(%arg11 : memref<2000x16xf32, #tpu.memory_space<vmem>>) dst(%dma_wait3A_59 : memref<10240x16xf32, #tpu.memory_space<vmem_shared>>)
      tpu.yield
    }) : () -> ()
    %dma_wait3A_20 = arith.constant 0 : i32
    %dma_wait3A_21 = arith.constant 0 : i32
    %dma_wait3A_22 = tpu.memref_slice %arg6[%dma_wait3A_20, %dma_wait3A_21] : memref<10240x16xf32, #tpu.memory_space<vmem_shared>> -> memref<10240x16xf32, #tpu.memory_space<vmem_shared>>
    tpu.wait_indirect_dma semaphore(%arg16 : memref<!tpu.dma_semaphore, #tpu.memory_space<semaphore_mem>>) src(%dma_wait3A_22 : memref<10240x16xf32, #tpu.memory_space<vmem_shared>>) dst(%arg15 : memref<2000x16xf32, #tpu.memory_space<vmem>>)
    %add3A_23 = arith.constant 4000 : i32
    %add3A_24 = arith.addi %mul3A_4, %add3A_23 : i32
    "tpu.region"() ({
      %run_scoped3A = tpu.sem_alloc : memref<!tpu.dma_semaphore, #tpu.memory_space<semaphore_mem>>
      %dma_start3A_54 = tpu.memref_slice %arg3[%add3A_24] : memref<320000xi32, #tpu.memory_space<hbm>> -> memref<2000xi32, #tpu.memory_space<hbm>>
      %dma_start3A_55 = tpu.memref_slice %arg3[%add3A_24] : memref<320000xi32, #tpu.memory_space<hbm>> -> memref<2000xi32, #tpu.memory_space<hbm>>
      tpu.enqueue_dma source(%dma_start3A_55 : memref<2000xi32, #tpu.memory_space<hbm>>) target(%arg9 : memref<2000xi32, #tpu.memory_space<vmem>>) target_semaphore(%run_scoped3A : memref<!tpu.dma_semaphore, #tpu.memory_space<semaphore_mem>>)
      %dma_wait3A_56 = tpu.memref_slice %arg3[%add3A_24] : memref<320000xi32, #tpu.memory_space<hbm>> -> memref<2000xi32, #tpu.memory_space<hbm>>
      %dma_wait3A_57 = tpu.memref_slice %arg3[%add3A_24] : memref<320000xi32, #tpu.memory_space<hbm>> -> memref<2000xi32, #tpu.memory_space<hbm>>
      tpu.wait_dma2 semaphore(%run_scoped3A : memref<!tpu.dma_semaphore, #tpu.memory_space<semaphore_mem>>) src(%dma_wait3A_57 : memref<2000xi32, #tpu.memory_space<hbm>>) dst(%arg9 : memref<2000xi32, #tpu.memory_space<vmem>>)
      tpu.yield
    }) : () -> ()
    %add3A_25 = arith.constant 4000 : i32
    %add3A_26 = arith.addi %mul3A_4, %add3A_25 : i32
    "tpu.region"() ({
      %run_scoped3A = tpu.sem_alloc : memref<!tpu.dma_semaphore, #tpu.memory_space<semaphore_mem>>
      %dma_start3A_54 = tpu.memref_slice %arg4[%add3A_26] : memref<320000xi32, #tpu.memory_space<hbm>> -> memref<2000xi32, #tpu.memory_space<hbm>>
      %dma_start3A_55 = tpu.memref_slice %arg4[%add3A_26] : memref<320000xi32, #tpu.memory_space<hbm>> -> memref<2000xi32, #tpu.memory_space<hbm>>
      tpu.enqueue_dma source(%dma_start3A_55 : memref<2000xi32, #tpu.memory_space<hbm>>) target(%arg10 : memref<2000xi32, #tpu.memory_space<vmem>>) target_semaphore(%run_scoped3A : memref<!tpu.dma_semaphore, #tpu.memory_space<semaphore_mem>>)
      %dma_wait3A_56 = tpu.memref_slice %arg4[%add3A_26] : memref<320000xi32, #tpu.memory_space<hbm>> -> memref<2000xi32, #tpu.memory_space<hbm>>
      %dma_wait3A_57 = tpu.memref_slice %arg4[%add3A_26] : memref<320000xi32, #tpu.memory_space<hbm>> -> memref<2000xi32, #tpu.memory_space<hbm>>
      tpu.wait_dma2 semaphore(%run_scoped3A : memref<!tpu.dma_semaphore, #tpu.memory_space<semaphore_mem>>) src(%dma_wait3A_57 : memref<2000xi32, #tpu.memory_space<hbm>>) dst(%arg10 : memref<2000xi32, #tpu.memory_space<vmem>>)
      tpu.yield
    }) : () -> ()
    %dma_start3A_27 = arith.constant 0 : i32
    %dma_start3A_28 = arith.constant 0 : i32
    %dma_start3A_29 = tpu.memref_slice %arg6[%dma_start3A_27, %dma_start3A_28] : memref<10240x16xf32, #tpu.memory_space<vmem_shared>> -> memref<10240x16xf32, #tpu.memory_space<vmem_shared>>
    tpu.enqueue_indirect_dma source(%dma_start3A_29 : memref<10240x16xf32, #tpu.memory_space<vmem_shared>>) target(%arg11 : memref<2000x16xf32, #tpu.memory_space<vmem>>) offsets(%arg9 : memref<2000xi32, #tpu.memory_space<vmem>>) semaphore(%arg12 : memref<!tpu.dma_semaphore, #tpu.memory_space<semaphore_mem>>)
    "tpu.region"() ({
      %run_scoped3A = tpu.sem_alloc : memref<!tpu.dma_semaphore, #tpu.memory_space<semaphore_mem>>
      %dma_start3A_54 = arith.constant 0 : i32
      %dma_start3A_55 = arith.constant 0 : i32
      %dma_start3A_56 = tpu.memref_slice %arg7[%dma_start3A_54, %dma_start3A_55] : memref<10240x16xf32, #tpu.memory_space<vmem_shared>> -> memref<10240x16xf32, #tpu.memory_space<vmem_shared>>
      tpu.enqueue_indirect_dma source(%arg15 : memref<2000x16xf32, #tpu.memory_space<vmem>>) target(%dma_start3A_56 : memref<10240x16xf32, #tpu.memory_space<vmem_shared>>) offsets(%arg14 : memref<2000xi32, #tpu.memory_space<vmem>>) semaphore(%run_scoped3A : memref<!tpu.dma_semaphore, #tpu.memory_space<semaphore_mem>>) {add = true}
      %dma_wait3A_57 = arith.constant 0 : i32
      %dma_wait3A_58 = arith.constant 0 : i32
      %dma_wait3A_59 = tpu.memref_slice %arg7[%dma_wait3A_57, %dma_wait3A_58] : memref<10240x16xf32, #tpu.memory_space<vmem_shared>> -> memref<10240x16xf32, #tpu.memory_space<vmem_shared>>
      tpu.wait_indirect_dma semaphore(%run_scoped3A : memref<!tpu.dma_semaphore, #tpu.memory_space<semaphore_mem>>) src(%arg15 : memref<2000x16xf32, #tpu.memory_space<vmem>>) dst(%dma_wait3A_59 : memref<10240x16xf32, #tpu.memory_space<vmem_shared>>)
      tpu.yield
    }) : () -> ()
    %dma_wait3A_30 = arith.constant 0 : i32
    %dma_wait3A_31 = arith.constant 0 : i32
    %dma_wait3A_32 = tpu.memref_slice %arg6[%dma_wait3A_30, %dma_wait3A_31] : memref<10240x16xf32, #tpu.memory_space<vmem_shared>> -> memref<10240x16xf32, #tpu.memory_space<vmem_shared>>
    tpu.wait_indirect_dma semaphore(%arg12 : memref<!tpu.dma_semaphore, #tpu.memory_space<semaphore_mem>>) src(%dma_wait3A_32 : memref<10240x16xf32, #tpu.memory_space<vmem_shared>>) dst(%arg11 : memref<2000x16xf32, #tpu.memory_space<vmem>>)
    %add3A_33 = arith.constant 6000 : i32
    %add3A_34 = arith.addi %mul3A_4, %add3A_33 : i32
    "tpu.region"() ({
      %run_scoped3A = tpu.sem_alloc : memref<!tpu.dma_semaphore, #tpu.memory_space<semaphore_mem>>
      %dma_start3A_54 = tpu.memref_slice %arg3[%add3A_34] : memref<320000xi32, #tpu.memory_space<hbm>> -> memref<2000xi32, #tpu.memory_space<hbm>>
      %dma_start3A_55 = tpu.memref_slice %arg3[%add3A_34] : memref<320000xi32, #tpu.memory_space<hbm>> -> memref<2000xi32, #tpu.memory_space<hbm>>
      tpu.enqueue_dma source(%dma_start3A_55 : memref<2000xi32, #tpu.memory_space<hbm>>) target(%arg13 : memref<2000xi32, #tpu.memory_space<vmem>>) target_semaphore(%run_scoped3A : memref<!tpu.dma_semaphore, #tpu.memory_space<semaphore_mem>>)
      %dma_wait3A_56 = tpu.memref_slice %arg3[%add3A_34] : memref<320000xi32, #tpu.memory_space<hbm>> -> memref<2000xi32, #tpu.memory_space<hbm>>
      %dma_wait3A_57 = tpu.memref_slice %arg3[%add3A_34] : memref<320000xi32, #tpu.memory_space<hbm>> -> memref<2000xi32, #tpu.memory_space<hbm>>
      tpu.wait_dma2 semaphore(%run_scoped3A : memref<!tpu.dma_semaphore, #tpu.memory_space<semaphore_mem>>) src(%dma_wait3A_57 : memref<2000xi32, #tpu.memory_space<hbm>>) dst(%arg13 : memref<2000xi32, #tpu.memory_space<vmem>>)
      tpu.yield
    }) : () -> ()
    %add3A_35 = arith.constant 6000 : i32
    %add3A_36 = arith.addi %mul3A_4, %add3A_35 : i32
    "tpu.region"() ({
      %run_scoped3A = tpu.sem_alloc : memref<!tpu.dma_semaphore, #tpu.memory_space<semaphore_mem>>
      %dma_start3A_54 = tpu.memref_slice %arg4[%add3A_36] : memref<320000xi32, #tpu.memory_space<hbm>> -> memref<2000xi32, #tpu.memory_space<hbm>>
      %dma_start3A_55 = tpu.memref_slice %arg4[%add3A_36] : memref<320000xi32, #tpu.memory_space<hbm>> -> memref<2000xi32, #tpu.memory_space<hbm>>
      tpu.enqueue_dma source(%dma_start3A_55 : memref<2000xi32, #tpu.memory_space<hbm>>) target(%arg14 : memref<2000xi32, #tpu.memory_space<vmem>>) target_semaphore(%run_scoped3A : memref<!tpu.dma_semaphore, #tpu.memory_space<semaphore_mem>>)
      %dma_wait3A_56 = tpu.memref_slice %arg4[%add3A_36] : memref<320000xi32, #tpu.memory_space<hbm>> -> memref<2000xi32, #tpu.memory_space<hbm>>
      %dma_wait3A_57 = tpu.memref_slice %arg4[%add3A_36] : memref<320000xi32, #tpu.memory_space<hbm>> -> memref<2000xi32, #tpu.memory_space<hbm>>
      tpu.wait_dma2 semaphore(%run_scoped3A : memref<!tpu.dma_semaphore, #tpu.memory_space<semaphore_mem>>) src(%dma_wait3A_57 : memref<2000xi32, #tpu.memory_space<hbm>>) dst(%arg14 : memref<2000xi32, #tpu.memory_space<vmem>>)
      tpu.yield
    }) : () -> ()
    %dma_start3A_37 = arith.constant 0 : i32
    %dma_start3A_38 = arith.constant 0 : i32
    %dma_start3A_39 = tpu.memref_slice %arg6[%dma_start3A_37, %dma_start3A_38] : memref<10240x16xf32, #tpu.memory_space<vmem_shared>> -> memref<10240x16xf32, #tpu.memory_space<vmem_shared>>
    tpu.enqueue_indirect_dma source(%dma_start3A_39 : memref<10240x16xf32, #tpu.memory_space<vmem_shared>>) target(%arg15 : memref<2000x16xf32, #tpu.memory_space<vmem>>) offsets(%arg13 : memref<2000xi32, #tpu.memory_space<vmem>>) semaphore(%arg16 : memref<!tpu.dma_semaphore, #tpu.memory_space<semaphore_mem>>)
    "tpu.region"() ({
      %run_scoped3A = tpu.sem_alloc : memref<!tpu.dma_semaphore, #tpu.memory_space<semaphore_mem>>
      %dma_start3A_54 = arith.constant 0 : i32
      %dma_start3A_55 = arith.constant 0 : i32
      %dma_start3A_56 = tpu.memref_slice %arg7[%dma_start3A_54, %dma_start3A_55] : memref<10240x16xf32, #tpu.memory_space<vmem_shared>> -> memref<10240x16xf32, #tpu.memory_space<vmem_shared>>
      tpu.enqueue_indirect_dma source(%arg11 : memref<2000x16xf32, #tpu.memory_space<vmem>>) target(%dma_start3A_56 : memref<10240x16xf32, #tpu.memory_space<vmem_shared>>) offsets(%arg10 : memref<2000xi32, #tpu.memory_space<vmem>>) semaphore(%run_scoped3A : memref<!tpu.dma_semaphore, #tpu.memory_space<semaphore_mem>>) {add = true}
      %dma_wait3A_57 = arith.constant 0 : i32
      %dma_wait3A_58 = arith.constant 0 : i32
      %dma_wait3A_59 = tpu.memref_slice %arg7[%dma_wait3A_57, %dma_wait3A_58] : memref<10240x16xf32, #tpu.memory_space<vmem_shared>> -> memref<10240x16xf32, #tpu.memory_space<vmem_shared>>
      tpu.wait_indirect_dma semaphore(%run_scoped3A : memref<!tpu.dma_semaphore, #tpu.memory_space<semaphore_mem>>) src(%arg11 : memref<2000x16xf32, #tpu.memory_space<vmem>>) dst(%dma_wait3A_59 : memref<10240x16xf32, #tpu.memory_space<vmem_shared>>)
      tpu.yield
    }) : () -> ()
    %dma_wait3A_40 = arith.constant 0 : i32
    %dma_wait3A_41 = arith.constant 0 : i32
    %dma_wait3A_42 = tpu.memref_slice %arg6[%dma_wait3A_40, %dma_wait3A_41] : memref<10240x16xf32, #tpu.memory_space<vmem_shared>> -> memref<10240x16xf32, #tpu.memory_space<vmem_shared>>
    tpu.wait_indirect_dma semaphore(%arg16 : memref<!tpu.dma_semaphore, #tpu.memory_space<semaphore_mem>>) src(%dma_wait3A_42 : memref<10240x16xf32, #tpu.memory_space<vmem_shared>>) dst(%arg15 : memref<2000x16xf32, #tpu.memory_space<vmem>>)
    %add3A_43 = arith.constant 8000 : i32
    %add3A_44 = arith.addi %mul3A_4, %add3A_43 : i32
    "tpu.region"() ({
      %run_scoped3A = tpu.sem_alloc : memref<!tpu.dma_semaphore, #tpu.memory_space<semaphore_mem>>
      %dma_start3A_54 = tpu.memref_slice %arg3[%add3A_44] : memref<320000xi32, #tpu.memory_space<hbm>> -> memref<2000xi32, #tpu.memory_space<hbm>>
      %dma_start3A_55 = tpu.memref_slice %arg3[%add3A_44] : memref<320000xi32, #tpu.memory_space<hbm>> -> memref<2000xi32, #tpu.memory_space<hbm>>
      tpu.enqueue_dma source(%dma_start3A_55 : memref<2000xi32, #tpu.memory_space<hbm>>) target(%arg9 : memref<2000xi32, #tpu.memory_space<vmem>>) target_semaphore(%run_scoped3A : memref<!tpu.dma_semaphore, #tpu.memory_space<semaphore_mem>>)
      %dma_wait3A_56 = tpu.memref_slice %arg3[%add3A_44] : memref<320000xi32, #tpu.memory_space<hbm>> -> memref<2000xi32, #tpu.memory_space<hbm>>
      %dma_wait3A_57 = tpu.memref_slice %arg3[%add3A_44] : memref<320000xi32, #tpu.memory_space<hbm>> -> memref<2000xi32, #tpu.memory_space<hbm>>
      tpu.wait_dma2 semaphore(%run_scoped3A : memref<!tpu.dma_semaphore, #tpu.memory_space<semaphore_mem>>) src(%dma_wait3A_57 : memref<2000xi32, #tpu.memory_space<hbm>>) dst(%arg9 : memref<2000xi32, #tpu.memory_space<vmem>>)
      tpu.yield
    }) : () -> ()
    %add3A_45 = arith.constant 8000 : i32
    %add3A_46 = arith.addi %mul3A_4, %add3A_45 : i32
    "tpu.region"() ({
      %run_scoped3A = tpu.sem_alloc : memref<!tpu.dma_semaphore, #tpu.memory_space<semaphore_mem>>
      %dma_start3A_54 = tpu.memref_slice %arg4[%add3A_46] : memref<320000xi32, #tpu.memory_space<hbm>> -> memref<2000xi32, #tpu.memory_space<hbm>>
      %dma_start3A_55 = tpu.memref_slice %arg4[%add3A_46] : memref<320000xi32, #tpu.memory_space<hbm>> -> memref<2000xi32, #tpu.memory_space<hbm>>
      tpu.enqueue_dma source(%dma_start3A_55 : memref<2000xi32, #tpu.memory_space<hbm>>) target(%arg10 : memref<2000xi32, #tpu.memory_space<vmem>>) target_semaphore(%run_scoped3A : memref<!tpu.dma_semaphore, #tpu.memory_space<semaphore_mem>>)
      %dma_wait3A_56 = tpu.memref_slice %arg4[%add3A_46] : memref<320000xi32, #tpu.memory_space<hbm>> -> memref<2000xi32, #tpu.memory_space<hbm>>
      %dma_wait3A_57 = tpu.memref_slice %arg4[%add3A_46] : memref<320000xi32, #tpu.memory_space<hbm>> -> memref<2000xi32, #tpu.memory_space<hbm>>
      tpu.wait_dma2 semaphore(%run_scoped3A : memref<!tpu.dma_semaphore, #tpu.memory_space<semaphore_mem>>) src(%dma_wait3A_57 : memref<2000xi32, #tpu.memory_space<hbm>>) dst(%arg10 : memref<2000xi32, #tpu.memory_space<vmem>>)
      tpu.yield
    }) : () -> ()
    %dma_start3A_47 = arith.constant 0 : i32
    %dma_start3A_48 = arith.constant 0 : i32
    %dma_start3A_49 = tpu.memref_slice %arg6[%dma_start3A_47, %dma_start3A_48] : memref<10240x16xf32, #tpu.memory_space<vmem_shared>> -> memref<10240x16xf32, #tpu.memory_space<vmem_shared>>
    tpu.enqueue_indirect_dma source(%dma_start3A_49 : memref<10240x16xf32, #tpu.memory_space<vmem_shared>>) target(%arg11 : memref<2000x16xf32, #tpu.memory_space<vmem>>) offsets(%arg9 : memref<2000xi32, #tpu.memory_space<vmem>>) semaphore(%arg12 : memref<!tpu.dma_semaphore, #tpu.memory_space<semaphore_mem>>)
    "tpu.region"() ({
      %run_scoped3A = tpu.sem_alloc : memref<!tpu.dma_semaphore, #tpu.memory_space<semaphore_mem>>
      %dma_start3A_54 = arith.constant 0 : i32
      %dma_start3A_55 = arith.constant 0 : i32
      %dma_start3A_56 = tpu.memref_slice %arg7[%dma_start3A_54, %dma_start3A_55] : memref<10240x16xf32, #tpu.memory_space<vmem_shared>> -> memref<10240x16xf32, #tpu.memory_space<vmem_shared>>
      tpu.enqueue_indirect_dma source(%arg15 : memref<2000x16xf32, #tpu.memory_space<vmem>>) target(%dma_start3A_56 : memref<10240x16xf32, #tpu.memory_space<vmem_shared>>) offsets(%arg14 : memref<2000xi32, #tpu.memory_space<vmem>>) semaphore(%run_scoped3A : memref<!tpu.dma_semaphore, #tpu.memory_space<semaphore_mem>>) {add = true}
      %dma_wait3A_57 = arith.constant 0 : i32
      %dma_wait3A_58 = arith.constant 0 : i32
      %dma_wait3A_59 = tpu.memref_slice %arg7[%dma_wait3A_57, %dma_wait3A_58] : memref<10240x16xf32, #tpu.memory_space<vmem_shared>> -> memref<10240x16xf32, #tpu.memory_space<vmem_shared>>
      tpu.wait_indirect_dma semaphore(%run_scoped3A : memref<!tpu.dma_semaphore, #tpu.memory_space<semaphore_mem>>) src(%arg15 : memref<2000x16xf32, #tpu.memory_space<vmem>>) dst(%dma_wait3A_59 : memref<10240x16xf32, #tpu.memory_space<vmem_shared>>)
      tpu.yield
    }) : () -> ()
    %dma_wait3A_50 = arith.constant 0 : i32
    %dma_wait3A_51 = arith.constant 0 : i32
    %dma_wait3A_52 = tpu.memref_slice %arg6[%dma_wait3A_50, %dma_wait3A_51] : memref<10240x16xf32, #tpu.memory_space<vmem_shared>> -> memref<10240x16xf32, #tpu.memory_space<vmem_shared>>
    tpu.wait_indirect_dma semaphore(%arg12 : memref<!tpu.dma_semaphore, #tpu.memory_space<semaphore_mem>>) src(%dma_wait3A_52 : memref<10240x16xf32, #tpu.memory_space<vmem_shared>>) dst(%arg11 : memref<2000x16xf32, #tpu.memory_space<vmem>>)
    "tpu.region"() ({
      %run_scoped3A = tpu.sem_alloc : memref<!tpu.dma_semaphore, #tpu.memory_space<semaphore_mem>>
      %dma_start3A_54 = arith.constant 0 : i32
      %dma_start3A_55 = arith.constant 0 : i32
      %dma_start3A_56 = tpu.memref_slice %arg7[%dma_start3A_54, %dma_start3A_55] : memref<10240x16xf32, #tpu.memory_space<vmem_shared>> -> memref<10240x16xf32, #tpu.memory_space<vmem_shared>>
      tpu.enqueue_indirect_dma source(%arg11 : memref<2000x16xf32, #tpu.memory_space<vmem>>) target(%dma_start3A_56 : memref<10240x16xf32, #tpu.memory_space<vmem_shared>>) offsets(%arg10 : memref<2000xi32, #tpu.memory_space<vmem>>) semaphore(%run_scoped3A : memref<!tpu.dma_semaphore, #tpu.memory_space<semaphore_mem>>) {add = true}
      %dma_wait3A_57 = arith.constant 0 : i32
      %dma_wait3A_58 = arith.constant 0 : i32
      %dma_wait3A_59 = tpu.memref_slice %arg7[%dma_wait3A_57, %dma_wait3A_58] : memref<10240x16xf32, #tpu.memory_space<vmem_shared>> -> memref<10240x16xf32, #tpu.memory_space<vmem_shared>>
      tpu.wait_indirect_dma semaphore(%run_scoped3A : memref<!tpu.dma_semaphore, #tpu.memory_space<semaphore_mem>>) src(%arg11 : memref<2000x16xf32, #tpu.memory_space<vmem>>) dst(%dma_wait3A_59 : memref<10240x16xf32, #tpu.memory_space<vmem_shared>>)
      tpu.yield
    }) : () -> ()
    %barrier3A_53 = arith.constant 0 : index
    tpu.barrier barrier_id(%barrier3A_53)
    "tpu.region"() ({
      %run_scoped3A = tpu.sem_alloc : memref<!tpu.dma_semaphore, #tpu.memory_space<semaphore_mem>>
      %dma_start3A_54 = arith.constant 0 : i32
      %dma_start3A_55 = tpu.memref_slice %arg5[%arg0, %mul3A_2, %dma_start3A_54] : memref<2x10240x128xf32, #tpu.memory_space<hbm>> -> memref<1x640x16xf32, #tpu.memory_space<hbm>>
      %dma_start3A_56 = tpu.memref_squeeze %dma_start3A_55 : memref<1x640x16xf32, #tpu.memory_space<hbm>> -> memref<640x16xf32, #tpu.memory_space<hbm>>
      %dma_start3A_57 = arith.constant 0 : i32
      %dma_start3A_58 = tpu.memref_slice %arg7[%mul3A_2, %dma_start3A_57] : memref<10240x16xf32, #tpu.memory_space<vmem_shared>> -> memref<640x16xf32, #tpu.memory_space<vmem_shared>>
      tpu.enqueue_dma source(%dma_start3A_58 : memref<640x16xf32, #tpu.memory_space<vmem_shared>>) target(%dma_start3A_56 : memref<640x16xf32, #tpu.memory_space<hbm>>) target_semaphore(%run_scoped3A : memref<!tpu.dma_semaphore, #tpu.memory_space<semaphore_mem>>)
      %dma_wait3A_59 = arith.constant 0 : i32
      %dma_wait3A_60 = tpu.memref_slice %arg5[%arg0, %mul3A_2, %dma_wait3A_59] : memref<2x10240x128xf32, #tpu.memory_space<hbm>> -> memref<1x640x16xf32, #tpu.memory_space<hbm>>
      %dma_wait3A_61 = tpu.memref_squeeze %dma_wait3A_60 : memref<1x640x16xf32, #tpu.memory_space<hbm>> -> memref<640x16xf32, #tpu.memory_space<hbm>>
      %dma_wait3A_62 = arith.constant 0 : i32
      %dma_wait3A_63 = tpu.memref_slice %arg7[%mul3A_2, %dma_wait3A_62] : memref<10240x16xf32, #tpu.memory_space<vmem_shared>> -> memref<640x16xf32, #tpu.memory_space<vmem_shared>>
      tpu.wait_dma2 semaphore(%run_scoped3A : memref<!tpu.dma_semaphore, #tpu.memory_space<semaphore_mem>>) src(%dma_wait3A_63 : memref<640x16xf32, #tpu.memory_space<vmem_shared>>) dst(%dma_wait3A_61 : memref<640x16xf32, #tpu.memory_space<hbm>>)
      tpu.yield
    }) : () -> ()
    return
  }
}

module attributes {stable_mosaic.version = 14 : i64} {
  func.func @body(%arg0: i32, %arg1: memref<1000x128xf32, #tpu.memory_space<vmem>>, %arg2: memref<128x16xf32, #tpu.memory_space<vmem>>, %arg3: memref<16x10xf32, #tpu.memory_space<vmem>>, %arg4: memref<1x1000x128xf32, #tpu.memory_space<vmem>>, %arg5: memref<1x1000x128xf32, #tpu.memory_space<vmem>>, %arg6: memref<1000x128xf32, #tpu.memory_space<vmem>>, %arg7: memref<1000x128xf32, #tpu.memory_space<vmem>>, %arg8: memref<128x128xf32, #tpu.memory_space<vmem>>) attributes {dimension_semantics = [#tpu.dimension_semantics<arbitrary>], iteration_bounds = array<i64: 10>, scalar_prefetch = 0 : i64, scratch_operands = 0 : i64, tpu.core_type = #tpu.core_type<tc>, window_params = [{transform_indices = @transform_0, window_bounds = array<i64: 1000, 128>}, {pipeline_mode = #tpu.pipeline_mode<synchronous>, transform_indices = @transform_1, window_bounds = array<i64: 128, 16>}, {pipeline_mode = #tpu.pipeline_mode<synchronous>, transform_indices = @transform_2, window_bounds = array<i64: 16, 10>}, {transform_indices = @transform_3, window_bounds = array<i64: 1, 1000, 128>}, {transform_indices = @transform_4, window_bounds = array<i64: 1, 1000, 128>}, {transform_indices = @transform_5, window_bounds = array<i64: 1000, 128>}, {transform_indices = @transform_6, window_bounds = array<i64: 1000, 128>}, {pipeline_mode = #tpu.pipeline_mode<synchronous>, transform_indices = @transform_7, window_bounds = array<i64: 128, 128>}]} {
    %get3A = arith.constant 0 : index
    %get3A_0 = arith.constant 0 : index
    %get3A_1 = arith.constant 0 : index
    %get3A_2 = vector.load %arg4[%get3A, %get3A_0, %get3A_1] : memref<1x1000x128xf32, #tpu.memory_space<vmem>>, vector<1x1000x128xf32>
    %get3A_3 = vector.shape_cast %get3A_2 : vector<1x1000x128xf32> to vector<1000x128xf32>
    %get3A_4 = arith.constant 0 : index
    %get3A_5 = arith.constant 0 : index
    %get3A_6 = arith.constant 0 : index
    %get3A_7 = vector.load %arg5[%get3A_4, %get3A_5, %get3A_6] : memref<1x1000x128xf32, #tpu.memory_space<vmem>>, vector<1x1000x128xf32>
    %get3A_8 = vector.shape_cast %get3A_7 : vector<1x1000x128xf32> to vector<1000x128xf32>
    %add3A = arith.addf %get3A_3, %get3A_8 : vector<1000x128xf32>
    %add3A_9 = arith.constant 1.000000e+00 : f32
    %add3A_10 = vector.broadcast %add3A_9 : f32 to vector<1000x128xf32>
    %add3A_11 = arith.addf %add3A, %add3A_10 : vector<1000x128xf32>
    %rsqrt3A = math.rsqrt %add3A_11 : vector<1000x128xf32>
    %get3A_12 = arith.constant 0 : index
    %get3A_13 = arith.constant 0 : index
    %get3A_14 = vector.load %arg1[%get3A_12, %get3A_13] : memref<1000x128xf32, #tpu.memory_space<vmem>>, vector<1000x128xf32>
    %get3A_15 = arith.constant 0 : index
    %get3A_16 = arith.constant 0 : index
    %get3A_17 = vector.load %arg2[%get3A_15, %get3A_16] : memref<128x16xf32, #tpu.memory_space<vmem>>, vector<128x16xf32>
    %dot_general3A = arith.constant dense<0.000000e+00> : vector<1000x16xf32>
    %dot_general3A_18 = tpu.matmul %get3A_14, %get3A_17, %dot_general3A {dimension_numbers = #tpu.dot_dimension_numbers<[1], [0], [0], [1], [0, 0, 1, 1], [], []>, transpose_lhs_hint = false} : vector<1000x128xf32>, vector<128x16xf32>, vector<1000x16xf32> -> vector<1000x16xf32>
    %slice3A = vector.extract_strided_slice %rsqrt3A {offsets = [0, 0], sizes = [1000, 16], strides = [1, 1]} : vector<1000x128xf32> to vector<1000x16xf32>
    %mul3A = arith.mulf %dot_general3A_18, %slice3A : vector<1000x16xf32>
    %broadcast_in_dim3A = arith.constant 0.000000e+00 : f32
    %broadcast_in_dim3A_19 = vector.broadcast %broadcast_in_dim3A : f32 to vector<1000x112xf32>
    %concatenate3A = tpu.concatenate %mul3A, %broadcast_in_dim3A_19 in 1 : vector<1000x16xf32>, vector<1000x112xf32> -> vector<1000x128xf32>
    %swap3A = arith.constant 0 : index
    %swap3A_20 = arith.constant 0 : index
    %swap3A_21 = vector.load %arg6[%swap3A, %swap3A_20] : memref<1000x128xf32, #tpu.memory_space<vmem>>, vector<1000x128xf32>
    tpu.vector_store %arg6[%swap3A, %swap3A_20], %concatenate3A {strides = array<i32>} : memref<1000x128xf32, #tpu.memory_space<vmem>>, vector<1000x128xf32>,
    %swap3A_22 = arith.constant 0 : index
    %swap3A_23 = arith.constant 0 : index
    %swap3A_24 = vector.load %arg7[%swap3A_22, %swap3A_23] : memref<1000x128xf32, #tpu.memory_space<vmem>>, vector<1000x128xf32>
    tpu.vector_store %arg7[%swap3A_22, %swap3A_23], %rsqrt3A {strides = array<i32>} : memref<1000x128xf32, #tpu.memory_space<vmem>>, vector<1000x128xf32>,
    %eq3A = arith.constant 0 : i32
    %eq3A_25 = arith.cmpi eq, %arg0, %eq3A : i32
    %convert_element_type3A = arith.extui %eq3A_25 : i1 to i32
    %cond3A = arith.constant 0 : i32
    %cond3A_26 = arith.cmpi ne, %convert_element_type3A, %cond3A : i32
    scf.if %cond3A_26 {
      %broadcast_in_dim3A_27 = arith.constant 0.000000e+00 : f32
      %broadcast_in_dim3A_28 = vector.broadcast %broadcast_in_dim3A_27 : f32 to vector<128x128xf32>
      %swap3A_29 = arith.constant 0 : index
      %swap3A_30 = arith.constant 0 : index
      %swap3A_31 = vector.load %arg8[%swap3A_29, %swap3A_30] : memref<128x128xf32, #tpu.memory_space<vmem>>, vector<128x128xf32>
      tpu.vector_store %arg8[%swap3A_29, %swap3A_30], %broadcast_in_dim3A_28 {strides = array<i32>} : memref<128x128xf32, #tpu.memory_space<vmem>>, vector<128x128xf32>,
      %get3A_32 = arith.constant 0 : index
      %get3A_33 = arith.constant 0 : index
      %get3A_34 = vector.load %arg3[%get3A_32, %get3A_33] : memref<16x10xf32, #tpu.memory_space<vmem>>, vector<16x10xf32>
      %swap3A_35 = arith.constant 0 : index
      %swap3A_36 = arith.constant 0 : index
      %swap3A_37 = vector.load %arg8[%swap3A_35, %swap3A_36] : memref<128x128xf32, #tpu.memory_space<vmem>>, vector<16x10xf32>
      tpu.vector_store %arg8[%swap3A_35, %swap3A_36], %get3A_34 {strides = array<i32>} : memref<128x128xf32, #tpu.memory_space<vmem>>, vector<16x10xf32>,
    } else {
    }
    return
  }
  func.func @transform_0(%arg0: i32) -> (i32, i32) {
    %c0_i32 = arith.constant 0 : i32
    %c0_i32_0 = arith.constant 0 : i32
    return %arg0, %c0_i32 : i32, i32
  }
  func.func @transform_1(%arg0: i32) -> (i32, i32) {
    %c0_i32 = arith.constant 0 : i32
    %c0_i32_0 = arith.constant 0 : i32
    %c0_i32_1 = arith.constant 0 : i32
    return %c0_i32, %c0_i32_0 : i32, i32
  }
  func.func @transform_2(%arg0: i32) -> (i32, i32) {
    %c0_i32 = arith.constant 0 : i32
    %c0_i32_0 = arith.constant 0 : i32
    %c0_i32_1 = arith.constant 0 : i32
    return %c0_i32, %c0_i32_0 : i32, i32
  }
  func.func @transform_3(%arg0: i32) -> (i32, i32, i32) {
    %c0_i32 = arith.constant 0 : i32
    %c0_i32_0 = arith.constant 0 : i32
    %c0_i32_1 = arith.constant 0 : i32
    return %c0_i32, %arg0, %c0_i32_0 : i32, i32, i32
  }
  func.func @transform_4(%arg0: i32) -> (i32, i32, i32) {
    %c1_i32 = arith.constant 1 : i32
    %c0_i32 = arith.constant 0 : i32
    %c0_i32_0 = arith.constant 0 : i32
    return %c1_i32, %arg0, %c0_i32 : i32, i32, i32
  }
  func.func @transform_5(%arg0: i32) -> (i32, i32) {
    %c0_i32 = arith.constant 0 : i32
    %c0_i32_0 = arith.constant 0 : i32
    return %arg0, %c0_i32 : i32, i32
  }
  func.func @transform_6(%arg0: i32) -> (i32, i32) {
    %c0_i32 = arith.constant 0 : i32
    %c0_i32_0 = arith.constant 0 : i32
    return %arg0, %c0_i32 : i32, i32
  }
  func.func @transform_7(%arg0: i32) -> (i32, i32) {
    %c0_i32 = arith.constant 0 : i32
    %c0_i32_0 = arith.constant 0 : i32
    %c0_i32_1 = arith.constant 0 : i32
    return %c0_i32, %c0_i32_0 : i32, i32
  }
}

module attributes {stable_mosaic.version = 14 : i64} {
  func.func @body(%arg0: i32, %arg1: memref<1x1000x128xf32, #tpu.memory_space<vmem>>, %arg2: memref<1x1000x128xf32, #tpu.memory_space<vmem>>, %arg3: memref<1000x128xf32, #tpu.memory_space<vmem>>, %arg4: memref<1000x128xf32, #tpu.memory_space<vmem>>, %arg5: memref<1x128xf32, #tpu.memory_space<vmem>>, %arg6: memref<128x128xf32, #tpu.memory_space<vmem>>, %arg7: memref<1000x128xf32, #tpu.memory_space<vmem>>) attributes {dimension_semantics = [#tpu.dimension_semantics<arbitrary>], iteration_bounds = array<i64: 10>, scalar_prefetch = 0 : i64, scratch_operands = 0 : i64, tpu.core_type = #tpu.core_type<tc>, window_params = [{transform_indices = @transform_0, window_bounds = array<i64: 1, 1000, 128>}, {transform_indices = @transform_1, window_bounds = array<i64: 1, 1000, 128>}, {transform_indices = @transform_2, window_bounds = array<i64: 1000, 128>}, {transform_indices = @transform_3, window_bounds = array<i64: 1000, 128>}, {pipeline_mode = #tpu.pipeline_mode<synchronous>, transform_indices = @transform_4, window_bounds = array<i64: 1, 128>}, {pipeline_mode = #tpu.pipeline_mode<synchronous>, transform_indices = @transform_5, window_bounds = array<i64: 128, 128>}, {transform_indices = @transform_6, window_bounds = array<i64: 1000, 128>}]} {
    %iota3A = tpu.iota {dimensions = array<i32: 1>} : vector<1000x128xi32>
    %get3A = arith.constant 0 : index
    %get3A_0 = arith.constant 0 : index
    %get3A_1 = vector.load %arg4[%get3A, %get3A_0] : memref<1000x128xf32, #tpu.memory_space<vmem>>, vector<1000x128xf32>
    %get3A_2 = arith.constant 0 : index
    %get3A_3 = arith.constant 0 : index
    %get3A_4 = arith.constant 0 : index
    %get3A_5 = vector.load %arg1[%get3A_2, %get3A_3, %get3A_4] : memref<1x1000x128xf32, #tpu.memory_space<vmem>>, vector<1x1000x128xf32>
    %get3A_6 = vector.shape_cast %get3A_5 : vector<1x1000x128xf32> to vector<1000x128xf32>
    %get3A_7 = arith.constant 0 : index
    %get3A_8 = arith.constant 0 : index
    %get3A_9 = arith.constant 0 : index
    %get3A_10 = vector.load %arg2[%get3A_7, %get3A_8, %get3A_9] : memref<1x1000x128xf32, #tpu.memory_space<vmem>>, vector<1x1000x128xf32>
    %get3A_11 = vector.shape_cast %get3A_10 : vector<1x1000x128xf32> to vector<1000x128xf32>
    %add3A = arith.addf %get3A_6, %get3A_11 : vector<1000x128xf32>
    %get3A_12 = arith.constant 0 : index
    %get3A_13 = arith.constant 0 : index
    %get3A_14 = vector.load %arg3[%get3A_12, %get3A_13] : memref<1000x128xf32, #tpu.memory_space<vmem>>, vector<1000x128xf32>
    %sub3A = arith.subf %add3A, %get3A_14 : vector<1000x128xf32>
    %mul3A = arith.mulf %get3A_1, %sub3A : vector<1000x128xf32>
    %get3A_15 = arith.constant 0 : index
    %get3A_16 = arith.constant 0 : index
    %get3A_17 = vector.load %arg5[%get3A_15, %get3A_16] : memref<1x128xf32, #tpu.memory_space<vmem>>, vector<1x128xf32>
    %add3A_18 = vector.broadcast %get3A_17 : vector<1x128xf32> to vector<1000x128xf32>
    %add3A_19 = arith.addf %mul3A, %add3A_18 : vector<1000x128xf32>
    %max3A = arith.constant 0.000000e+00 : f32
    %max3A_20 = vector.broadcast %max3A : f32 to vector<1000x128xf32>
    %max3A_21 = arith.maximumf %add3A_19, %max3A_20 : vector<1000x128xf32>
    %lt3A = arith.constant 16 : i32
    %lt3A_22 = vector.broadcast %lt3A : i32 to vector<1000x128xi32>
    %lt3A_23 = arith.cmpi slt, %iota3A, %lt3A_22 : vector<1000x128xi32>
    %jit3A = arith.constant 0.000000e+00 : f32
    %broadcast_in_dim3A = vector.broadcast %jit3A : f32 to vector<1000x128xf32>
    %select_n3A = arith.select %lt3A_23, %max3A_21, %broadcast_in_dim3A : vector<1000x128xi1>, vector<1000x128xf32>
    %get3A_24 = arith.constant 0 : index
    %get3A_25 = arith.constant 0 : index
    %get3A_26 = vector.load %arg6[%get3A_24, %get3A_25] : memref<128x128xf32, #tpu.memory_space<vmem>>, vector<128x128xf32>
    %dot_general3A = arith.constant dense<0.000000e+00> : vector<1000x128xf32>
    %dot_general3A_27 = tpu.matmul %select_n3A, %get3A_26, %dot_general3A {dimension_numbers = #tpu.dot_dimension_numbers<[1], [0], [0], [1], [0, 0, 1, 1], [], []>, transpose_lhs_hint = false} : vector<1000x128xf32>, vector<128x128xf32>, vector<1000x128xf32> -> vector<1000x128xf32>
    %get3A_28 = arith.constant 0 : index
    %get3A_29 = arith.constant 0 : index
    %get3A_30 = vector.load %arg4[%get3A_28, %get3A_29] : memref<1000x128xf32, #tpu.memory_space<vmem>>, vector<1000x128xf32>
    %mul3A_31 = arith.mulf %dot_general3A_27, %get3A_30 : vector<1000x128xf32>
    %swap3A = arith.constant 0 : index
    %swap3A_32 = arith.constant 0 : index
    %swap3A_33 = vector.load %arg7[%swap3A, %swap3A_32] : memref<1000x128xf32, #tpu.memory_space<vmem>>, vector<1000x128xf32>
    tpu.vector_store %arg7[%swap3A, %swap3A_32], %mul3A_31 {strides = array<i32>} : memref<1000x128xf32, #tpu.memory_space<vmem>>, vector<1000x128xf32>,
    return
  }
  func.func @transform_0(%arg0: i32) -> (i32, i32, i32) {
    %c0_i32 = arith.constant 0 : i32
    %c0_i32_0 = arith.constant 0 : i32
    %c0_i32_1 = arith.constant 0 : i32
    return %c0_i32, %arg0, %c0_i32_0 : i32, i32, i32
  }
  func.func @transform_1(%arg0: i32) -> (i32, i32, i32) {
    %c1_i32 = arith.constant 1 : i32
    %c0_i32 = arith.constant 0 : i32
    %c0_i32_0 = arith.constant 0 : i32
    return %c1_i32, %arg0, %c0_i32 : i32, i32, i32
  }
  func.func @transform_2(%arg0: i32) -> (i32, i32) {
    %c0_i32 = arith.constant 0 : i32
    %c0_i32_0 = arith.constant 0 : i32
    return %arg0, %c0_i32 : i32, i32
  }
  func.func @transform_3(%arg0: i32) -> (i32, i32) {
    %c0_i32 = arith.constant 0 : i32
    %c0_i32_0 = arith.constant 0 : i32
    return %arg0, %c0_i32 : i32, i32
  }
  func.func @transform_4(%arg0: i32) -> (i32, i32) {
    %c0_i32 = arith.constant 0 : i32
    %c0_i32_0 = arith.constant 0 : i32
    %c0_i32_1 = arith.constant 0 : i32
    return %c0_i32, %c0_i32_0 : i32, i32
  }
  func.func @transform_5(%arg0: i32) -> (i32, i32) {
    %c0_i32 = arith.constant 0 : i32
    %c0_i32_0 = arith.constant 0 : i32
    %c0_i32_1 = arith.constant 0 : i32
    return %c0_i32, %c0_i32_0 : i32, i32
  }
  func.func @transform_6(%arg0: i32) -> (i32, i32) {
    %c0_i32 = arith.constant 0 : i32
    %c0_i32_0 = arith.constant 0 : i32
    return %arg0, %c0_i32 : i32, i32
  }
}

module attributes {stable_mosaic.version = 14 : i64} {
  func.func @body(%arg0: i32, %arg1: memref<1x1000x128xf32, #tpu.memory_space<vmem>>, %arg2: memref<1x1000x128xf32, #tpu.memory_space<vmem>>, %arg3: memref<1000x128xf32, #tpu.memory_space<vmem>>, %arg4: memref<1000x128xf32, #tpu.memory_space<vmem>>, %arg5: memref<1x128xf32, #tpu.memory_space<vmem>>, %arg6: memref<1000x10xf32, #tpu.memory_space<vmem>>) attributes {dimension_semantics = [#tpu.dimension_semantics<arbitrary>], iteration_bounds = array<i64: 10>, scalar_prefetch = 0 : i64, scratch_operands = 0 : i64, tpu.core_type = #tpu.core_type<tc>, window_params = [{transform_indices = @transform_0, window_bounds = array<i64: 1, 1000, 128>}, {transform_indices = @transform_1, window_bounds = array<i64: 1, 1000, 128>}, {transform_indices = @transform_2, window_bounds = array<i64: 1000, 128>}, {transform_indices = @transform_3, window_bounds = array<i64: 1000, 128>}, {pipeline_mode = #tpu.pipeline_mode<synchronous>, transform_indices = @transform_4, window_bounds = array<i64: 1, 128>}, {transform_indices = @transform_5, window_bounds = array<i64: 1000, 10>}]} {
    %get3A = arith.constant 0 : index
    %get3A_0 = arith.constant 0 : index
    %get3A_1 = vector.load %arg4[%get3A, %get3A_0] : memref<1000x128xf32, #tpu.memory_space<vmem>>, vector<1000x128xf32>
    %get3A_2 = arith.constant 0 : index
    %get3A_3 = arith.constant 0 : index
    %get3A_4 = arith.constant 0 : index
    %get3A_5 = vector.load %arg1[%get3A_2, %get3A_3, %get3A_4] : memref<1x1000x128xf32, #tpu.memory_space<vmem>>, vector<1x1000x128xf32>
    %get3A_6 = vector.shape_cast %get3A_5 : vector<1x1000x128xf32> to vector<1000x128xf32>
    %get3A_7 = arith.constant 0 : index
    %get3A_8 = arith.constant 0 : index
    %get3A_9 = arith.constant 0 : index
    %get3A_10 = vector.load %arg2[%get3A_7, %get3A_8, %get3A_9] : memref<1x1000x128xf32, #tpu.memory_space<vmem>>, vector<1x1000x128xf32>
    %get3A_11 = vector.shape_cast %get3A_10 : vector<1x1000x128xf32> to vector<1000x128xf32>
    %add3A = arith.addf %get3A_6, %get3A_11 : vector<1000x128xf32>
    %get3A_12 = arith.constant 0 : index
    %get3A_13 = arith.constant 0 : index
    %get3A_14 = vector.load %arg3[%get3A_12, %get3A_13] : memref<1000x128xf32, #tpu.memory_space<vmem>>, vector<1000x128xf32>
    %sub3A = arith.subf %add3A, %get3A_14 : vector<1000x128xf32>
    %mul3A = arith.mulf %get3A_1, %sub3A : vector<1000x128xf32>
    %slice3A = vector.extract_strided_slice %mul3A {offsets = [0, 0], sizes = [1000, 10], strides = [1, 1]} : vector<1000x128xf32> to vector<1000x10xf32>
    %get3A_15 = arith.constant 0 : index
    %get3A_16 = arith.constant 0 : index
    %get3A_17 = vector.load %arg5[%get3A_15, %get3A_16] : memref<1x128xf32, #tpu.memory_space<vmem>>, vector<1x128xf32>
    %slice3A_18 = vector.extract_strided_slice %get3A_17 {offsets = [0, 0], sizes = [1, 10], strides = [1, 1]} : vector<1x128xf32> to vector<1x10xf32>
    %add3A_19 = vector.broadcast %slice3A_18 : vector<1x10xf32> to vector<1000x10xf32>
    %add3A_20 = arith.addf %slice3A, %add3A_19 : vector<1000x10xf32>
    %reduce_max3A = arith.constant dense<0xFF800000> : vector<1000xf32>
    %reduce_max3A_21 = vector.multi_reduction <maximumf>, %add3A_20, %reduce_max3A [1] : vector<1000x10xf32> to vector<1000xf32>
    %broadcast_in_dim3A = vector.shape_cast %reduce_max3A_21 : vector<1000xf32> to vector<1000x1xf32>
    %sub3A_22 = vector.broadcast %broadcast_in_dim3A : vector<1000x1xf32> to vector<1000x10xf32>
    %sub3A_23 = arith.subf %add3A_20, %sub3A_22 : vector<1000x10xf32>
    %exp3A = math.exp %sub3A_23 : vector<1000x10xf32>
    %reduce_sum3A = arith.constant dense<0.000000e+00> : vector<1000xf32>
    %reduce_sum3A_24 = vector.multi_reduction <add>, %exp3A, %reduce_sum3A [1] : vector<1000x10xf32> to vector<1000xf32>
    %broadcast_in_dim3A_25 = vector.shape_cast %reduce_sum3A_24 : vector<1000xf32> to vector<1000x1xf32>
    %log3A = math.log %broadcast_in_dim3A_25 : vector<1000x1xf32>
    %sub3A_26 = vector.broadcast %log3A : vector<1000x1xf32> to vector<1000x10xf32>
    %sub3A_27 = arith.subf %sub3A_23, %sub3A_26 : vector<1000x10xf32>
    %swap3A = arith.constant 0 : index
    %swap3A_28 = arith.constant 0 : index
    %swap3A_29 = vector.load %arg6[%swap3A, %swap3A_28] : memref<1000x10xf32, #tpu.memory_space<vmem>>, vector<1000x10xf32>
    tpu.vector_store %arg6[%swap3A, %swap3A_28], %sub3A_27 {strides = array<i32>} : memref<1000x10xf32, #tpu.memory_space<vmem>>, vector<1000x10xf32>,
    return
  }
  func.func @transform_0(%arg0: i32) -> (i32, i32, i32) {
    %c0_i32 = arith.constant 0 : i32
    %c0_i32_0 = arith.constant 0 : i32
    %c0_i32_1 = arith.constant 0 : i32
    return %c0_i32, %arg0, %c0_i32_0 : i32, i32, i32
  }
  func.func @transform_1(%arg0: i32) -> (i32, i32, i32) {
    %c1_i32 = arith.constant 1 : i32
    %c0_i32 = arith.constant 0 : i32
    %c0_i32_0 = arith.constant 0 : i32
    return %c1_i32, %arg0, %c0_i32 : i32, i32, i32
  }
  func.func @transform_2(%arg0: i32) -> (i32, i32) {
    %c0_i32 = arith.constant 0 : i32
    %c0_i32_0 = arith.constant 0 : i32
    return %arg0, %c0_i32 : i32, i32
  }
  func.func @transform_3(%arg0: i32) -> (i32, i32) {
    %c0_i32 = arith.constant 0 : i32
    %c0_i32_0 = arith.constant 0 : i32
    return %arg0, %c0_i32 : i32, i32
  }
  func.func @transform_4(%arg0: i32) -> (i32, i32) {
    %c0_i32 = arith.constant 0 : i32
    %c0_i32_0 = arith.constant 0 : i32
    %c0_i32_1 = arith.constant 0 : i32
    return %c0_i32, %c0_i32_0 : i32, i32
  }
  func.func @transform_5(%arg0: i32) -> (i32, i32) {
    %c0_i32 = arith.constant 0 : i32
    %c0_i32_0 = arith.constant 0 : i32
    return %arg0, %c0_i32 : i32, i32
  }
}

</mosaic_0001>

<sc_bundles>
// kernel: kernel.11.cloned.1.call-start
scs
__scs_entry_jumppad:
0x0: {  	(pc) =	sbr.rel $0x88, $3  }
0x1: {  	(tag) =	ssettag $0x0;
	lr =	simm.s32 $0x1  }
0x2: {  	[smem:$0x3F9B] =	sst lr;
	_ =	strace $0xD0000000  }
0x3: {  	_ = 	snop  }
0x4: {  	_ = 	snop  }
0x5: {  	_ = 	snop  }
0x6: {  	_ = 	snop  }
0x7: {  	_ = 	snop  }
__scs_overlays_trampoline_lowered:
0x8: {  	[smem:$0x3FAA] =	sst s0  }
0x9: {  	[smem:$0x3FAB] =	sst s1  }
0xa: {  	[smem:$0x3FAC] =	sst s2  }
0xb: {  	[smem:$0x3FAD] =	sst s3  }
0xc: {  	[smem:$0x3FAE] =	sst s4  }
0xd: {  	[smem:$0x3FAF] =	sst s5  }
0xe: {  	[smem:$0x3FB0] =	sst s6  }
0xf: {  	[smem:$0x3FB1] =	sst s7  }
0x10: {  	[smem:$0x3FB2] =	sst s8  }
0x11: {  	[smem:$0x3FB3] =	sst s9;
	s0 =	simm.s32 @!p0 $0x0  }
0x12: {  	s1 =	sld [smem:$0x3F99];
	s0 =	simm.s32 @p0 $0x1  }
0x13: {  	[smem:$0x3FB4] =	sst s0;
	s0 =	simm.s32 @!p1 $0x0  }
0x14: {  	s2 =	sld [smem:$0x3F98];
	s0 =	simm.s32 @p1 $0x1  }
0x15: {  	[smem:$0x3FB5] =	sst s0;
	s0 =	simm.s32 @!p2 $0x0  }
0x16: {  	s3 =	sld [smem:$0x3FDB];
	s0 =	simm.s32 @p2 $0x1  }
0x17: {  	s4 =	simm.s32 $0x1BF5;
	[smem:$0x3FB7] =	sst s0  }
0x18: {  	s0 =	sld [smem:$0x3F9A];
	_ =	swait.ge [sflag:s4], $0x0  }
0x19: {  	s7 =	sld [smem:$0x3F9B]  }
0x1a: {  	s8 =	sadd.s32 $0xFFFFE003, lr  }
0x1b: {  	s9 =	sadd.s32 $0xFFFFFEF7, lr;
	s5 =	simm.s32 $0xFFFFFFFF;
	p2 =	slt.u32 s8, $0xFFFFF086  }
0x1c: {  	p1 =	slt.u32 s9, $0xF7A;
	s5 =	simm.s32 @!p2 $0x0  }
0x1d: {  	s5 =	simm.s32 @p1 $0x1;
	p0 =	seq.s32 s7, s2  }
0x1e: {  	s7 =	smul.u32 @!p0 $0xF7A, s2;
	p2 =	seq.s32 @!p0 s5, $0x0  }
0x1f: {  	s9 =	smul.u32 $0xF7A, s1;
	s8 =	simm.s32 @!p0 $0x1BF5;
	p2 =	por !p2, p0  }
0x20: {  	[sflag:s8] =	ssyncset.s32 @!p0 $0xFFFFF086;
	s6 =	sadd.s32 @!p0 s3, s7;
	s7 =	simm.s32 @!p0 $0x108  }
0x21: {  	s3 =	sadd.s32 s3, s9;
	s6 =	sadd.s32 @!p0 $0x88, s6;
	s7 =	simm.s32 @p2 $0x1082  }
0x22: {  	[simem:s7], [sflag:s8] =	dma.local @!p0 [hbm:s6], $0xF7A  }
0x23: {  	s9 =	sor.u32 $0xD0000000, s2;
	s6 =	simm.s32 $0x108;
	_ =	swait.ge @!p0 [sflag:s8], $0x0  }
0x24: {  	s3 =	sadd.s32 $0x88, s3;
	s6 =	simm.s32 @!p1 $0x1082;
	[sflag:s4] =	ssyncset.s32 $0xFFFFF086  }
0x25: {  	[simem:s6], [sflag:s4] =	dma.local [hbm:s3], $0xF7A  }
0x26: {  	[smem:$0x3F9B] =	sst s1;
	(tag) =	ssettag s2;
	_ =	strace s9  }
0x27: {  	s1 =	sld [smem:$0x3FAB]  }
0x28: {  	s2 =	sld [smem:$0x3FAC]  }
0x29: {  	s4 =	sld [smem:$0x3FAE]  }
0x2a: {  	p0 =	seq.s32 s5, $0x0;
	s5 =	sld [smem:$0x3FAF]  }
0x2b: {  	s6 =	sld [smem:$0x3FB0]  }
0x2c: {  	s7 =	sld [smem:$0x3FB1]  }
0x2d: {  	s3 =	simm.s32 $0x108;
	s8 =	sld [smem:$0x3FB2]  }
0x2e: {  	s3 =	simm.s32 @!p0 $0x1082;
	s9 =	sld [smem:$0x3FB3]  }
0x2f: {  	lr =	sadd.s32 s0, s3;
	s0 =	sld [smem:$0x3FAA]  }
0x30: {  	s3 =	sld [smem:$0x3FAD]  }
0x31: {  	[smem:$0x3FB6] =	sst s10  }
0x32: {  	s10 =	sld [smem:$0x3FB4];
	_ =	sdelay $0x3  }
0x33: {  	p0 =	seq.s32 s10, $0x1;
	s10 =	sld [smem:$0x3FB6];
	_ =	sdelay $0x3  }
0x34: {  	[smem:$0x3FB6] =	sst s10  }
0x35: {  	s10 =	sld [smem:$0x3FB5];
	_ =	sdelay $0x3  }
0x36: {  	p1 =	seq.s32 s10, $0x1;
	s10 =	sld [smem:$0x3FB6];
	_ =	sdelay $0x3  }
0x37: {  	[smem:$0x3FB6] =	sst s10  }
0x38: {  	s10 =	sld [smem:$0x3FB7]  }
0x39: {  	_ = 	snop;
	(pc) =	sbr.ind lr, $3  }
0x3a: {  	_ = 	snop  }
0x3b: {  	_ = 	snop  }
0x3c: {  	p2 =	seq.s32 s10, $0x1;
	s10 =	sld [smem:$0x3FB6]  }
0x3d: {  	_ =	shalt  }
0x3e: {  	_ =	shalt  }
0x3f: {  	_ =	shalt  }
0x40: {  	_ =	shalt  }
0x41: {  	_ =	shalt  }
0x42: {  	_ =	shalt  }
0x43: {  	_ =	shalt  }
0x44: {  	_ =	shalt  }
0x45: {  	_ =	shalt  }
0x46: {  	_ =	shalt  }
0x47: {  	_ =	shalt  }
0x48: {  	_ =	shalt  }
0x49: {  	_ =	shalt  }
0x4a: {  	_ =	shalt  }
0x4b: {  	_ =	shalt  }
0x4c: {  	_ =	shalt  }
0x4d: {  	_ =	shalt  }
0x4e: {  	_ =	shalt  }
0x4f: {  	_ =	shalt  }
0x50: {  	_ =	shalt  }
0x51: {  	_ =	shalt  }
0x52: {  	_ =	shalt  }
0x53: {  	_ =	shalt  }
0x54: {  	_ =	shalt  }
0x55: {  	_ =	shalt  }
0x56: {  	_ =	shalt  }
0x57: {  	_ =	shalt  }
0x58: {  	_ =	shalt  }
0x59: {  	_ =	shalt  }
0x5a: {  	_ =	shalt  }
0x5b: {  	_ =	shalt  }
0x5c: {  	_ =	shalt  }
0x5d: {  	_ =	shalt  }
0x5e: {  	_ =	shalt  }
0x5f: {  	_ =	shalt  }
0x60: {  	_ =	shalt  }
0x61: {  	_ =	shalt  }
0x62: {  	_ =	shalt  }
0x63: {  	_ =	shalt  }
0x64: {  	_ =	shalt  }
0x65: {  	_ =	shalt  }
0x66: {  	_ =	shalt  }
0x67: {  	_ =	shalt  }
0x68: {  	_ =	shalt  }
0x69: {  	_ =	shalt  }
0x6a: {  	_ =	shalt  }
0x6b: {  	_ =	shalt  }
0x6c: {  	_ =	shalt  }
0x6d: {  	_ =	shalt  }
0x6e: {  	_ =	shalt  }
0x6f: {  	_ =	shalt  }
0x70: {  	_ =	shalt  }
0x71: {  	_ =	shalt  }
0x72: {  	_ =	shalt  }
0x73: {  	_ =	shalt  }
0x74: {  	_ =	shalt  }
0x75: {  	_ =	shalt  }
0x76: {  	_ =	shalt  }
0x77: {  	_ =	shalt  }
0x78: {  	_ =	shalt  }
0x79: {  	_ =	shalt  }
0x7a: {  	_ =	shalt  }
0x7b: {  	_ =	shalt  }
0x7c: {  	_ =	shalt  }
0x7d: {  	_ =	shalt  }
0x7e: {  	_ =	shalt  }
0x7f: {  	_ =	shalt  }
0x80: {  	_ =	shalt  }
0x81: {  	_ =	shalt  }
0x82: {  	_ =	shalt  }
0x83: {  	_ =	shalt  }
0x84: {  	_ =	shalt  }
0x85: {  	_ =	shalt  }
0x86: {  	_ =	shalt  }
0x87: {  	_ =	shalt  }
.Lfunc_end0:
.L_simem_size_0:
called_computation.1_lowered:
.L_overlay_start_0:
0x88: {  	s2 =	sld [smem:$0x3FD9]  }
0x89: {  	s3 =	sld [smem:$0x3FFE];
	_ =	sdelay $0x1  }
0x8a: {  	s1 =	srdreg.scid  }
0x8b: {  	s0 =	sand.u32 $0x1, s1  }
0x8c: {  	s16 =	sshll.u32 s0, $0xA;
	s2 =	sadd.s32 s3, s2  }
0x8d: {  	s2 =	sadd.s32 s2, s16  }
0x8e: {  	[smem:$0x3FC2] =	sst s2  }
0x8f: {  	_ = 	snop  }
0x90: {  	(tm) =	ssettm $0x1  }
0x91: {  	s17 =	sld [smem:$0x3FFB];
	_ =	sdelay $0x3  }
0x92: {  	_ =	strace s17  }
0x93: {  	s2 =	sld [smem:$0x3FFC];
	_ =	sdelay $0x3  }
0x94: {  	_ =	strace s2  }
0x95: {  	s2 =	sld [smem:$0x3FFD];
	_ =	sdelay $0x3  }
0x96: {  	_ =	strace s2  }
0x97: {  	_ =	strace $0x8FFFFFFF  }
0x98: {  	s18 =	sld [smem:$0x3FDB];
	_ =	sdelay $0x1  }
0x99: {  	s19 =	simm.s32 $_scs_section_size  }
0x9a: {  	s4 =	simm.s32 $_size__tile_overlayer_lowered;
	s5 =	simm.s32 $_tile_overlayer_lowered  }
0x9b: {  	s22 =	simm.s32 $0x1BFF;
	s21 =	sshll.u32 s5, $0x1;
	s2 =	sadd.s32 s19, s18  }
0x9c: {  	s6 =	simm.s32 $0x0;
	s20 =	sshll.u32 s4, $0x1;
	s4 =	sadd.s32 s21, s2  }
0x9d: {  	[timem:s6], [sflag:s22] =	dma.local [hbm:s4], s20  }
0x9e: {  	_ =	swait.ge [sflag:s22], s20  }
0x9f: {  	s3 =	ssub.s32 $0x0, s20;
	[sflag:s22] =	ssyncset.done $0x0  }
0xa0: {  	[sflag:s22] =	ssyncadd.s32 s3;
	_ =	sdelay $0x1  }
0xa1: {  	s23 =	simm.s32 $0x1B8B  }
0xa2: {  	_ =	swait.ge [sflag:s23], $0x1  }
0xa3: {  	[sflag:s23] =	ssyncset.done $0x0  }
0xa4: {  	s25 =	simm.s32 $0x1B8E;
	s24 =	sld [smem:$0x3FFE];
	[sflag:s23] =	ssyncadd.s32 $0xFFFFFFFF  }
0xa5: {  	s26 =	simm.s32 $execute0_lowered;
	[smem:$0x3FD2] =	sst s25  }
0xa6: {  	s4 =	sshll.u32 s26, $0x1;
	_ =	strace $0x80000049;
	[dreg:$0x1] =	wrdreg $0xFFFFFFFF  }
0xa7: {  	s28 =	simm.s32 $_size_execute0_lowered;
	s2 =	sadd.s32 s2, s4;
	[dreg:$0x0] =	wrdreg $0x0  }
0xa8: {  	s4 =	sshll.u32 s28, $0x1;
	[dreg:$0x2] =	wrdreg s2  }
0xa9: {  	[dreg:$0x3] =	wrdreg s4  }
0xaa: {  	[dreg:$0x4] =	wrdreg $0xC0  }
0xab: {  	_ =	task [dreg:s6], $0x5FFFF  }
0xac: {  	[dreg:$0x1] =	wrdreg $0xFFFFFFFF  }
0xad: {  	[dreg:$0x0] =	wrdreg $0x60  }
0xae: {  	[dreg:$0x2] =	wrdreg s24  }
0xaf: {  	[dreg:$0x3] =	wrdreg $0x0  }
0xb0: {  	[dreg:$0x4] =	wrdreg $0x28000  }
0xb1: {  	[dreg:$0x5] =	wrdreg $0x9  }
0xb2: {  	_ =	task.clear_ibuf [dreg:s6], $0x6FFFF;
	_ =	strace $0x90000049  }
0xb3: {  	s29 =	simm.s32 $0x9;
	_ =	strace $0x8000004B  }
0xb4: {  	_ =	swait.ge [sflag:s29], $0x1  }
0xb5: {  	[sflag:s29] =	ssyncadd.s32 $0xFFFFFFFF  }
0xb6: {  	_ =	strace $0x9000004B  }
0xb7: {  	_ =	sfence  }
0xb8: {  	s30 =	sld [smem:$0x0];
	_ =	sdelay $0x2  }
0xb9: {  	s31 =	sshll.u32 s1, $0xD;
	s1 =	sshrl.u32 s1, $0x2  }
0xba: {  	s3 =	sand.u32 $0x4000, s31;
	s1 =	sadd.s32 s1, s30  }
0xbb: {  	s0 =	sor.u32 s3, s0;
	s1 =	sshll.u32 s1, $0x11  }
0xbc: {  	s0 =	sor.u32 s1, s0  }
0xbd: {  	s0 =	sadd.s32 $0x8F2B, s0  }
0xbe: {  	[sflag:s0] =	ssyncadd.remote.s32 $0x1  }
0xbf: {  	_ =	sfence.sel $0xFFFF  }
0xc0: {  	[dreg:$0x0] =	wrdreg $0xFFFFFFFF;
	(pc) =	sbr.abs _section_cstart, $3  }
0xc1: {  	[dreg:$0x1] =	wrdreg $0xFFFFFFFF  }
0xc2: {  	_ =	task.clear_ibuf [dreg:s6], $0x2FFFF;
	_ =	strace $0x9FFFFFFF  }
0xc3: {  	(tm) =	ssettm $0x7FFFFFFF  }
tec
execute0_lowered:
.L_overlay_start_1:
0x0: {  	(tag) =	ssettag $0x1  }
0x1: {  	s5 =	rddreg [dreg:$0x0]  }
0x2: {  	s3 =	rddreg [dreg:$0x1]  }
0x3: {  	s2 =	rddreg [dreg:$0x2]  }
0x4: {  	s1 =	stileid.u32;
	s0 =	rddreg [dreg:$0x3];
	s4 =	simm.s32 $0x0  }
0x5: {  	s7 =	srdreg.scid;
	s16 =	simm.s32 $0x7800;
	s17 =	simm.s32 $0x10C70  }
0x6: {  	p0 =	por $0x0, $0x0;
	s6 =	smul.u32 $0x14000, s1;
	[smem:$0x7FF] =	sst s4  }
0x7: {  	s7 =	sand.u32 $0x1, s7;
	s10 =	sadd.s32 $0x1E00, s5;
	s11 =	sadd.s32 $0xBC00, s5  }
0x8: {  	s12 =	sshll.u32 s1, $0x1;
	s19 =	smul.u32 $0x2800, s1;
	_ =	strace $0x8000004A  }
0x9: {  	s9 =	smul.u32 $0x140000, s7;
	s18 =	sor.u32 s7, s12;
	s7 =	ssub.s32 $0x2, s7  }
0xa: {  	s12 =	simm.s32 $0x87A0;
	s8 =	sshrl.u32 s6, $0x3;
	s20 =	sshrl.u32 s7, $0x1  }
0xb: {  	s21 =	sadd.s32 s19, s3;
	s8 =	sadd.s32 s8, s5;
	s6 =	sadd.s32 s6, s9  }
0xc: {  	s9 =	smul.u32 $0x2710, s18;
	s7 =	ssub.s32 s7, s20;
	[dreg:$0x5] =	wrdreg s21  }
0xd: {  	s21 =	simm.s32 $0x104A0;
	s18 =	simm.s32 $0x11440;
	s6 =	sshrl.u32 s6, $0x3  }
0xe: {  	s8 =	sadd.s32 $0x15A00, s8;
	s29 =	smax.u32 s7, $0x1;
	s7 =	simm.s32 $0x10  }
0xf: {  	s6 =	sadd.s32 s6, s5;
	[dreg:$0x4] =	wrdreg s8;
	s9 =	sshrl.u32 s9, $0x3  }
0x10: {  	s5 =	sadd.s32 s19, s2;
	s8 =	simm.s32 $0x3;
	p1 =	sne.s32 s29, $0x1  }
0x11: {  	s30 =	sadd.s32 $0xFFFFFFFF, s29;
	s22 =	sadd.s32 s10, s9;
	s23 =	sadd.s32 s11, s9  }
0x12: {  	s13 =	sadd.s32 $0xFA, s9;
	s25 =	sadd.s32 $0x1F4, s9;
	s31 =	rddreg [dreg:$0x4]  }
0x13: {  	s26 =	sadd.s32 $0x2EE, s9;
	s28 =	sadd.s32 $0x3E8, s9;
	[dreg:$0x6] =	wrdreg s22  }
0x14: {  	s6 =	sadd.s32 $0x3DA00, s6;
	s9 =	simm.s32 $0x1;
	[dreg:$0x7] =	wrdreg s23  }
.Ltmp0:
0x15: {  	s24 =	sadd.s32 s10, s13;
	s23 =	sadd.s32 s10, s25;
	(pc) =	sbr.rel @!p1 .LBB2_3-.Ltmp0, $4  }
0x16: {  	s22 =	sadd.s32 s11, s25;
	s20 =	sadd.s32 s10, s26;
	s19 =	sadd.s32 s11, s26  }
0x17: {  	s15 =	sadd.s32 s10, s28;
	s14 =	sadd.s32 s11, s28;
	s26 =	simm.s32 $0x80  }
0x18: {  	s25 =	simm.s32 $0x5000;
	s10 =	simm.s32 $0x7FD0;
	[dreg:$0x8] =	wrdreg s24  }
0x19: {  	s24 =	sadd.s32 s11, s13;
	s11 =	simm.s32 $0x7D0;
	s13 =	simm.s32 $0x2  }
0x1a: {  	[tilespmem:s25], [sflag:$0x3] =	stream.strided.gather [hbm4b:s31+s7], $0x2800, s26, s7, $0x38;
	[tilespmem:$0x19140] =	vst v63  }
0x1b: {  	_ =	swait.ge [sflag:s8], $0x2800  }
0x1c: {  	[sflag:s8] =	ssyncset.done $0x0  }
0x1d: {  	s28 =	rddreg [dreg:$0x5];
	[sflag:s8] =	ssyncadd.s32 $0xFFFFD800  }
0x1e: {  	[spmem:s28] =	stream.linear.scatter [tilespmem:s25], [sflag:$0x3], $0x2800, $0x38;
	[tilespmem:$0x19140] =	vst v63  }
0x1f: {  	_ =	swait.ge [sflag:s8], $0x2800  }
0x20: {  	[sflag:s8] =	ssyncset.done $0x0  }
0x21: {  	[sflag:s8] =	ssyncadd.s32 $0xFFFFD800  }
0x22: {  	[spmem:s5] =	stream.linear.scatter [tilespmem:s25], [sflag:$0x3], $0x2800, $0x38;
	[tilespmem:$0x19140] =	vst v63  }
0x23: {  	_ =	swait.ge [sflag:s8], $0x2800  }
0x24: {  	[sflag:s8] =	ssyncset.done $0x0  }
0x25: {  	[sflag:s8] =	ssyncadd.s32 $0xFFFFD800  }
0x26: {  	[bflag:$0x0] =	sbarrier.arrive $0xFFFF  }
0x27: {  	s28 =	rddreg [dreg:$0x6]  }
0x28: {  	[tilespmem:s16], [sflag:$0x3] =	stream.linear.gather [hbm4b:s28+s4], $0x7D0, $0x38;
	[tilespmem:$0x19140] =	vst v63  }
0x29: {  	_ =	swait.ge [sflag:s8], $0x7D0  }
0x2a: {  	[sflag:s8] =	ssyncset.done $0x0  }
0x2b: {  	s28 =	rddreg [dreg:$0x7];
	[sflag:s8] =	ssyncadd.s32 $0xFFFFF830  }
0x2c: {  	[tilespmem:s10], [sflag:$0x3] =	stream.linear.gather [hbm4b:s28+s4], $0x7D0, $0x38;
	[tilespmem:$0x19140] =	vst v63  }
0x2d: {  	_ =	swait.ge [sflag:s8], $0x7D0  }
0x2e: {  	[sflag:s8] =	ssyncset.done $0x0  }
0x2f: {  	[sflag:s8] =	ssyncadd.s32 $0xFFFFF830  }
0x30: {  	[tilespmem:s12], [sflag:$0x1] =	stream.indirect.gather [spmem:s3], $0x10, s16, s11, $0xb8;
	[tilespmem:$0x19140] =	vst v63  }
0x31: {  	_ =	swait.ge [sflag:s9], $0x7D00  }
0x32: {  	[sflag:s9] =	ssyncset.done $0x0  }
0x33: {  	s28 =	rddreg [dreg:$0x8];
	[sflag:s9] =	ssyncadd.s32 $0xFFFF8300  }
0x34: {  	[tilespmem:s21], [sflag:$0x3] =	stream.linear.gather [hbm4b:s28+s4], $0x7D0, $0x38;
	[tilespmem:$0x19140] =	vst v63  }
0x35: {  	_ =	swait.ge [sflag:s8], $0x7D0  }
0x36: {  	[sflag:s8] =	ssyncset.done $0x0  }
0x37: {  	[sflag:s8] =	ssyncadd.s32 $0xFFFFF830  }
0x38: {  	[tilespmem:s17], [sflag:$0x3] =	stream.linear.gather [hbm4b:s24+s4], $0x7D0, $0x38;
	[tilespmem:$0x19140] =	vst v63  }
0x39: {  	_ =	swait.ge [sflag:s8], $0x7D0  }
0x3a: {  	[sflag:s8] =	ssyncset.done $0x0  }
0x3b: {  	[sflag:s8] =	ssyncadd.s32 $0xFFFFF830  }
0x3c: {  	[tilespmem:s18], [sflag:$0x2] =	stream.indirect.gather [spmem:s3], $0x10, s21, s11, $0xb8;
	[tilespmem:$0x19140] =	vst v63  }
0x3d: {  	_ = 	snop  }
0x3e: {  	[spmem:s2] =	stream.indirect.scatter.add.f32 [tilespmem:s12], [sflag:$0x3], $0x10, s10, s11, $0xb8;
	[tilespmem:$0x19140] =	vst v63  }
0x3f: {  	_ =	swait.ge [sflag:s8], $0x7D00  }
0x40: {  	[sflag:s8] =	ssyncset.done $0x0  }
0x41: {  	[sflag:s8] =	ssyncadd.s32 $0xFFFF8300  }
0x42: {  	_ =	swait.ge [sflag:s13], $0x7D00  }
0x43: {  	[sflag:s13] =	ssyncset.done $0x0  }
0x44: {  	[sflag:s13] =	ssyncadd.s32 $0xFFFF8300  }
0x45: {  	[tilespmem:s16], [sflag:$0x3] =	stream.linear.gather [hbm4b:s23+s4], $0x7D0, $0x38;
	[tilespmem:$0x19140] =	vst v63  }
0x46: {  	_ =	swait.ge [sflag:s8], $0x7D0  }
0x47: {  	[sflag:s8] =	ssyncset.done $0x0  }
0x48: {  	[sflag:s8] =	ssyncadd.s32 $0xFFFFF830  }
0x49: {  	[tilespmem:s10], [sflag:$0x3] =	stream.linear.gather [hbm4b:s22+s4], $0x7D0, $0x38;
	[tilespmem:$0x19140] =	vst v63  }
0x4a: {  	_ =	swait.ge [sflag:s8], $0x7D0  }
0x4b: {  	[sflag:s8] =	ssyncset.done $0x0  }
0x4c: {  	[sflag:s8] =	ssyncadd.s32 $0xFFFFF830  }
0x4d: {  	[tilespmem:s12], [sflag:$0x1] =	stream.indirect.gather [spmem:s3], $0x10, s16, s11, $0xb8;
	[tilespmem:$0x19140] =	vst v63  }
0x4e: {  	_ = 	snop  }
0x4f: {  	[spmem:s2] =	stream.indirect.scatter.add.f32 [tilespmem:s18], [sflag:$0x3], $0x10, s17, s11, $0xb8;
	[tilespmem:$0x19140] =	vst v63  }
0x50: {  	_ =	swait.ge [sflag:s8], $0x7D00  }
0x51: {  	[sflag:s8] =	ssyncset.done $0x0  }
0x52: {  	[sflag:s8] =	ssyncadd.s32 $0xFFFF8300  }
0x53: {  	_ =	swait.ge [sflag:s9], $0x7D00  }
0x54: {  	[sflag:s9] =	ssyncset.done $0x0  }
0x55: {  	[sflag:s9] =	ssyncadd.s32 $0xFFFF8300  }
0x56: {  	[tilespmem:s21], [sflag:$0x3] =	stream.linear.gather [hbm4b:s20+s4], $0x7D0, $0x38;
	[tilespmem:$0x19140] =	vst v63  }
0x57: {  	_ =	swait.ge [sflag:s8], $0x7D0  }
0x58: {  	[sflag:s8] =	ssyncset.done $0x0  }
0x59: {  	[sflag:s8] =	ssyncadd.s32 $0xFFFFF830  }
0x5a: {  	[tilespmem:s17], [sflag:$0x3] =	stream.linear.gather [hbm4b:s19+s4], $0x7D0, $0x38;
	[tilespmem:$0x19140] =	vst v63  }
0x5b: {  	_ =	swait.ge [sflag:s8], $0x7D0  }
0x5c: {  	[sflag:s8] =	ssyncset.done $0x0  }
0x5d: {  	[sflag:s8] =	ssyncadd.s32 $0xFFFFF830  }
0x5e: {  	[tilespmem:s18], [sflag:$0x2] =	stream.indirect.gather [spmem:s3], $0x10, s21, s11, $0xb8;
	[tilespmem:$0x19140] =	vst v63  }
0x5f: {  	_ = 	snop  }
0x60: {  	[spmem:s2] =	stream.indirect.scatter.add.f32 [tilespmem:s12], [sflag:$0x3], $0x10, s10, s11, $0xb8;
	[tilespmem:$0x19140] =	vst v63  }
0x61: {  	_ =	swait.ge [sflag:s8], $0x7D00  }
0x62: {  	[sflag:s8] =	ssyncset.done $0x0  }
0x63: {  	[sflag:s8] =	ssyncadd.s32 $0xFFFF8300  }
0x64: {  	_ =	swait.ge [sflag:s13], $0x7D00  }
0x65: {  	[sflag:s13] =	ssyncset.done $0x0  }
0x66: {  	[sflag:s13] =	ssyncadd.s32 $0xFFFF8300  }
0x67: {  	[tilespmem:s16], [sflag:$0x3] =	stream.linear.gather [hbm4b:s15+s4], $0x7D0, $0x38;
	[tilespmem:$0x19140] =	vst v63  }
0x68: {  	_ =	swait.ge [sflag:s8], $0x7D0  }
0x69: {  	[sflag:s8] =	ssyncset.done $0x0  }
0x6a: {  	[sflag:s8] =	ssyncadd.s32 $0xFFFFF830  }
0x6b: {  	[tilespmem:s10], [sflag:$0x3] =	stream.linear.gather [hbm4b:s14+s4], $0x7D0, $0x38;
	[tilespmem:$0x19140] =	vst v63  }
0x6c: {  	_ =	swait.ge [sflag:s8], $0x7D0  }
0x6d: {  	[sflag:s8] =	ssyncset.done $0x0  }
0x6e: {  	[sflag:s8] =	ssyncadd.s32 $0xFFFFF830  }
0x6f: {  	[tilespmem:s12], [sflag:$0x1] =	stream.indirect.gather [spmem:s3], $0x10, s16, s11, $0xb8;
	[tilespmem:$0x19140] =	vst v63  }
0x70: {  	_ = 	snop  }
0x71: {  	[spmem:s2] =	stream.indirect.scatter.add.f32 [tilespmem:s18], [sflag:$0x3], $0x10, s17, s11, $0xb8;
	[tilespmem:$0x19140] =	vst v63  }
0x72: {  	_ =	swait.ge [sflag:s8], $0x7D00  }
0x73: {  	[sflag:s8] =	ssyncset.done $0x0  }
0x74: {  	[sflag:s8] =	ssyncadd.s32 $0xFFFF8300  }
0x75: {  	_ =	swait.ge [sflag:s9], $0x7D00  }
0x76: {  	[sflag:s9] =	ssyncset.done $0x0  }
0x77: {  	[sflag:s9] =	ssyncadd.s32 $0xFFFF8300  }
0x78: {  	[spmem:s2] =	stream.indirect.scatter.add.f32 [tilespmem:s12], [sflag:$0x3], $0x10, s10, s11, $0xb8;
	[tilespmem:$0x19140] =	vst v63  }
0x79: {  	_ =	swait.ge [sflag:s8], $0x7D00  }
0x7a: {  	p1 =	sne.s32 s30, $0x1;
	[sflag:s8] =	ssyncset.done $0x0  }
.Ltmp1:
0x7b: {  	s28 =	sshll.u32 s1, $0x6;
	[sflag:s8] =	ssyncadd.s32 $0xFFFF8300;
	(pc) =	sbr.rel @!p1 .LBB2_3-.Ltmp1, $4  }
0x7c: {  	s29 =	sshrl.u32 s5, $0x3;
	s28 =	sor.u32 $0x1C03, s28;
	[bflag:$0x0] =	sbarrier.arrive $0xFFFF  }
0x7d: {  	[hbm:s6@s7], [sflag:s28] =	dma.strided [spmem:s29@s13], $0x500, s9, $0x2   }
0x7e: {  	s30 =	sadd.s32 $0xFFFFFFFF, s30;
	_ =	swait.ge [sflag:s8], $0x500  }
0x7f: {  	p0 =	por $0x1, $0x1;
	s31 =	rddreg [dreg:$0x4];
	[sflag:s8] =	ssyncset.done $0x0  }
.LBB2_2:
0x80: {  	[sflag:s8] =	ssyncadd.s32 $0xFFFFFB00  }
0x81: {  	[tilespmem:s25], [sflag:$0x3] =	stream.strided.gather [hbm4b:s31+s7], $0x2800, s26, s7, $0x38;
	[tilespmem:$0x19140] =	vst v63  }
0x82: {  	_ =	swait.ge [sflag:s8], $0x2800  }
0x83: {  	[sflag:s8] =	ssyncset.done $0x0  }
0x84: {  	s31 =	rddreg [dreg:$0x5];
	[sflag:s8] =	ssyncadd.s32 $0xFFFFD800  }
0x85: {  	[spmem:s31] =	stream.linear.scatter [tilespmem:s25], [sflag:$0x3], $0x2800, $0x38;
	[tilespmem:$0x19140] =	vst v63  }
0x86: {  	_ =	swait.ge [sflag:s8], $0x2800  }
0x87: {  	[sflag:s8] =	ssyncset.done $0x0  }
0x88: {  	[sflag:s8] =	ssyncadd.s32 $0xFFFFD800  }
0x89: {  	[spmem:s5] =	stream.linear.scatter [tilespmem:s25], [sflag:$0x3], $0x2800, $0x38;
	[tilespmem:$0x19140] =	vst v63  }
0x8a: {  	_ =	swait.ge [sflag:s8], $0x2800  }
0x8b: {  	[sflag:s8] =	ssyncset.done $0x0  }
0x8c: {  	[sflag:s8] =	ssyncadd.s32 $0xFFFFD800  }
0x8d: {  	[bflag:$0x0] =	sbarrier.arrive $0xFFFF  }
0x8e: {  	s31 =	rddreg [dreg:$0x6]  }
0x8f: {  	[tilespmem:s16], [sflag:$0x3] =	stream.linear.gather [hbm4b:s31+s4], $0x7D0, $0x38;
	[tilespmem:$0x19140] =	vst v63  }
0x90: {  	_ =	swait.ge [sflag:s8], $0x7D0  }
0x91: {  	[sflag:s8] =	ssyncset.done $0x0  }
0x92: {  	s31 =	rddreg [dreg:$0x7];
	[sflag:s8] =	ssyncadd.s32 $0xFFFFF830  }
0x93: {  	[tilespmem:s10], [sflag:$0x3] =	stream.linear.gather [hbm4b:s31+s4], $0x7D0, $0x38;
	[tilespmem:$0x19140] =	vst v63  }
0x94: {  	_ =	swait.ge [sflag:s8], $0x7D0  }
0x95: {  	[sflag:s8] =	ssyncset.done $0x0  }
0x96: {  	[sflag:s8] =	ssyncadd.s32 $0xFFFFF830  }
0x97: {  	[tilespmem:s12], [sflag:$0x1] =	stream.indirect.gather [spmem:s3], $0x10, s16, s11, $0xb8;
	[tilespmem:$0x19140] =	vst v63  }
0x98: {  	_ =	swait.ge [sflag:s9], $0x7D00  }
0x99: {  	[sflag:s9] =	ssyncset.done $0x0  }
0x9a: {  	s31 =	rddreg [dreg:$0x8];
	[sflag:s9] =	ssyncadd.s32 $0xFFFF8300  }
0x9b: {  	[tilespmem:s21], [sflag:$0x3] =	stream.linear.gather [hbm4b:s31+s4], $0x7D0, $0x38;
	[tilespmem:$0x19140] =	vst v63  }
0x9c: {  	_ =	swait.ge [sflag:s8], $0x7D0  }
0x9d: {  	[sflag:s8] =	ssyncset.done $0x0  }
0x9e: {  	[sflag:s8] =	ssyncadd.s32 $0xFFFFF830  }
0x9f: {  	[tilespmem:s17], [sflag:$0x3] =	stream.linear.gather [hbm4b:s24+s4], $0x7D0, $0x38;
	[tilespmem:$0x19140] =	vst v63  }
0xa0: {  	_ =	swait.ge [sflag:s8], $0x7D0  }
0xa1: {  	[sflag:s8] =	ssyncset.done $0x0  }
0xa2: {  	[sflag:s8] =	ssyncadd.s32 $0xFFFFF830  }
0xa3: {  	[tilespmem:s18], [sflag:$0x2] =	stream.indirect.gather [spmem:s3], $0x10, s21, s11, $0xb8;
	[tilespmem:$0x19140] =	vst v63  }
0xa4: {  	_ = 	snop  }
0xa5: {  	[spmem:s2] =	stream.indirect.scatter.add.f32 [tilespmem:s12], [sflag:$0x3], $0x10, s10, s11, $0xb8;
	[tilespmem:$0x19140] =	vst v63  }
0xa6: {  	_ =	swait.ge [sflag:s8], $0x7D00  }
0xa7: {  	[sflag:s8] =	ssyncset.done $0x0  }
0xa8: {  	[sflag:s8] =	ssyncadd.s32 $0xFFFF8300  }
0xa9: {  	_ =	swait.ge [sflag:s13], $0x7D00  }
0xaa: {  	[sflag:s13] =	ssyncset.done $0x0  }
0xab: {  	[sflag:s13] =	ssyncadd.s32 $0xFFFF8300  }
0xac: {  	[tilespmem:s16], [sflag:$0x3] =	stream.linear.gather [hbm4b:s23+s4], $0x7D0, $0x38;
	[tilespmem:$0x19140] =	vst v63  }
0xad: {  	_ =	swait.ge [sflag:s8], $0x7D0  }
0xae: {  	[sflag:s8] =	ssyncset.done $0x0  }
0xaf: {  	[sflag:s8] =	ssyncadd.s32 $0xFFFFF830  }
0xb0: {  	[tilespmem:s10], [sflag:$0x3] =	stream.linear.gather [hbm4b:s22+s4], $0x7D0, $0x38;
	[tilespmem:$0x19140] =	vst v63  }
0xb1: {  	_ =	swait.ge [sflag:s8], $0x7D0  }
0xb2: {  	[sflag:s8] =	ssyncset.done $0x0  }
0xb3: {  	[sflag:s8] =	ssyncadd.s32 $0xFFFFF830  }
0xb4: {  	[tilespmem:s12], [sflag:$0x1] =	stream.indirect.gather [spmem:s3], $0x10, s16, s11, $0xb8;
	[tilespmem:$0x19140] =	vst v63  }
0xb5: {  	_ = 	snop  }
0xb6: {  	[spmem:s2] =	stream.indirect.scatter.add.f32 [tilespmem:s18], [sflag:$0x3], $0x10, s17, s11, $0xb8;
	[tilespmem:$0x19140] =	vst v63  }
0xb7: {  	_ =	swait.ge [sflag:s8], $0x7D00  }
0xb8: {  	[sflag:s8] =	ssyncset.done $0x0  }
0xb9: {  	[sflag:s8] =	ssyncadd.s32 $0xFFFF8300  }
0xba: {  	_ =	swait.ge [sflag:s9], $0x7D00  }
0xbb: {  	[sflag:s9] =	ssyncset.done $0x0  }
0xbc: {  	[sflag:s9] =	ssyncadd.s32 $0xFFFF8300  }
0xbd: {  	[tilespmem:s21], [sflag:$0x3] =	stream.linear.gather [hbm4b:s20+s4], $0x7D0, $0x38;
	[tilespmem:$0x19140] =	vst v63  }
0xbe: {  	_ =	swait.ge [sflag:s8], $0x7D0  }
0xbf: {  	[sflag:s8] =	ssyncset.done $0x0  }
0xc0: {  	[sflag:s8] =	ssyncadd.s32 $0xFFFFF830  }
0xc1: {  	[tilespmem:s17], [sflag:$0x3] =	stream.linear.gather [hbm4b:s19+s4], $0x7D0, $0x38;
	[tilespmem:$0x19140] =	vst v63  }
0xc2: {  	_ =	swait.ge [sflag:s8], $0x7D0  }
0xc3: {  	[sflag:s8] =	ssyncset.done $0x0  }
0xc4: {  	[sflag:s8] =	ssyncadd.s32 $0xFFFFF830  }
0xc5: {  	[tilespmem:s18], [sflag:$0x2] =	stream.indirect.gather [spmem:s3], $0x10, s21, s11, $0xb8;
	[tilespmem:$0x19140] =	vst v63  }
0xc6: {  	_ = 	snop  }
0xc7: {  	[spmem:s2] =	stream.indirect.scatter.add.f32 [tilespmem:s12], [sflag:$0x3], $0x10, s10, s11, $0xb8;
	[tilespmem:$0x19140] =	vst v63  }
0xc8: {  	_ =	swait.ge [sflag:s8], $0x7D00  }
0xc9: {  	[sflag:s8] =	ssyncset.done $0x0  }
0xca: {  	[sflag:s8] =	ssyncadd.s32 $0xFFFF8300  }
0xcb: {  	_ =	swait.ge [sflag:s13], $0x7D00  }
0xcc: {  	[sflag:s13] =	ssyncset.done $0x0  }
0xcd: {  	[sflag:s13] =	ssyncadd.s32 $0xFFFF8300  }
0xce: {  	[tilespmem:s16], [sflag:$0x3] =	stream.linear.gather [hbm4b:s15+s4], $0x7D0, $0x38;
	[tilespmem:$0x19140] =	vst v63  }
0xcf: {  	_ =	swait.ge [sflag:s8], $0x7D0  }
0xd0: {  	[sflag:s8] =	ssyncset.done $0x0  }
0xd1: {  	[sflag:s8] =	ssyncadd.s32 $0xFFFFF830  }
0xd2: {  	[tilespmem:s10], [sflag:$0x3] =	stream.linear.gather [hbm4b:s14+s4], $0x7D0, $0x38;
	[tilespmem:$0x19140] =	vst v63  }
0xd3: {  	_ =	swait.ge [sflag:s8], $0x7D0  }
0xd4: {  	[sflag:s8] =	ssyncset.done $0x0  }
0xd5: {  	[sflag:s8] =	ssyncadd.s32 $0xFFFFF830  }
0xd6: {  	[tilespmem:s12], [sflag:$0x1] =	stream.indirect.gather [spmem:s3], $0x10, s16, s11, $0xb8;
	[tilespmem:$0x19140] =	vst v63  }
0xd7: {  	_ = 	snop  }
0xd8: {  	[spmem:s2] =	stream.indirect.scatter.add.f32 [tilespmem:s18], [sflag:$0x3], $0x10, s17, s11, $0xb8;
	[tilespmem:$0x19140] =	vst v63  }
0xd9: {  	_ =	swait.ge [sflag:s8], $0x7D00  }
0xda: {  	[sflag:s8] =	ssyncset.done $0x0  }
0xdb: {  	[sflag:s8] =	ssyncadd.s32 $0xFFFF8300  }
0xdc: {  	_ =	swait.ge [sflag:s9], $0x7D00  }
0xdd: {  	[sflag:s9] =	ssyncset.done $0x0  }
0xde: {  	[sflag:s9] =	ssyncadd.s32 $0xFFFF8300  }
0xdf: {  	[spmem:s2] =	stream.indirect.scatter.add.f32 [tilespmem:s12], [sflag:$0x3], $0x10, s10, s11, $0xb8;
	[tilespmem:$0x19140] =	vst v63  }
0xe0: {  	_ =	swait.ge [sflag:s8], $0x7D00  }
0xe1: {  	p1 =	sne.s32 s30, $0x1;
	[sflag:s8] =	ssyncset.done $0x0  }
.Ltmp2:
0xe2: {  	[sflag:s8] =	ssyncadd.s32 $0xFFFF8300;
	(pc) =	sbr.rel @p1 .LBB2_2-.Ltmp2, $4  }
0xe3: {  	[bflag:$0x0] =	sbarrier.arrive $0xFFFF  }
0xe4: {  	[hbm:s6@s7], [sflag:s28] =	dma.strided [spmem:s29@s13], $0x500, s9, $0x2   }
0xe5: {  	_ =	swait.ge [sflag:s8], $0x500  }
0xe6: {  	s30 =	sadd.s32 $0xFFFFFFFF, s30;
	s31 =	rddreg [dreg:$0x4];
	[sflag:s8] =	ssyncset.done $0x0  }
.LBB2_3:
0xe7: {  	[sflag:s8] =	ssyncadd.s32 @p0 $0xFFFFFB00  }
0xe8: {  	[tilespmem:s25], [sflag:$0x3] =	stream.strided.gather [hbm4b:s31+s7], $0x2800, s26, s7, $0x38;
	[tilespmem:$0x19140] =	vst v63  }
0xe9: {  	_ =	swait.ge [sflag:s8], $0x2800  }
0xea: {  	[sflag:s8] =	ssyncset.done $0x0  }
0xeb: {  	s31 =	rddreg [dreg:$0x5];
	[sflag:s8] =	ssyncadd.s32 $0xFFFFD800  }
0xec: {  	[spmem:s31] =	stream.linear.scatter [tilespmem:s25], [sflag:$0x3], $0x2800, $0x38;
	[tilespmem:$0x19140] =	vst v63  }
0xed: {  	_ =	swait.ge [sflag:s8], $0x2800  }
0xee: {  	[sflag:s8] =	ssyncset.done $0x0  }
0xef: {  	[sflag:s8] =	ssyncadd.s32 $0xFFFFD800  }
0xf0: {  	[spmem:s5] =	stream.linear.scatter [tilespmem:s25], [sflag:$0x3], $0x2800, $0x38;
	[tilespmem:$0x19140] =	vst v63  }
0xf1: {  	_ =	swait.ge [sflag:s8], $0x2800  }
0xf2: {  	[sflag:s8] =	ssyncset.done $0x0  }
0xf3: {  	[sflag:s8] =	ssyncadd.s32 $0xFFFFD800  }
0xf4: {  	[bflag:$0x0] =	sbarrier.arrive $0xFFFF  }
0xf5: {  	s26 =	rddreg [dreg:$0x6]  }
0xf6: {  	[tilespmem:s16], [sflag:$0x3] =	stream.linear.gather [hbm4b:s26+s4], $0x7D0, $0x38;
	[tilespmem:$0x19140] =	vst v63  }
0xf7: {  	_ =	swait.ge [sflag:s8], $0x7D0  }
0xf8: {  	[sflag:s8] =	ssyncset.done $0x0  }
0xf9: {  	s28 =	rddreg [dreg:$0x7];
	[sflag:s8] =	ssyncadd.s32 $0xFFFFF830  }
0xfa: {  	[tilespmem:s10], [sflag:$0x3] =	stream.linear.gather [hbm4b:s28+s4], $0x7D0, $0x38;
	[tilespmem:$0x19140] =	vst v63  }
0xfb: {  	_ =	swait.ge [sflag:s8], $0x7D0  }
0xfc: {  	[sflag:s8] =	ssyncset.done $0x0  }
0xfd: {  	[sflag:s8] =	ssyncadd.s32 $0xFFFFF830  }
0xfe: {  	[tilespmem:s12], [sflag:$0x1] =	stream.indirect.gather [spmem:s3], $0x10, s16, s11, $0xb8;
	[tilespmem:$0x19140] =	vst v63  }
0xff: {  	_ =	swait.ge [sflag:s9], $0x7D00  }
0x100: {  	[sflag:s9] =	ssyncset.done $0x0  }
0x101: {  	s29 =	rddreg [dreg:$0x8];
	[sflag:s9] =	ssyncadd.s32 $0xFFFF8300  }
0x102: {  	[tilespmem:s21], [sflag:$0x3] =	stream.linear.gather [hbm4b:s29+s4], $0x7D0, $0x38;
	[tilespmem:$0x19140] =	vst v63  }
0x103: {  	_ =	swait.ge [sflag:s8], $0x7D0  }
0x104: {  	[sflag:s8] =	ssyncset.done $0x0  }
0x105: {  	[sflag:s8] =	ssyncadd.s32 $0xFFFFF830  }
0x106: {  	[tilespmem:s17], [sflag:$0x3] =	stream.linear.gather [hbm4b:s24+s4], $0x7D0, $0x38;
	[tilespmem:$0x19140] =	vst v63  }
0x107: {  	_ =	swait.ge [sflag:s8], $0x7D0  }
0x108: {  	[sflag:s8] =	ssyncset.done $0x0  }
0x109: {  	[sflag:s8] =	ssyncadd.s32 $0xFFFFF830  }
0x10a: {  	[tilespmem:s18], [sflag:$0x2] =	stream.indirect.gather [spmem:s3], $0x10, s21, s11, $0xb8;
	[tilespmem:$0x19140] =	vst v63  }
0x10b: {  	_ = 	snop  }
0x10c: {  	[spmem:s2] =	stream.indirect.scatter.add.f32 [tilespmem:s12], [sflag:$0x3], $0x10, s10, s11, $0xb8;
	[tilespmem:$0x19140] =	vst v63  }
0x10d: {  	_ =	swait.ge [sflag:s8], $0x7D00  }
0x10e: {  	[sflag:s8] =	ssyncset.done $0x0  }
0x10f: {  	[sflag:s8] =	ssyncadd.s32 $0xFFFF8300  }
0x110: {  	_ =	swait.ge [sflag:s13], $0x7D00  }
0x111: {  	[sflag:s13] =	ssyncset.done $0x0  }
0x112: {  	[sflag:s13] =	ssyncadd.s32 $0xFFFF8300  }
0x113: {  	[tilespmem:s16], [sflag:$0x3] =	stream.linear.gather [hbm4b:s23+s4], $0x7D0, $0x38;
	[tilespmem:$0x19140] =	vst v63  }
0x114: {  	_ =	swait.ge [sflag:s8], $0x7D0  }
0x115: {  	[sflag:s8] =	ssyncset.done $0x0  }
0x116: {  	[sflag:s8] =	ssyncadd.s32 $0xFFFFF830  }
0x117: {  	[tilespmem:s10], [sflag:$0x3] =	stream.linear.gather [hbm4b:s22+s4], $0x7D0, $0x38;
	[tilespmem:$0x19140] =	vst v63  }
0x118: {  	_ =	swait.ge [sflag:s8], $0x7D0  }
0x119: {  	[sflag:s8] =	ssyncset.done $0x0  }
0x11a: {  	[sflag:s8] =	ssyncadd.s32 $0xFFFFF830  }
0x11b: {  	[tilespmem:s12], [sflag:$0x1] =	stream.indirect.gather [spmem:s3], $0x10, s16, s11, $0xb8;
	[tilespmem:$0x19140] =	vst v63  }
0x11c: {  	_ = 	snop  }
0x11d: {  	[spmem:s2] =	stream.indirect.scatter.add.f32 [tilespmem:s18], [sflag:$0x3], $0x10, s17, s11, $0xb8;
	[tilespmem:$0x19140] =	vst v63  }
0x11e: {  	_ =	swait.ge [sflag:s8], $0x7D00  }
0x11f: {  	[sflag:s8] =	ssyncset.done $0x0  }
0x120: {  	[sflag:s8] =	ssyncadd.s32 $0xFFFF8300  }
0x121: {  	_ =	swait.ge [sflag:s9], $0x7D00  }
0x122: {  	[sflag:s9] =	ssyncset.done $0x0  }
0x123: {  	[sflag:s9] =	ssyncadd.s32 $0xFFFF8300  }
0x124: {  	[tilespmem:s21], [sflag:$0x3] =	stream.linear.gather [hbm4b:s20+s4], $0x7D0, $0x38;
	[tilespmem:$0x19140] =	vst v63  }
0x125: {  	_ =	swait.ge [sflag:s8], $0x7D0  }
0x126: {  	[sflag:s8] =	ssyncset.done $0x0  }
0x127: {  	[sflag:s8] =	ssyncadd.s32 $0xFFFFF830  }
0x128: {  	[tilespmem:s17], [sflag:$0x3] =	stream.linear.gather [hbm4b:s19+s4], $0x7D0, $0x38;
	[tilespmem:$0x19140] =	vst v63  }
0x129: {  	_ =	swait.ge [sflag:s8], $0x7D0  }
0x12a: {  	[sflag:s8] =	ssyncset.done $0x0  }
0x12b: {  	[sflag:s8] =	ssyncadd.s32 $0xFFFFF830  }
0x12c: {  	[tilespmem:s18], [sflag:$0x2] =	stream.indirect.gather [spmem:s3], $0x10, s21, s11, $0xb8;
	[tilespmem:$0x19140] =	vst v63  }
0x12d: {  	_ = 	snop  }
0x12e: {  	[spmem:s2] =	stream.indirect.scatter.add.f32 [tilespmem:s12], [sflag:$0x3], $0x10, s10, s11, $0xb8;
	[tilespmem:$0x19140] =	vst v63  }
0x12f: {  	_ =	swait.ge [sflag:s8], $0x7D00  }
0x130: {  	[sflag:s8] =	ssyncset.done $0x0  }
0x131: {  	[sflag:s8] =	ssyncadd.s32 $0xFFFF8300  }
0x132: {  	_ =	swait.ge [sflag:s13], $0x7D00  }
0x133: {  	[sflag:s13] =	ssyncset.done $0x0  }
0x134: {  	[sflag:s13] =	ssyncadd.s32 $0xFFFF8300  }
0x135: {  	[tilespmem:s16], [sflag:$0x3] =	stream.linear.gather [hbm4b:s15+s4], $0x7D0, $0x38;
	[tilespmem:$0x19140] =	vst v63  }
0x136: {  	_ =	swait.ge [sflag:s8], $0x7D0  }
0x137: {  	[sflag:s8] =	ssyncset.done $0x0  }
0x138: {  	[sflag:s8] =	ssyncadd.s32 $0xFFFFF830  }
0x139: {  	[tilespmem:s10], [sflag:$0x3] =	stream.linear.gather [hbm4b:s14+s4], $0x7D0, $0x38;
	[tilespmem:$0x19140] =	vst v63  }
0x13a: {  	_ =	swait.ge [sflag:s8], $0x7D0  }
0x13b: {  	[sflag:s8] =	ssyncset.done $0x0  }
0x13c: {  	[sflag:s8] =	ssyncadd.s32 $0xFFFFF830  }
0x13d: {  	[tilespmem:s12], [sflag:$0x1] =	stream.indirect.gather [spmem:s3], $0x10, s16, s11, $0xb8;
	[tilespmem:$0x19140] =	vst v63  }
0x13e: {  	_ = 	snop  }
0x13f: {  	[spmem:s2] =	stream.indirect.scatter.add.f32 [tilespmem:s18], [sflag:$0x3], $0x10, s17, s11, $0xb8;
	[tilespmem:$0x19140] =	vst v63  }
0x140: {  	_ =	swait.ge [sflag:s8], $0x7D00  }
0x141: {  	[sflag:s8] =	ssyncset.done $0x0  }
0x142: {  	[sflag:s8] =	ssyncadd.s32 $0xFFFF8300  }
0x143: {  	_ =	swait.ge [sflag:s9], $0x7D00  }
0x144: {  	[sflag:s9] =	ssyncset.done $0x0  }
0x145: {  	[sflag:s9] =	ssyncadd.s32 $0xFFFF8300  }
0x146: {  	[spmem:s2] =	stream.indirect.scatter.add.f32 [tilespmem:s12], [sflag:$0x3], $0x10, s10, s11, $0xb8;
	[tilespmem:$0x19140] =	vst v63  }
0x147: {  	_ =	swait.ge [sflag:s8], $0x7D00  }
0x148: {  	[sflag:s8] =	ssyncset.done $0x0  }
0x149: {  	s30 =	sshll.u32 s1, $0x6;
	[sflag:s8] =	ssyncadd.s32 $0xFFFF8300  }
0x14a: {  	s31 =	sshrl.u32 s5, $0x3;
	s2 =	sor.u32 $0x1C03, s30;
	[bflag:$0x0] =	sbarrier.arrive $0xFFFF  }
0x14b: {  	[hbm:s6@s7], [sflag:s2] =	dma.strided [spmem:s31@s13], $0x500, s9, $0x2   }
0x14c: {  	_ =	swait.ge [sflag:s8], $0x500  }
0x14d: {  	[sflag:s8] =	ssyncset.done $0x0  }
0x14e: {  	[sflag:s8] =	ssyncadd.s32 $0xFFFFFB00  }
0x14f: {  	_ =	sfence.sel $0x180000  }
0x150: {  	[bflag:$0x0] =	sbarrier.arrive $0xFFFF  }
0x151: {  	p0 =	sne.s32 s1, $0x0;
	_ =	strace $0x9000004A  }
0x152: {  	s0 =	sadd.s32 @!p0 $0x100000, s0;
	[bflag:$0x2] =	sbarrier.arrive $0xFFFF  }
0x153: {  	[sflag:s0] =	ssyncadd.tile.s32 @!p0 $0x1;
	_ =	shalt  }
.Lfunc_end2:
_tile_overlayer_lowered:
.L_overlay_start_2:
0x154: {  	(tag) =	ssettag $0x2  }
0x155: {  	s0 =	rddreg [dreg:$0x0];
	s2 =	stileid.u32  }
0x156: {  	s1 =	rddreg [dreg:$0x1];
	p0 =	sne.s32 s2, $0x0  }
0x157: {  	s3 =	rddreg [dreg:$0x2];
	[bflag:$0x3] =	sbarrier.arrive $0xFFFF;
	s2 =	simm.s32 @!p0 $0x1C03  }
0x158: {  	[timem:s3], [sflag:s2] =	dma.local @!p0 [hbm:s0], s1  }
0x159: {  	s0 =	simm.s32 @!p0 $0x3  }
0x15a: {  	_ =	swait.ge @!p0 [sflag:s0], s1  }
0x15b: {  	s1 =	ssub.s32 @!p0 $0x0, s1;
	[sflag:s0] =	ssyncset.done @!p0 $0x0  }
0x15c: {  	[sflag:s0] =	ssyncadd.s32 @!p0 s1  }
0x15d: {  	[bflag:$0x3] =	sbarrier.arrive $0xFFFF  }
0x15e: {  	_ =	shalt  }

// kernel: kernel.14.cloned.1.call-start
scs
__scs_entry_jumppad:
0x0: {  	(pc) =	sbr.rel $0x88, $3  }
0x1: {  	(tag) =	ssettag $0x0;
	lr =	simm.s32 $0x1  }
0x2: {  	[smem:$0x3F9B] =	sst lr;
	_ =	strace $0xD0000000  }
0x3: {  	_ = 	snop  }
0x4: {  	_ = 	snop  }
0x5: {  	_ = 	snop  }
0x6: {  	_ = 	snop  }
0x7: {  	_ = 	snop  }
__scs_overlays_trampoline_lowered:
0x8: {  	[smem:$0x3FAA] =	sst s0  }
0x9: {  	[smem:$0x3FAB] =	sst s1  }
0xa: {  	[smem:$0x3FAC] =	sst s2  }
0xb: {  	[smem:$0x3FAD] =	sst s3  }
0xc: {  	[smem:$0x3FAE] =	sst s4  }
0xd: {  	[smem:$0x3FAF] =	sst s5  }
0xe: {  	[smem:$0x3FB0] =	sst s6  }
0xf: {  	[smem:$0x3FB1] =	sst s7  }
0x10: {  	[smem:$0x3FB2] =	sst s8  }
0x11: {  	[smem:$0x3FB3] =	sst s9;
	s0 =	simm.s32 @!p0 $0x0  }
0x12: {  	s1 =	sld [smem:$0x3F99];
	s0 =	simm.s32 @p0 $0x1  }
0x13: {  	[smem:$0x3FB4] =	sst s0;
	s0 =	simm.s32 @!p1 $0x0  }
0x14: {  	s2 =	sld [smem:$0x3F98];
	s0 =	simm.s32 @p1 $0x1  }
0x15: {  	[smem:$0x3FB5] =	sst s0;
	s0 =	simm.s32 @!p2 $0x0  }
0x16: {  	s3 =	sld [smem:$0x3FDB];
	s0 =	simm.s32 @p2 $0x1  }
0x17: {  	s4 =	simm.s32 $0x1BF5;
	[smem:$0x3FB7] =	sst s0  }
0x18: {  	s0 =	sld [smem:$0x3F9A];
	_ =	swait.ge [sflag:s4], $0x0  }
0x19: {  	s7 =	sld [smem:$0x3F9B]  }
0x1a: {  	s8 =	sadd.s32 $0xFFFFE003, lr  }
0x1b: {  	s9 =	sadd.s32 $0xFFFFFEF7, lr;
	s5 =	simm.s32 $0xFFFFFFFF;
	p2 =	slt.u32 s8, $0xFFFFF086  }
0x1c: {  	p1 =	slt.u32 s9, $0xF7A;
	s5 =	simm.s32 @!p2 $0x0  }
0x1d: {  	s5 =	simm.s32 @p1 $0x1;
	p0 =	seq.s32 s7, s2  }
0x1e: {  	s7 =	smul.u32 @!p0 $0xF7A, s2;
	p2 =	seq.s32 @!p0 s5, $0x0  }
0x1f: {  	s9 =	smul.u32 $0xF7A, s1;
	s8 =	simm.s32 @!p0 $0x1BF5;
	p2 =	por !p2, p0  }
0x20: {  	[sflag:s8] =	ssyncset.s32 @!p0 $0xFFFFF086;
	s6 =	sadd.s32 @!p0 s3, s7;
	s7 =	simm.s32 @!p0 $0x108  }
0x21: {  	s3 =	sadd.s32 s3, s9;
	s6 =	sadd.s32 @!p0 $0x88, s6;
	s7 =	simm.s32 @p2 $0x1082  }
0x22: {  	[simem:s7], [sflag:s8] =	dma.local @!p0 [hbm:s6], $0xF7A  }
0x23: {  	s9 =	sor.u32 $0xD0000000, s2;
	s6 =	simm.s32 $0x108;
	_ =	swait.ge @!p0 [sflag:s8], $0x0  }
0x24: {  	s3 =	sadd.s32 $0x88, s3;
	s6 =	simm.s32 @!p1 $0x1082;
	[sflag:s4] =	ssyncset.s32 $0xFFFFF086  }
0x25: {  	[simem:s6], [sflag:s4] =	dma.local [hbm:s3], $0xF7A  }
0x26: {  	[smem:$0x3F9B] =	sst s1;
	(tag) =	ssettag s2;
	_ =	strace s9  }
0x27: {  	s1 =	sld [smem:$0x3FAB]  }
0x28: {  	s2 =	sld [smem:$0x3FAC]  }
0x29: {  	s4 =	sld [smem:$0x3FAE]  }
0x2a: {  	p0 =	seq.s32 s5, $0x0;
	s5 =	sld [smem:$0x3FAF]  }
0x2b: {  	s6 =	sld [smem:$0x3FB0]  }
0x2c: {  	s7 =	sld [smem:$0x3FB1]  }
0x2d: {  	s3 =	simm.s32 $0x108;
	s8 =	sld [smem:$0x3FB2]  }
0x2e: {  	s3 =	simm.s32 @!p0 $0x1082;
	s9 =	sld [smem:$0x3FB3]  }
0x2f: {  	lr =	sadd.s32 s0, s3;
	s0 =	sld [smem:$0x3FAA]  }
0x30: {  	s3 =	sld [smem:$0x3FAD]  }
0x31: {  	[smem:$0x3FB6] =	sst s10  }
0x32: {  	s10 =	sld [smem:$0x3FB4];
	_ =	sdelay $0x3  }
0x33: {  	p0 =	seq.s32 s10, $0x1;
	s10 =	sld [smem:$0x3FB6];
	_ =	sdelay $0x3  }
0x34: {  	[smem:$0x3FB6] =	sst s10  }
0x35: {  	s10 =	sld [smem:$0x3FB5];
	_ =	sdelay $0x3  }
0x36: {  	p1 =	seq.s32 s10, $0x1;
	s10 =	sld [smem:$0x3FB6];
	_ =	sdelay $0x3  }
0x37: {  	[smem:$0x3FB6] =	sst s10  }
0x38: {  	s10 =	sld [smem:$0x3FB7]  }
0x39: {  	_ = 	snop;
	(pc) =	sbr.ind lr, $3  }
0x3a: {  	_ = 	snop  }
0x3b: {  	_ = 	snop  }
0x3c: {  	p2 =	seq.s32 s10, $0x1;
	s10 =	sld [smem:$0x3FB6]  }
0x3d: {  	_ =	shalt  }
0x3e: {  	_ =	shalt  }
0x3f: {  	_ =	shalt  }
0x40: {  	_ =	shalt  }
0x41: {  	_ =	shalt  }
0x42: {  	_ =	shalt  }
0x43: {  	_ =	shalt  }
0x44: {  	_ =	shalt  }
0x45: {  	_ =	shalt  }
0x46: {  	_ =	shalt  }
0x47: {  	_ =	shalt  }
0x48: {  	_ =	shalt  }
0x49: {  	_ =	shalt  }
0x4a: {  	_ =	shalt  }
0x4b: {  	_ =	shalt  }
0x4c: {  	_ =	shalt  }
0x4d: {  	_ =	shalt  }
0x4e: {  	_ =	shalt  }
0x4f: {  	_ =	shalt  }
0x50: {  	_ =	shalt  }
0x51: {  	_ =	shalt  }
0x52: {  	_ =	shalt  }
0x53: {  	_ =	shalt  }
0x54: {  	_ =	shalt  }
0x55: {  	_ =	shalt  }
0x56: {  	_ =	shalt  }
0x57: {  	_ =	shalt  }
0x58: {  	_ =	shalt  }
0x59: {  	_ =	shalt  }
0x5a: {  	_ =	shalt  }
0x5b: {  	_ =	shalt  }
0x5c: {  	_ =	shalt  }
0x5d: {  	_ =	shalt  }
0x5e: {  	_ =	shalt  }
0x5f: {  	_ =	shalt  }
0x60: {  	_ =	shalt  }
0x61: {  	_ =	shalt  }
0x62: {  	_ =	shalt  }
0x63: {  	_ =	shalt  }
0x64: {  	_ =	shalt  }
0x65: {  	_ =	shalt  }
0x66: {  	_ =	shalt  }
0x67: {  	_ =	shalt  }
0x68: {  	_ =	shalt  }
0x69: {  	_ =	shalt  }
0x6a: {  	_ =	shalt  }
0x6b: {  	_ =	shalt  }
0x6c: {  	_ =	shalt  }
0x6d: {  	_ =	shalt  }
0x6e: {  	_ =	shalt  }
0x6f: {  	_ =	shalt  }
0x70: {  	_ =	shalt  }
0x71: {  	_ =	shalt  }
0x72: {  	_ =	shalt  }
0x73: {  	_ =	shalt  }
0x74: {  	_ =	shalt  }
0x75: {  	_ =	shalt  }
0x76: {  	_ =	shalt  }
0x77: {  	_ =	shalt  }
0x78: {  	_ =	shalt  }
0x79: {  	_ =	shalt  }
0x7a: {  	_ =	shalt  }
0x7b: {  	_ =	shalt  }
0x7c: {  	_ =	shalt  }
0x7d: {  	_ =	shalt  }
0x7e: {  	_ =	shalt  }
0x7f: {  	_ =	shalt  }
0x80: {  	_ =	shalt  }
0x81: {  	_ =	shalt  }
0x82: {  	_ =	shalt  }
0x83: {  	_ =	shalt  }
0x84: {  	_ =	shalt  }
0x85: {  	_ =	shalt  }
0x86: {  	_ =	shalt  }
0x87: {  	_ =	shalt  }
.Lfunc_end0:
.L_simem_size_0:
called_computation.2_lowered:
.L_overlay_start_0:
0x88: {  	s2 =	sld [smem:$0x3FD9]  }
0x89: {  	s3 =	sld [smem:$0x3FFE];
	_ =	sdelay $0x1  }
0x8a: {  	s1 =	srdreg.scid  }
0x8b: {  	s0 =	sand.u32 $0x1, s1  }
0x8c: {  	s16 =	sshll.u32 s0, $0xA;
	s2 =	sadd.s32 s3, s2  }
0x8d: {  	s2 =	sadd.s32 s2, s16  }
0x8e: {  	[smem:$0x3FC2] =	sst s2  }
0x8f: {  	_ = 	snop  }
0x90: {  	(tm) =	ssettm $0x1  }
0x91: {  	s17 =	sld [smem:$0x3FFB];
	_ =	sdelay $0x3  }
0x92: {  	_ =	strace s17  }
0x93: {  	s2 =	sld [smem:$0x3FFC];
	_ =	sdelay $0x3  }
0x94: {  	_ =	strace s2  }
0x95: {  	s2 =	sld [smem:$0x3FFD];
	_ =	sdelay $0x3  }
0x96: {  	_ =	strace s2  }
0x97: {  	_ =	strace $0x8FFFFFFF  }
0x98: {  	s18 =	sld [smem:$0x3FDB];
	_ =	sdelay $0x1  }
0x99: {  	s19 =	simm.s32 $_scs_section_size  }
0x9a: {  	s4 =	simm.s32 $_size__tile_overlayer_lowered;
	s5 =	simm.s32 $_tile_overlayer_lowered  }
0x9b: {  	s22 =	simm.s32 $0x1BFF;
	s21 =	sshll.u32 s5, $0x1;
	s2 =	sadd.s32 s19, s18  }
0x9c: {  	s6 =	simm.s32 $0x0;
	s20 =	sshll.u32 s4, $0x1;
	s4 =	sadd.s32 s21, s2  }
0x9d: {  	[timem:s6], [sflag:s22] =	dma.local [hbm:s4], s20  }
0x9e: {  	_ =	swait.ge [sflag:s22], s20  }
0x9f: {  	s3 =	ssub.s32 $0x0, s20;
	[sflag:s22] =	ssyncset.done $0x0  }
0xa0: {  	[sflag:s22] =	ssyncadd.s32 s3;
	_ =	sdelay $0x1  }
0xa1: {  	s23 =	simm.s32 $0x1B8B  }
0xa2: {  	_ =	swait.ge [sflag:s23], $0x1  }
0xa3: {  	[sflag:s23] =	ssyncset.done $0x0  }
0xa4: {  	s25 =	simm.s32 $0x1B8E;
	s24 =	sld [smem:$0x3FFE];
	[sflag:s23] =	ssyncadd.s32 $0xFFFFFFFF  }
0xa5: {  	s26 =	simm.s32 $execute0_lowered;
	[smem:$0x3FD2] =	sst s25  }
0xa6: {  	s4 =	sshll.u32 s26, $0x1;
	_ =	strace $0x8000004C;
	[dreg:$0x1] =	wrdreg $0xFFFFFFFF  }
0xa7: {  	s28 =	simm.s32 $_size_execute0_lowered;
	s2 =	sadd.s32 s2, s4;
	[dreg:$0x0] =	wrdreg $0x0  }
0xa8: {  	s4 =	sshll.u32 s28, $0x1;
	[dreg:$0x2] =	wrdreg s2  }
0xa9: {  	[dreg:$0x3] =	wrdreg s4  }
0xaa: {  	[dreg:$0x4] =	wrdreg $0xC0  }
0xab: {  	_ =	task [dreg:s6], $0x5FFFF  }
0xac: {  	[dreg:$0x1] =	wrdreg $0xFFFFFFFF  }
0xad: {  	[dreg:$0x0] =	wrdreg $0x60  }
0xae: {  	[dreg:$0x2] =	wrdreg s24  }
0xaf: {  	[dreg:$0x3] =	wrdreg $0x0  }
0xb0: {  	[dreg:$0x4] =	wrdreg $0x28000  }
0xb1: {  	[dreg:$0x5] =	wrdreg $0x9  }
0xb2: {  	_ =	task.clear_ibuf [dreg:s6], $0x6FFFF;
	_ =	strace $0x9000004C  }
0xb3: {  	s29 =	simm.s32 $0x9;
	_ =	strace $0x8000004E  }
0xb4: {  	_ =	swait.ge [sflag:s29], $0x1  }
0xb5: {  	[sflag:s29] =	ssyncadd.s32 $0xFFFFFFFF  }
0xb6: {  	_ =	strace $0x9000004E  }
0xb7: {  	_ =	sfence  }
0xb8: {  	s30 =	sld [smem:$0x0];
	_ =	sdelay $0x2  }
0xb9: {  	s31 =	sshll.u32 s1, $0xD;
	s1 =	sshrl.u32 s1, $0x2  }
0xba: {  	s3 =	sand.u32 $0x4000, s31;
	s1 =	sadd.s32 s1, s30  }
0xbb: {  	s0 =	sor.u32 s3, s0;
	s1 =	sshll.u32 s1, $0x11  }
0xbc: {  	s0 =	sor.u32 s1, s0  }
0xbd: {  	s0 =	sadd.s32 $0x8F2B, s0  }
0xbe: {  	[sflag:s0] =	ssyncadd.remote.s32 $0x1  }
0xbf: {  	_ =	sfence.sel $0xFFFF  }
0xc0: {  	[dreg:$0x0] =	wrdreg $0xFFFFFFFF;
	(pc) =	sbr.abs _section_cstart, $3  }
0xc1: {  	[dreg:$0x1] =	wrdreg $0xFFFFFFFF  }
0xc2: {  	_ =	task.clear_ibuf [dreg:s6], $0x2FFFF;
	_ =	strace $0x9FFFFFFF  }
0xc3: {  	(tm) =	ssettm $0x7FFFFFFF  }
tec
execute0_lowered:
.L_overlay_start_1:
0x0: {  	(tag) =	ssettag $0x1  }
0x1: {  	s5 =	rddreg [dreg:$0x0]  }
0x2: {  	s3 =	rddreg [dreg:$0x1]  }
0x3: {  	s2 =	rddreg [dreg:$0x2]  }
0x4: {  	s1 =	stileid.u32;
	s0 =	rddreg [dreg:$0x3];
	s4 =	simm.s32 $0x0  }
0x5: {  	s7 =	srdreg.scid;
	s16 =	simm.s32 $0x7800;
	s17 =	simm.s32 $0x10C70  }
0x6: {  	p0 =	por $0x0, $0x0;
	s6 =	smul.u32 $0x14000, s1;
	[smem:$0x7FF] =	sst s4  }
0x7: {  	s7 =	sand.u32 $0x1, s7;
	s10 =	sadd.s32 $0x1E00, s5;
	s11 =	sadd.s32 $0xBC00, s5  }
0x8: {  	s12 =	sshll.u32 s1, $0x1;
	s19 =	smul.u32 $0x2800, s1;
	_ =	strace $0x8000004D  }
0x9: {  	s9 =	smul.u32 $0x140000, s7;
	s18 =	sor.u32 s7, s12;
	s7 =	ssub.s32 $0x2, s7  }
0xa: {  	s12 =	simm.s32 $0x87A0;
	s8 =	sshrl.u32 s6, $0x3;
	s20 =	sshrl.u32 s7, $0x1  }
0xb: {  	s21 =	sadd.s32 s19, s3;
	s8 =	sadd.s32 s8, s5;
	s6 =	sadd.s32 s6, s9  }
0xc: {  	s9 =	smul.u32 $0x2710, s18;
	s7 =	ssub.s32 s7, s20;
	[dreg:$0x5] =	wrdreg s21  }
0xd: {  	s21 =	simm.s32 $0x104A0;
	s18 =	simm.s32 $0x11440;
	s6 =	sshrl.u32 s6, $0x3  }
0xe: {  	s8 =	sadd.s32 $0x15A00, s8;
	s29 =	smax.u32 s7, $0x1;
	s7 =	simm.s32 $0x10  }
0xf: {  	s6 =	sadd.s32 s6, s5;
	[dreg:$0x4] =	wrdreg s8;
	s9 =	sshrl.u32 s9, $0x3  }
0x10: {  	s5 =	sadd.s32 s19, s2;
	s8 =	simm.s32 $0x3;
	p1 =	sne.s32 s29, $0x1  }
0x11: {  	s30 =	sadd.s32 $0xFFFFFFFF, s29;
	s22 =	sadd.s32 s10, s9;
	s23 =	sadd.s32 s11, s9  }
0x12: {  	s13 =	sadd.s32 $0xFA, s9;
	s25 =	sadd.s32 $0x1F4, s9;
	s31 =	rddreg [dreg:$0x4]  }
0x13: {  	s26 =	sadd.s32 $0x2EE, s9;
	s28 =	sadd.s32 $0x3E8, s9;
	[dreg:$0x6] =	wrdreg s22  }
0x14: {  	s6 =	sadd.s32 $0x3DA00, s6;
	s9 =	simm.s32 $0x1;
	[dreg:$0x7] =	wrdreg s23  }
.Ltmp0:
0x15: {  	s24 =	sadd.s32 s10, s13;
	s23 =	sadd.s32 s10, s25;
	(pc) =	sbr.rel @!p1 .LBB2_3-.Ltmp0, $4  }
0x16: {  	s22 =	sadd.s32 s11, s25;
	s20 =	sadd.s32 s10, s26;
	s19 =	sadd.s32 s11, s26  }
0x17: {  	s15 =	sadd.s32 s10, s28;
	s14 =	sadd.s32 s11, s28;
	s26 =	simm.s32 $0x80  }
0x18: {  	s25 =	simm.s32 $0x5000;
	s10 =	simm.s32 $0x7FD0;
	[dreg:$0x8] =	wrdreg s24  }
0x19: {  	s24 =	sadd.s32 s11, s13;
	s11 =	simm.s32 $0x7D0;
	s13 =	simm.s32 $0x2  }
0x1a: {  	[tilespmem:s25], [sflag:$0x3] =	stream.strided.gather [hbm4b:s31+s7], $0x2800, s26, s7, $0x38;
	[tilespmem:$0x19140] =	vst v63  }
0x1b: {  	_ =	swait.ge [sflag:s8], $0x2800  }
0x1c: {  	[sflag:s8] =	ssyncset.done $0x0  }
0x1d: {  	s28 =	rddreg [dreg:$0x5];
	[sflag:s8] =	ssyncadd.s32 $0xFFFFD800  }
0x1e: {  	[spmem:s28] =	stream.linear.scatter [tilespmem:s25], [sflag:$0x3], $0x2800, $0x38;
	[tilespmem:$0x19140] =	vst v63  }
0x1f: {  	_ =	swait.ge [sflag:s8], $0x2800  }
0x20: {  	[sflag:s8] =	ssyncset.done $0x0  }
0x21: {  	[sflag:s8] =	ssyncadd.s32 $0xFFFFD800  }
0x22: {  	[spmem:s5] =	stream.linear.scatter [tilespmem:s25], [sflag:$0x3], $0x2800, $0x38;
	[tilespmem:$0x19140] =	vst v63  }
0x23: {  	_ =	swait.ge [sflag:s8], $0x2800  }
0x24: {  	[sflag:s8] =	ssyncset.done $0x0  }
0x25: {  	[sflag:s8] =	ssyncadd.s32 $0xFFFFD800  }
0x26: {  	[bflag:$0x0] =	sbarrier.arrive $0xFFFF  }
0x27: {  	s28 =	rddreg [dreg:$0x6]  }
0x28: {  	[tilespmem:s16], [sflag:$0x3] =	stream.linear.gather [hbm4b:s28+s4], $0x7D0, $0x38;
	[tilespmem:$0x19140] =	vst v63  }
0x29: {  	_ =	swait.ge [sflag:s8], $0x7D0  }
0x2a: {  	[sflag:s8] =	ssyncset.done $0x0  }
0x2b: {  	s28 =	rddreg [dreg:$0x7];
	[sflag:s8] =	ssyncadd.s32 $0xFFFFF830  }
0x2c: {  	[tilespmem:s10], [sflag:$0x3] =	stream.linear.gather [hbm4b:s28+s4], $0x7D0, $0x38;
	[tilespmem:$0x19140] =	vst v63  }
0x2d: {  	_ =	swait.ge [sflag:s8], $0x7D0  }
0x2e: {  	[sflag:s8] =	ssyncset.done $0x0  }
0x2f: {  	[sflag:s8] =	ssyncadd.s32 $0xFFFFF830  }
0x30: {  	[tilespmem:s12], [sflag:$0x1] =	stream.indirect.gather [spmem:s3], $0x10, s16, s11, $0xb8;
	[tilespmem:$0x19140] =	vst v63  }
0x31: {  	_ =	swait.ge [sflag:s9], $0x7D00  }
0x32: {  	[sflag:s9] =	ssyncset.done $0x0  }
0x33: {  	s28 =	rddreg [dreg:$0x8];
	[sflag:s9] =	ssyncadd.s32 $0xFFFF8300  }
0x34: {  	[tilespmem:s21], [sflag:$0x3] =	stream.linear.gather [hbm4b:s28+s4], $0x7D0, $0x38;
	[tilespmem:$0x19140] =	vst v63  }
0x35: {  	_ =	swait.ge [sflag:s8], $0x7D0  }
0x36: {  	[sflag:s8] =	ssyncset.done $0x0  }
0x37: {  	[sflag:s8] =	ssyncadd.s32 $0xFFFFF830  }
0x38: {  	[tilespmem:s17], [sflag:$0x3] =	stream.linear.gather [hbm4b:s24+s4], $0x7D0, $0x38;
	[tilespmem:$0x19140] =	vst v63  }
0x39: {  	_ =	swait.ge [sflag:s8], $0x7D0  }
0x3a: {  	[sflag:s8] =	ssyncset.done $0x0  }
0x3b: {  	[sflag:s8] =	ssyncadd.s32 $0xFFFFF830  }
0x3c: {  	[tilespmem:s18], [sflag:$0x2] =	stream.indirect.gather [spmem:s3], $0x10, s21, s11, $0xb8;
	[tilespmem:$0x19140] =	vst v63  }
0x3d: {  	_ = 	snop  }
0x3e: {  	[spmem:s2] =	stream.indirect.scatter.add.f32 [tilespmem:s12], [sflag:$0x3], $0x10, s10, s11, $0xb8;
	[tilespmem:$0x19140] =	vst v63  }
0x3f: {  	_ =	swait.ge [sflag:s8], $0x7D00  }
0x40: {  	[sflag:s8] =	ssyncset.done $0x0  }
0x41: {  	[sflag:s8] =	ssyncadd.s32 $0xFFFF8300  }
0x42: {  	_ =	swait.ge [sflag:s13], $0x7D00  }
0x43: {  	[sflag:s13] =	ssyncset.done $0x0  }
0x44: {  	[sflag:s13] =	ssyncadd.s32 $0xFFFF8300  }
0x45: {  	[tilespmem:s16], [sflag:$0x3] =	stream.linear.gather [hbm4b:s23+s4], $0x7D0, $0x38;
	[tilespmem:$0x19140] =	vst v63  }
0x46: {  	_ =	swait.ge [sflag:s8], $0x7D0  }
0x47: {  	[sflag:s8] =	ssyncset.done $0x0  }
0x48: {  	[sflag:s8] =	ssyncadd.s32 $0xFFFFF830  }
0x49: {  	[tilespmem:s10], [sflag:$0x3] =	stream.linear.gather [hbm4b:s22+s4], $0x7D0, $0x38;
	[tilespmem:$0x19140] =	vst v63  }
0x4a: {  	_ =	swait.ge [sflag:s8], $0x7D0  }
0x4b: {  	[sflag:s8] =	ssyncset.done $0x0  }
0x4c: {  	[sflag:s8] =	ssyncadd.s32 $0xFFFFF830  }
0x4d: {  	[tilespmem:s12], [sflag:$0x1] =	stream.indirect.gather [spmem:s3], $0x10, s16, s11, $0xb8;
	[tilespmem:$0x19140] =	vst v63  }
0x4e: {  	_ = 	snop  }
0x4f: {  	[spmem:s2] =	stream.indirect.scatter.add.f32 [tilespmem:s18], [sflag:$0x3], $0x10, s17, s11, $0xb8;
	[tilespmem:$0x19140] =	vst v63  }
0x50: {  	_ =	swait.ge [sflag:s8], $0x7D00  }
0x51: {  	[sflag:s8] =	ssyncset.done $0x0  }
0x52: {  	[sflag:s8] =	ssyncadd.s32 $0xFFFF8300  }
0x53: {  	_ =	swait.ge [sflag:s9], $0x7D00  }
0x54: {  	[sflag:s9] =	ssyncset.done $0x0  }
0x55: {  	[sflag:s9] =	ssyncadd.s32 $0xFFFF8300  }
0x56: {  	[tilespmem:s21], [sflag:$0x3] =	stream.linear.gather [hbm4b:s20+s4], $0x7D0, $0x38;
	[tilespmem:$0x19140] =	vst v63  }
0x57: {  	_ =	swait.ge [sflag:s8], $0x7D0  }
0x58: {  	[sflag:s8] =	ssyncset.done $0x0  }
0x59: {  	[sflag:s8] =	ssyncadd.s32 $0xFFFFF830  }
0x5a: {  	[tilespmem:s17], [sflag:$0x3] =	stream.linear.gather [hbm4b:s19+s4], $0x7D0, $0x38;
	[tilespmem:$0x19140] =	vst v63  }
0x5b: {  	_ =	swait.ge [sflag:s8], $0x7D0  }
0x5c: {  	[sflag:s8] =	ssyncset.done $0x0  }
0x5d: {  	[sflag:s8] =	ssyncadd.s32 $0xFFFFF830  }
0x5e: {  	[tilespmem:s18], [sflag:$0x2] =	stream.indirect.gather [spmem:s3], $0x10, s21, s11, $0xb8;
	[tilespmem:$0x19140] =	vst v63  }
0x5f: {  	_ = 	snop  }
0x60: {  	[spmem:s2] =	stream.indirect.scatter.add.f32 [tilespmem:s12], [sflag:$0x3], $0x10, s10, s11, $0xb8;
	[tilespmem:$0x19140] =	vst v63  }
0x61: {  	_ =	swait.ge [sflag:s8], $0x7D00  }
0x62: {  	[sflag:s8] =	ssyncset.done $0x0  }
0x63: {  	[sflag:s8] =	ssyncadd.s32 $0xFFFF8300  }
0x64: {  	_ =	swait.ge [sflag:s13], $0x7D00  }
0x65: {  	[sflag:s13] =	ssyncset.done $0x0  }
0x66: {  	[sflag:s13] =	ssyncadd.s32 $0xFFFF8300  }
0x67: {  	[tilespmem:s16], [sflag:$0x3] =	stream.linear.gather [hbm4b:s15+s4], $0x7D0, $0x38;
	[tilespmem:$0x19140] =	vst v63  }
0x68: {  	_ =	swait.ge [sflag:s8], $0x7D0  }
0x69: {  	[sflag:s8] =	ssyncset.done $0x0  }
0x6a: {  	[sflag:s8] =	ssyncadd.s32 $0xFFFFF830  }
0x6b: {  	[tilespmem:s10], [sflag:$0x3] =	stream.linear.gather [hbm4b:s14+s4], $0x7D0, $0x38;
	[tilespmem:$0x19140] =	vst v63  }
0x6c: {  	_ =	swait.ge [sflag:s8], $0x7D0  }
0x6d: {  	[sflag:s8] =	ssyncset.done $0x0  }
0x6e: {  	[sflag:s8] =	ssyncadd.s32 $0xFFFFF830  }
0x6f: {  	[tilespmem:s12], [sflag:$0x1] =	stream.indirect.gather [spmem:s3], $0x10, s16, s11, $0xb8;
	[tilespmem:$0x19140] =	vst v63  }
0x70: {  	_ = 	snop  }
0x71: {  	[spmem:s2] =	stream.indirect.scatter.add.f32 [tilespmem:s18], [sflag:$0x3], $0x10, s17, s11, $0xb8;
	[tilespmem:$0x19140] =	vst v63  }
0x72: {  	_ =	swait.ge [sflag:s8], $0x7D00  }
0x73: {  	[sflag:s8] =	ssyncset.done $0x0  }
0x74: {  	[sflag:s8] =	ssyncadd.s32 $0xFFFF8300  }
0x75: {  	_ =	swait.ge [sflag:s9], $0x7D00  }
0x76: {  	[sflag:s9] =	ssyncset.done $0x0  }
0x77: {  	[sflag:s9] =	ssyncadd.s32 $0xFFFF8300  }
0x78: {  	[spmem:s2] =	stream.indirect.scatter.add.f32 [tilespmem:s12], [sflag:$0x3], $0x10, s10, s11, $0xb8;
	[tilespmem:$0x19140] =	vst v63  }
0x79: {  	_ =	swait.ge [sflag:s8], $0x7D00  }
0x7a: {  	p1 =	sne.s32 s30, $0x1;
	[sflag:s8] =	ssyncset.done $0x0  }
.Ltmp1:
0x7b: {  	s28 =	sshll.u32 s1, $0x6;
	[sflag:s8] =	ssyncadd.s32 $0xFFFF8300;
	(pc) =	sbr.rel @!p1 .LBB2_3-.Ltmp1, $4  }
0x7c: {  	s29 =	sshrl.u32 s5, $0x3;
	s28 =	sor.u32 $0x1C03, s28;
	[bflag:$0x0] =	sbarrier.arrive $0xFFFF  }
0x7d: {  	[hbm:s6@s7], [sflag:s28] =	dma.strided [spmem:s29@s13], $0x500, s9, $0x2   }
0x7e: {  	s30 =	sadd.s32 $0xFFFFFFFF, s30;
	_ =	swait.ge [sflag:s8], $0x500  }
0x7f: {  	p0 =	por $0x1, $0x1;
	s31 =	rddreg [dreg:$0x4];
	[sflag:s8] =	ssyncset.done $0x0  }
.LBB2_2:
0x80: {  	[sflag:s8] =	ssyncadd.s32 $0xFFFFFB00  }
0x81: {  	[tilespmem:s25], [sflag:$0x3] =	stream.strided.gather [hbm4b:s31+s7], $0x2800, s26, s7, $0x38;
	[tilespmem:$0x19140] =	vst v63  }
0x82: {  	_ =	swait.ge [sflag:s8], $0x2800  }
0x83: {  	[sflag:s8] =	ssyncset.done $0x0  }
0x84: {  	s31 =	rddreg [dreg:$0x5];
	[sflag:s8] =	ssyncadd.s32 $0xFFFFD800  }
0x85: {  	[spmem:s31] =	stream.linear.scatter [tilespmem:s25], [sflag:$0x3], $0x2800, $0x38;
	[tilespmem:$0x19140] =	vst v63  }
0x86: {  	_ =	swait.ge [sflag:s8], $0x2800  }
0x87: {  	[sflag:s8] =	ssyncset.done $0x0  }
0x88: {  	[sflag:s8] =	ssyncadd.s32 $0xFFFFD800  }
0x89: {  	[spmem:s5] =	stream.linear.scatter [tilespmem:s25], [sflag:$0x3], $0x2800, $0x38;
	[tilespmem:$0x19140] =	vst v63  }
0x8a: {  	_ =	swait.ge [sflag:s8], $0x2800  }
0x8b: {  	[sflag:s8] =	ssyncset.done $0x0  }
0x8c: {  	[sflag:s8] =	ssyncadd.s32 $0xFFFFD800  }
0x8d: {  	[bflag:$0x0] =	sbarrier.arrive $0xFFFF  }
0x8e: {  	s31 =	rddreg [dreg:$0x6]  }
0x8f: {  	[tilespmem:s16], [sflag:$0x3] =	stream.linear.gather [hbm4b:s31+s4], $0x7D0, $0x38;
	[tilespmem:$0x19140] =	vst v63  }
0x90: {  	_ =	swait.ge [sflag:s8], $0x7D0  }
0x91: {  	[sflag:s8] =	ssyncset.done $0x0  }
0x92: {  	s31 =	rddreg [dreg:$0x7];
	[sflag:s8] =	ssyncadd.s32 $0xFFFFF830  }
0x93: {  	[tilespmem:s10], [sflag:$0x3] =	stream.linear.gather [hbm4b:s31+s4], $0x7D0, $0x38;
	[tilespmem:$0x19140] =	vst v63  }
0x94: {  	_ =	swait.ge [sflag:s8], $0x7D0  }
0x95: {  	[sflag:s8] =	ssyncset.done $0x0  }
0x96: {  	[sflag:s8] =	ssyncadd.s32 $0xFFFFF830  }
0x97: {  	[tilespmem:s12], [sflag:$0x1] =	stream.indirect.gather [spmem:s3], $0x10, s16, s11, $0xb8;
	[tilespmem:$0x19140] =	vst v63  }
0x98: {  	_ =	swait.ge [sflag:s9], $0x7D00  }
0x99: {  	[sflag:s9] =	ssyncset.done $0x0  }
0x9a: {  	s31 =	rddreg [dreg:$0x8];
	[sflag:s9] =	ssyncadd.s32 $0xFFFF8300  }
0x9b: {  	[tilespmem:s21], [sflag:$0x3] =	stream.linear.gather [hbm4b:s31+s4], $0x7D0, $0x38;
	[tilespmem:$0x19140] =	vst v63  }
0x9c: {  	_ =	swait.ge [sflag:s8], $0x7D0  }
0x9d: {  	[sflag:s8] =	ssyncset.done $0x0  }
0x9e: {  	[sflag:s8] =	ssyncadd.s32 $0xFFFFF830  }
0x9f: {  	[tilespmem:s17], [sflag:$0x3] =	stream.linear.gather [hbm4b:s24+s4], $0x7D0, $0x38;
	[tilespmem:$0x19140] =	vst v63  }
0xa0: {  	_ =	swait.ge [sflag:s8], $0x7D0  }
0xa1: {  	[sflag:s8] =	ssyncset.done $0x0  }
0xa2: {  	[sflag:s8] =	ssyncadd.s32 $0xFFFFF830  }
0xa3: {  	[tilespmem:s18], [sflag:$0x2] =	stream.indirect.gather [spmem:s3], $0x10, s21, s11, $0xb8;
	[tilespmem:$0x19140] =	vst v63  }
0xa4: {  	_ = 	snop  }
0xa5: {  	[spmem:s2] =	stream.indirect.scatter.add.f32 [tilespmem:s12], [sflag:$0x3], $0x10, s10, s11, $0xb8;
	[tilespmem:$0x19140] =	vst v63  }
0xa6: {  	_ =	swait.ge [sflag:s8], $0x7D00  }
0xa7: {  	[sflag:s8] =	ssyncset.done $0x0  }
0xa8: {  	[sflag:s8] =	ssyncadd.s32 $0xFFFF8300  }
0xa9: {  	_ =	swait.ge [sflag:s13], $0x7D00  }
0xaa: {  	[sflag:s13] =	ssyncset.done $0x0  }
0xab: {  	[sflag:s13] =	ssyncadd.s32 $0xFFFF8300  }
0xac: {  	[tilespmem:s16], [sflag:$0x3] =	stream.linear.gather [hbm4b:s23+s4], $0x7D0, $0x38;
	[tilespmem:$0x19140] =	vst v63  }
0xad: {  	_ =	swait.ge [sflag:s8], $0x7D0  }
0xae: {  	[sflag:s8] =	ssyncset.done $0x0  }
0xaf: {  	[sflag:s8] =	ssyncadd.s32 $0xFFFFF830  }
0xb0: {  	[tilespmem:s10], [sflag:$0x3] =	stream.linear.gather [hbm4b:s22+s4], $0x7D0, $0x38;
	[tilespmem:$0x19140] =	vst v63  }
0xb1: {  	_ =	swait.ge [sflag:s8], $0x7D0  }
0xb2: {  	[sflag:s8] =	ssyncset.done $0x0  }
0xb3: {  	[sflag:s8] =	ssyncadd.s32 $0xFFFFF830  }
0xb4: {  	[tilespmem:s12], [sflag:$0x1] =	stream.indirect.gather [spmem:s3], $0x10, s16, s11, $0xb8;
	[tilespmem:$0x19140] =	vst v63  }
0xb5: {  	_ = 	snop  }
0xb6: {  	[spmem:s2] =	stream.indirect.scatter.add.f32 [tilespmem:s18], [sflag:$0x3], $0x10, s17, s11, $0xb8;
	[tilespmem:$0x19140] =	vst v63  }
0xb7: {  	_ =	swait.ge [sflag:s8], $0x7D00  }
0xb8: {  	[sflag:s8] =	ssyncset.done $0x0  }
0xb9: {  	[sflag:s8] =	ssyncadd.s32 $0xFFFF8300  }
0xba: {  	_ =	swait.ge [sflag:s9], $0x7D00  }
0xbb: {  	[sflag:s9] =	ssyncset.done $0x0  }
0xbc: {  	[sflag:s9] =	ssyncadd.s32 $0xFFFF8300  }
0xbd: {  	[tilespmem:s21], [sflag:$0x3] =	stream.linear.gather [hbm4b:s20+s4], $0x7D0, $0x38;
	[tilespmem:$0x19140] =	vst v63  }
0xbe: {  	_ =	swait.ge [sflag:s8], $0x7D0  }
0xbf: {  	[sflag:s8] =	ssyncset.done $0x0  }
0xc0: {  	[sflag:s8] =	ssyncadd.s32 $0xFFFFF830  }
0xc1: {  	[tilespmem:s17], [sflag:$0x3] =	stream.linear.gather [hbm4b:s19+s4], $0x7D0, $0x38;
	[tilespmem:$0x19140] =	vst v63  }
0xc2: {  	_ =	swait.ge [sflag:s8], $0x7D0  }
0xc3: {  	[sflag:s8] =	ssyncset.done $0x0  }
0xc4: {  	[sflag:s8] =	ssyncadd.s32 $0xFFFFF830  }
0xc5: {  	[tilespmem:s18], [sflag:$0x2] =	stream.indirect.gather [spmem:s3], $0x10, s21, s11, $0xb8;
	[tilespmem:$0x19140] =	vst v63  }
0xc6: {  	_ = 	snop  }
0xc7: {  	[spmem:s2] =	stream.indirect.scatter.add.f32 [tilespmem:s12], [sflag:$0x3], $0x10, s10, s11, $0xb8;
	[tilespmem:$0x19140] =	vst v63  }
0xc8: {  	_ =	swait.ge [sflag:s8], $0x7D00  }
0xc9: {  	[sflag:s8] =	ssyncset.done $0x0  }
0xca: {  	[sflag:s8] =	ssyncadd.s32 $0xFFFF8300  }
0xcb: {  	_ =	swait.ge [sflag:s13], $0x7D00  }
0xcc: {  	[sflag:s13] =	ssyncset.done $0x0  }
0xcd: {  	[sflag:s13] =	ssyncadd.s32 $0xFFFF8300  }
0xce: {  	[tilespmem:s16], [sflag:$0x3] =	stream.linear.gather [hbm4b:s15+s4], $0x7D0, $0x38;
	[tilespmem:$0x19140] =	vst v63  }
0xcf: {  	_ =	swait.ge [sflag:s8], $0x7D0  }
0xd0: {  	[sflag:s8] =	ssyncset.done $0x0  }
0xd1: {  	[sflag:s8] =	ssyncadd.s32 $0xFFFFF830  }
0xd2: {  	[tilespmem:s10], [sflag:$0x3] =	stream.linear.gather [hbm4b:s14+s4], $0x7D0, $0x38;
	[tilespmem:$0x19140] =	vst v63  }
0xd3: {  	_ =	swait.ge [sflag:s8], $0x7D0  }
0xd4: {  	[sflag:s8] =	ssyncset.done $0x0  }
0xd5: {  	[sflag:s8] =	ssyncadd.s32 $0xFFFFF830  }
0xd6: {  	[tilespmem:s12], [sflag:$0x1] =	stream.indirect.gather [spmem:s3], $0x10, s16, s11, $0xb8;
	[tilespmem:$0x19140] =	vst v63  }
0xd7: {  	_ = 	snop  }
0xd8: {  	[spmem:s2] =	stream.indirect.scatter.add.f32 [tilespmem:s18], [sflag:$0x3], $0x10, s17, s11, $0xb8;
	[tilespmem:$0x19140] =	vst v63  }
0xd9: {  	_ =	swait.ge [sflag:s8], $0x7D00  }
0xda: {  	[sflag:s8] =	ssyncset.done $0x0  }
0xdb: {  	[sflag:s8] =	ssyncadd.s32 $0xFFFF8300  }
0xdc: {  	_ =	swait.ge [sflag:s9], $0x7D00  }
0xdd: {  	[sflag:s9] =	ssyncset.done $0x0  }
0xde: {  	[sflag:s9] =	ssyncadd.s32 $0xFFFF8300  }
0xdf: {  	[spmem:s2] =	stream.indirect.scatter.add.f32 [tilespmem:s12], [sflag:$0x3], $0x10, s10, s11, $0xb8;
	[tilespmem:$0x19140] =	vst v63  }
0xe0: {  	_ =	swait.ge [sflag:s8], $0x7D00  }
0xe1: {  	p1 =	sne.s32 s30, $0x1;
	[sflag:s8] =	ssyncset.done $0x0  }
.Ltmp2:
0xe2: {  	[sflag:s8] =	ssyncadd.s32 $0xFFFF8300;
	(pc) =	sbr.rel @p1 .LBB2_2-.Ltmp2, $4  }
0xe3: {  	[bflag:$0x0] =	sbarrier.arrive $0xFFFF  }
0xe4: {  	[hbm:s6@s7], [sflag:s28] =	dma.strided [spmem:s29@s13], $0x500, s9, $0x2   }
0xe5: {  	_ =	swait.ge [sflag:s8], $0x500  }
0xe6: {  	s30 =	sadd.s32 $0xFFFFFFFF, s30;
	s31 =	rddreg [dreg:$0x4];
	[sflag:s8] =	ssyncset.done $0x0  }
.LBB2_3:
0xe7: {  	[sflag:s8] =	ssyncadd.s32 @p0 $0xFFFFFB00  }
0xe8: {  	[tilespmem:s25], [sflag:$0x3] =	stream.strided.gather [hbm4b:s31+s7], $0x2800, s26, s7, $0x38;
	[tilespmem:$0x19140] =	vst v63  }
0xe9: {  	_ =	swait.ge [sflag:s8], $0x2800  }
0xea: {  	[sflag:s8] =	ssyncset.done $0x0  }
0xeb: {  	s31 =	rddreg [dreg:$0x5];
	[sflag:s8] =	ssyncadd.s32 $0xFFFFD800  }
0xec: {  	[spmem:s31] =	stream.linear.scatter [tilespmem:s25], [sflag:$0x3], $0x2800, $0x38;
	[tilespmem:$0x19140] =	vst v63  }
0xed: {  	_ =	swait.ge [sflag:s8], $0x2800  }
0xee: {  	[sflag:s8] =	ssyncset.done $0x0  }
0xef: {  	[sflag:s8] =	ssyncadd.s32 $0xFFFFD800  }
0xf0: {  	[spmem:s5] =	stream.linear.scatter [tilespmem:s25], [sflag:$0x3], $0x2800, $0x38;
	[tilespmem:$0x19140] =	vst v63  }
0xf1: {  	_ =	swait.ge [sflag:s8], $0x2800  }
0xf2: {  	[sflag:s8] =	ssyncset.done $0x0  }
0xf3: {  	[sflag:s8] =	ssyncadd.s32 $0xFFFFD800  }
0xf4: {  	[bflag:$0x0] =	sbarrier.arrive $0xFFFF  }
0xf5: {  	s26 =	rddreg [dreg:$0x6]  }
0xf6: {  	[tilespmem:s16], [sflag:$0x3] =	stream.linear.gather [hbm4b:s26+s4], $0x7D0, $0x38;
	[tilespmem:$0x19140] =	vst v63  }
0xf7: {  	_ =	swait.ge [sflag:s8], $0x7D0  }
0xf8: {  	[sflag:s8] =	ssyncset.done $0x0  }
0xf9: {  	s28 =	rddreg [dreg:$0x7];
	[sflag:s8] =	ssyncadd.s32 $0xFFFFF830  }
0xfa: {  	[tilespmem:s10], [sflag:$0x3] =	stream.linear.gather [hbm4b:s28+s4], $0x7D0, $0x38;
	[tilespmem:$0x19140] =	vst v63  }
0xfb: {  	_ =	swait.ge [sflag:s8], $0x7D0  }
0xfc: {  	[sflag:s8] =	ssyncset.done $0x0  }
0xfd: {  	[sflag:s8] =	ssyncadd.s32 $0xFFFFF830  }
0xfe: {  	[tilespmem:s12], [sflag:$0x1] =	stream.indirect.gather [spmem:s3], $0x10, s16, s11, $0xb8;
	[tilespmem:$0x19140] =	vst v63  }
0xff: {  	_ =	swait.ge [sflag:s9], $0x7D00  }
0x100: {  	[sflag:s9] =	ssyncset.done $0x0  }
0x101: {  	s29 =	rddreg [dreg:$0x8];
	[sflag:s9] =	ssyncadd.s32 $0xFFFF8300  }
0x102: {  	[tilespmem:s21], [sflag:$0x3] =	stream.linear.gather [hbm4b:s29+s4], $0x7D0, $0x38;
	[tilespmem:$0x19140] =	vst v63  }
0x103: {  	_ =	swait.ge [sflag:s8], $0x7D0  }
0x104: {  	[sflag:s8] =	ssyncset.done $0x0  }
0x105: {  	[sflag:s8] =	ssyncadd.s32 $0xFFFFF830  }
0x106: {  	[tilespmem:s17], [sflag:$0x3] =	stream.linear.gather [hbm4b:s24+s4], $0x7D0, $0x38;
	[tilespmem:$0x19140] =	vst v63  }
0x107: {  	_ =	swait.ge [sflag:s8], $0x7D0  }
0x108: {  	[sflag:s8] =	ssyncset.done $0x0  }
0x109: {  	[sflag:s8] =	ssyncadd.s32 $0xFFFFF830  }
0x10a: {  	[tilespmem:s18], [sflag:$0x2] =	stream.indirect.gather [spmem:s3], $0x10, s21, s11, $0xb8;
	[tilespmem:$0x19140] =	vst v63  }
0x10b: {  	_ = 	snop  }
0x10c: {  	[spmem:s2] =	stream.indirect.scatter.add.f32 [tilespmem:s12], [sflag:$0x3], $0x10, s10, s11, $0xb8;
	[tilespmem:$0x19140] =	vst v63  }
0x10d: {  	_ =	swait.ge [sflag:s8], $0x7D00  }
0x10e: {  	[sflag:s8] =	ssyncset.done $0x0  }
0x10f: {  	[sflag:s8] =	ssyncadd.s32 $0xFFFF8300  }
0x110: {  	_ =	swait.ge [sflag:s13], $0x7D00  }
0x111: {  	[sflag:s13] =	ssyncset.done $0x0  }
0x112: {  	[sflag:s13] =	ssyncadd.s32 $0xFFFF8300  }
0x113: {  	[tilespmem:s16], [sflag:$0x3] =	stream.linear.gather [hbm4b:s23+s4], $0x7D0, $0x38;
	[tilespmem:$0x19140] =	vst v63  }
0x114: {  	_ =	swait.ge [sflag:s8], $0x7D0  }
0x115: {  	[sflag:s8] =	ssyncset.done $0x0  }
0x116: {  	[sflag:s8] =	ssyncadd.s32 $0xFFFFF830  }
0x117: {  	[tilespmem:s10], [sflag:$0x3] =	stream.linear.gather [hbm4b:s22+s4], $0x7D0, $0x38;
	[tilespmem:$0x19140] =	vst v63  }
0x118: {  	_ =	swait.ge [sflag:s8], $0x7D0  }
0x119: {  	[sflag:s8] =	ssyncset.done $0x0  }
0x11a: {  	[sflag:s8] =	ssyncadd.s32 $0xFFFFF830  }
0x11b: {  	[tilespmem:s12], [sflag:$0x1] =	stream.indirect.gather [spmem:s3], $0x10, s16, s11, $0xb8;
	[tilespmem:$0x19140] =	vst v63  }
0x11c: {  	_ = 	snop  }
0x11d: {  	[spmem:s2] =	stream.indirect.scatter.add.f32 [tilespmem:s18], [sflag:$0x3], $0x10, s17, s11, $0xb8;
	[tilespmem:$0x19140] =	vst v63  }
0x11e: {  	_ =	swait.ge [sflag:s8], $0x7D00  }
0x11f: {  	[sflag:s8] =	ssyncset.done $0x0  }
0x120: {  	[sflag:s8] =	ssyncadd.s32 $0xFFFF8300  }
0x121: {  	_ =	swait.ge [sflag:s9], $0x7D00  }
0x122: {  	[sflag:s9] =	ssyncset.done $0x0  }
0x123: {  	[sflag:s9] =	ssyncadd.s32 $0xFFFF8300  }
0x124: {  	[tilespmem:s21], [sflag:$0x3] =	stream.linear.gather [hbm4b:s20+s4], $0x7D0, $0x38;
	[tilespmem:$0x19140] =	vst v63  }
0x125: {  	_ =	swait.ge [sflag:s8], $0x7D0  }
0x126: {  	[sflag:s8] =	ssyncset.done $0x0  }
0x127: {  	[sflag:s8] =	ssyncadd.s32 $0xFFFFF830  }
0x128: {  	[tilespmem:s17], [sflag:$0x3] =	stream.linear.gather [hbm4b:s19+s4], $0x7D0, $0x38;
	[tilespmem:$0x19140] =	vst v63  }
0x129: {  	_ =	swait.ge [sflag:s8], $0x7D0  }
0x12a: {  	[sflag:s8] =	ssyncset.done $0x0  }
0x12b: {  	[sflag:s8] =	ssyncadd.s32 $0xFFFFF830  }
0x12c: {  	[tilespmem:s18], [sflag:$0x2] =	stream.indirect.gather [spmem:s3], $0x10, s21, s11, $0xb8;
	[tilespmem:$0x19140] =	vst v63  }
0x12d: {  	_ = 	snop  }
0x12e: {  	[spmem:s2] =	stream.indirect.scatter.add.f32 [tilespmem:s12], [sflag:$0x3], $0x10, s10, s11, $0xb8;
	[tilespmem:$0x19140] =	vst v63  }
0x12f: {  	_ =	swait.ge [sflag:s8], $0x7D00  }
0x130: {  	[sflag:s8] =	ssyncset.done $0x0  }
0x131: {  	[sflag:s8] =	ssyncadd.s32 $0xFFFF8300  }
0x132: {  	_ =	swait.ge [sflag:s13], $0x7D00  }
0x133: {  	[sflag:s13] =	ssyncset.done $0x0  }
0x134: {  	[sflag:s13] =	ssyncadd.s32 $0xFFFF8300  }
0x135: {  	[tilespmem:s16], [sflag:$0x3] =	stream.linear.gather [hbm4b:s15+s4], $0x7D0, $0x38;
	[tilespmem:$0x19140] =	vst v63  }
0x136: {  	_ =	swait.ge [sflag:s8], $0x7D0  }
0x137: {  	[sflag:s8] =	ssyncset.done $0x0  }
0x138: {  	[sflag:s8] =	ssyncadd.s32 $0xFFFFF830  }
0x139: {  	[tilespmem:s10], [sflag:$0x3] =	stream.linear.gather [hbm4b:s14+s4], $0x7D0, $0x38;
	[tilespmem:$0x19140] =	vst v63  }
0x13a: {  	_ =	swait.ge [sflag:s8], $0x7D0  }
0x13b: {  	[sflag:s8] =	ssyncset.done $0x0  }
0x13c: {  	[sflag:s8] =	ssyncadd.s32 $0xFFFFF830  }
0x13d: {  	[tilespmem:s12], [sflag:$0x1] =	stream.indirect.gather [spmem:s3], $0x10, s16, s11, $0xb8;
	[tilespmem:$0x19140] =	vst v63  }
0x13e: {  	_ = 	snop  }
0x13f: {  	[spmem:s2] =	stream.indirect.scatter.add.f32 [tilespmem:s18], [sflag:$0x3], $0x10, s17, s11, $0xb8;
	[tilespmem:$0x19140] =	vst v63  }
0x140: {  	_ =	swait.ge [sflag:s8], $0x7D00  }
0x141: {  	[sflag:s8] =	ssyncset.done $0x0  }
0x142: {  	[sflag:s8] =	ssyncadd.s32 $0xFFFF8300  }
0x143: {  	_ =	swait.ge [sflag:s9], $0x7D00  }
0x144: {  	[sflag:s9] =	ssyncset.done $0x0  }
0x145: {  	[sflag:s9] =	ssyncadd.s32 $0xFFFF8300  }
0x146: {  	[spmem:s2] =	stream.indirect.scatter.add.f32 [tilespmem:s12], [sflag:$0x3], $0x10, s10, s11, $0xb8;
	[tilespmem:$0x19140] =	vst v63  }
0x147: {  	_ =	swait.ge [sflag:s8], $0x7D00  }
0x148: {  	[sflag:s8] =	ssyncset.done $0x0  }
0x149: {  	s30 =	sshll.u32 s1, $0x6;
	[sflag:s8] =	ssyncadd.s32 $0xFFFF8300  }
0x14a: {  	s31 =	sshrl.u32 s5, $0x3;
	s2 =	sor.u32 $0x1C03, s30;
	[bflag:$0x0] =	sbarrier.arrive $0xFFFF  }
0x14b: {  	[hbm:s6@s7], [sflag:s2] =	dma.strided [spmem:s31@s13], $0x500, s9, $0x2   }
0x14c: {  	_ =	swait.ge [sflag:s8], $0x500  }
0x14d: {  	[sflag:s8] =	ssyncset.done $0x0  }
0x14e: {  	[sflag:s8] =	ssyncadd.s32 $0xFFFFFB00  }
0x14f: {  	_ =	sfence.sel $0x180000  }
0x150: {  	[bflag:$0x0] =	sbarrier.arrive $0xFFFF  }
0x151: {  	p0 =	sne.s32 s1, $0x0;
	_ =	strace $0x9000004D  }
0x152: {  	s0 =	sadd.s32 @!p0 $0x100000, s0;
	[bflag:$0x2] =	sbarrier.arrive $0xFFFF  }
0x153: {  	[sflag:s0] =	ssyncadd.tile.s32 @!p0 $0x1;
	_ =	shalt  }
.Lfunc_end2:
_tile_overlayer_lowered:
.L_overlay_start_2:
0x154: {  	(tag) =	ssettag $0x2  }
0x155: {  	s0 =	rddreg [dreg:$0x0];
	s2 =	stileid.u32  }
0x156: {  	s1 =	rddreg [dreg:$0x1];
	p0 =	sne.s32 s2, $0x0  }
0x157: {  	s3 =	rddreg [dreg:$0x2];
	[bflag:$0x3] =	sbarrier.arrive $0xFFFF;
	s2 =	simm.s32 @!p0 $0x1C03  }
0x158: {  	[timem:s3], [sflag:s2] =	dma.local @!p0 [hbm:s0], s1  }
0x159: {  	s0 =	simm.s32 @!p0 $0x3  }
0x15a: {  	_ =	swait.ge @!p0 [sflag:s0], s1  }
0x15b: {  	s1 =	ssub.s32 @!p0 $0x0, s1;
	[sflag:s0] =	ssyncset.done @!p0 $0x0  }
0x15c: {  	[sflag:s0] =	ssyncadd.s32 @!p0 s1  }
0x15d: {  	[bflag:$0x3] =	sbarrier.arrive $0xFFFF  }
0x15e: {  	_ =	shalt  }

// kernel: kernel.8.cloned.1.call-start
scs
__scs_entry_jumppad:
0x0: {  	(pc) =	sbr.rel $0x88, $3  }
0x1: {  	(tag) =	ssettag $0x0;
	lr =	simm.s32 $0x1  }
0x2: {  	[smem:$0x3F9B] =	sst lr;
	_ =	strace $0xD0000000  }
0x3: {  	_ = 	snop  }
0x4: {  	_ = 	snop  }
0x5: {  	_ = 	snop  }
0x6: {  	_ = 	snop  }
0x7: {  	_ = 	snop  }
__scs_overlays_trampoline_lowered:
0x8: {  	[smem:$0x3FAA] =	sst s0  }
0x9: {  	[smem:$0x3FAB] =	sst s1  }
0xa: {  	[smem:$0x3FAC] =	sst s2  }
0xb: {  	[smem:$0x3FAD] =	sst s3  }
0xc: {  	[smem:$0x3FAE] =	sst s4  }
0xd: {  	[smem:$0x3FAF] =	sst s5  }
0xe: {  	[smem:$0x3FB0] =	sst s6  }
0xf: {  	[smem:$0x3FB1] =	sst s7  }
0x10: {  	[smem:$0x3FB2] =	sst s8  }
0x11: {  	[smem:$0x3FB3] =	sst s9;
	s0 =	simm.s32 @!p0 $0x0  }
0x12: {  	s1 =	sld [smem:$0x3F99];
	s0 =	simm.s32 @p0 $0x1  }
0x13: {  	[smem:$0x3FB4] =	sst s0;
	s0 =	simm.s32 @!p1 $0x0  }
0x14: {  	s2 =	sld [smem:$0x3F98];
	s0 =	simm.s32 @p1 $0x1  }
0x15: {  	[smem:$0x3FB5] =	sst s0;
	s0 =	simm.s32 @!p2 $0x0  }
0x16: {  	s3 =	sld [smem:$0x3FDB];
	s0 =	simm.s32 @p2 $0x1  }
0x17: {  	s4 =	simm.s32 $0x1BF5;
	[smem:$0x3FB7] =	sst s0  }
0x18: {  	s0 =	sld [smem:$0x3F9A];
	_ =	swait.ge [sflag:s4], $0x0  }
0x19: {  	s7 =	sld [smem:$0x3F9B]  }
0x1a: {  	s8 =	sadd.s32 $0xFFFFE003, lr  }
0x1b: {  	s9 =	sadd.s32 $0xFFFFFEF7, lr;
	s5 =	simm.s32 $0xFFFFFFFF;
	p2 =	slt.u32 s8, $0xFFFFF086  }
0x1c: {  	p1 =	slt.u32 s9, $0xF7A;
	s5 =	simm.s32 @!p2 $0x0  }
0x1d: {  	s5 =	simm.s32 @p1 $0x1;
	p0 =	seq.s32 s7, s2  }
0x1e: {  	s7 =	smul.u32 @!p0 $0xF7A, s2;
	p2 =	seq.s32 @!p0 s5, $0x0  }
0x1f: {  	s9 =	smul.u32 $0xF7A, s1;
	s8 =	simm.s32 @!p0 $0x1BF5;
	p2 =	por !p2, p0  }
0x20: {  	[sflag:s8] =	ssyncset.s32 @!p0 $0xFFFFF086;
	s6 =	sadd.s32 @!p0 s3, s7;
	s7 =	simm.s32 @!p0 $0x108  }
0x21: {  	s3 =	sadd.s32 s3, s9;
	s6 =	sadd.s32 @!p0 $0x88, s6;
	s7 =	simm.s32 @p2 $0x1082  }
0x22: {  	[simem:s7], [sflag:s8] =	dma.local @!p0 [hbm:s6], $0xF7A  }
0x23: {  	s9 =	sor.u32 $0xD0000000, s2;
	s6 =	simm.s32 $0x108;
	_ =	swait.ge @!p0 [sflag:s8], $0x0  }
0x24: {  	s3 =	sadd.s32 $0x88, s3;
	s6 =	simm.s32 @!p1 $0x1082;
	[sflag:s4] =	ssyncset.s32 $0xFFFFF086  }
0x25: {  	[simem:s6], [sflag:s4] =	dma.local [hbm:s3], $0xF7A  }
0x26: {  	[smem:$0x3F9B] =	sst s1;
	(tag) =	ssettag s2;
	_ =	strace s9  }
0x27: {  	s1 =	sld [smem:$0x3FAB]  }
0x28: {  	s2 =	sld [smem:$0x3FAC]  }
0x29: {  	s4 =	sld [smem:$0x3FAE]  }
0x2a: {  	p0 =	seq.s32 s5, $0x0;
	s5 =	sld [smem:$0x3FAF]  }
0x2b: {  	s6 =	sld [smem:$0x3FB0]  }
0x2c: {  	s7 =	sld [smem:$0x3FB1]  }
0x2d: {  	s3 =	simm.s32 $0x108;
	s8 =	sld [smem:$0x3FB2]  }
0x2e: {  	s3 =	simm.s32 @!p0 $0x1082;
	s9 =	sld [smem:$0x3FB3]  }
0x2f: {  	lr =	sadd.s32 s0, s3;
	s0 =	sld [smem:$0x3FAA]  }
0x30: {  	s3 =	sld [smem:$0x3FAD]  }
0x31: {  	[smem:$0x3FB6] =	sst s10  }
0x32: {  	s10 =	sld [smem:$0x3FB4];
	_ =	sdelay $0x3  }
0x33: {  	p0 =	seq.s32 s10, $0x1;
	s10 =	sld [smem:$0x3FB6];
	_ =	sdelay $0x3  }
0x34: {  	[smem:$0x3FB6] =	sst s10  }
0x35: {  	s10 =	sld [smem:$0x3FB5];
	_ =	sdelay $0x3  }
0x36: {  	p1 =	seq.s32 s10, $0x1;
	s10 =	sld [smem:$0x3FB6];
	_ =	sdelay $0x3  }
0x37: {  	[smem:$0x3FB6] =	sst s10  }
0x38: {  	s10 =	sld [smem:$0x3FB7]  }
0x39: {  	_ = 	snop;
	(pc) =	sbr.ind lr, $3  }
0x3a: {  	_ = 	snop  }
0x3b: {  	_ = 	snop  }
0x3c: {  	p2 =	seq.s32 s10, $0x1;
	s10 =	sld [smem:$0x3FB6]  }
0x3d: {  	_ =	shalt  }
0x3e: {  	_ =	shalt  }
0x3f: {  	_ =	shalt  }
0x40: {  	_ =	shalt  }
0x41: {  	_ =	shalt  }
0x42: {  	_ =	shalt  }
0x43: {  	_ =	shalt  }
0x44: {  	_ =	shalt  }
0x45: {  	_ =	shalt  }
0x46: {  	_ =	shalt  }
0x47: {  	_ =	shalt  }
0x48: {  	_ =	shalt  }
0x49: {  	_ =	shalt  }
0x4a: {  	_ =	shalt  }
0x4b: {  	_ =	shalt  }
0x4c: {  	_ =	shalt  }
0x4d: {  	_ =	shalt  }
0x4e: {  	_ =	shalt  }
0x4f: {  	_ =	shalt  }
0x50: {  	_ =	shalt  }
0x51: {  	_ =	shalt  }
0x52: {  	_ =	shalt  }
0x53: {  	_ =	shalt  }
0x54: {  	_ =	shalt  }
0x55: {  	_ =	shalt  }
0x56: {  	_ =	shalt  }
0x57: {  	_ =	shalt  }
0x58: {  	_ =	shalt  }
0x59: {  	_ =	shalt  }
0x5a: {  	_ =	shalt  }
0x5b: {  	_ =	shalt  }
0x5c: {  	_ =	shalt  }
0x5d: {  	_ =	shalt  }
0x5e: {  	_ =	shalt  }
0x5f: {  	_ =	shalt  }
0x60: {  	_ =	shalt  }
0x61: {  	_ =	shalt  }
0x62: {  	_ =	shalt  }
0x63: {  	_ =	shalt  }
0x64: {  	_ =	shalt  }
0x65: {  	_ =	shalt  }
0x66: {  	_ =	shalt  }
0x67: {  	_ =	shalt  }
0x68: {  	_ =	shalt  }
0x69: {  	_ =	shalt  }
0x6a: {  	_ =	shalt  }
0x6b: {  	_ =	shalt  }
0x6c: {  	_ =	shalt  }
0x6d: {  	_ =	shalt  }
0x6e: {  	_ =	shalt  }
0x6f: {  	_ =	shalt  }
0x70: {  	_ =	shalt  }
0x71: {  	_ =	shalt  }
0x72: {  	_ =	shalt  }
0x73: {  	_ =	shalt  }
0x74: {  	_ =	shalt  }
0x75: {  	_ =	shalt  }
0x76: {  	_ =	shalt  }
0x77: {  	_ =	shalt  }
0x78: {  	_ =	shalt  }
0x79: {  	_ =	shalt  }
0x7a: {  	_ =	shalt  }
0x7b: {  	_ =	shalt  }
0x7c: {  	_ =	shalt  }
0x7d: {  	_ =	shalt  }
0x7e: {  	_ =	shalt  }
0x7f: {  	_ =	shalt  }
0x80: {  	_ =	shalt  }
0x81: {  	_ =	shalt  }
0x82: {  	_ =	shalt  }
0x83: {  	_ =	shalt  }
0x84: {  	_ =	shalt  }
0x85: {  	_ =	shalt  }
0x86: {  	_ =	shalt  }
0x87: {  	_ =	shalt  }
.Lfunc_end0:
.L_simem_size_0:
called_computation_lowered:
.L_overlay_start_0:
0x88: {  	s2 =	sld [smem:$0x3FD9]  }
0x89: {  	s3 =	sld [smem:$0x3FFE];
	_ =	sdelay $0x1  }
0x8a: {  	s1 =	srdreg.scid  }
0x8b: {  	s0 =	sand.u32 $0x1, s1  }
0x8c: {  	s16 =	sshll.u32 s0, $0xA;
	s2 =	sadd.s32 s3, s2  }
0x8d: {  	s2 =	sadd.s32 s2, s16  }
0x8e: {  	[smem:$0x3FC2] =	sst s2  }
0x8f: {  	_ = 	snop  }
0x90: {  	(tm) =	ssettm $0x1  }
0x91: {  	s17 =	sld [smem:$0x3FFB];
	_ =	sdelay $0x3  }
0x92: {  	_ =	strace s17  }
0x93: {  	s2 =	sld [smem:$0x3FFC];
	_ =	sdelay $0x3  }
0x94: {  	_ =	strace s2  }
0x95: {  	s2 =	sld [smem:$0x3FFD];
	_ =	sdelay $0x3  }
0x96: {  	_ =	strace s2  }
0x97: {  	_ =	strace $0x8FFFFFFF  }
0x98: {  	s18 =	sld [smem:$0x3FDB];
	_ =	sdelay $0x1  }
0x99: {  	s19 =	simm.s32 $_scs_section_size  }
0x9a: {  	s4 =	simm.s32 $_size__tile_overlayer_lowered;
	s5 =	simm.s32 $_tile_overlayer_lowered  }
0x9b: {  	s22 =	simm.s32 $0x1BFF;
	s21 =	sshll.u32 s5, $0x1;
	s2 =	sadd.s32 s19, s18  }
0x9c: {  	s6 =	simm.s32 $0x0;
	s20 =	sshll.u32 s4, $0x1;
	s4 =	sadd.s32 s21, s2  }
0x9d: {  	[timem:s6], [sflag:s22] =	dma.local [hbm:s4], s20  }
0x9e: {  	_ =	swait.ge [sflag:s22], s20  }
0x9f: {  	s3 =	ssub.s32 $0x0, s20;
	[sflag:s22] =	ssyncset.done $0x0  }
0xa0: {  	[sflag:s22] =	ssyncadd.s32 s3;
	_ =	sdelay $0x1  }
0xa1: {  	s23 =	simm.s32 $0x1B8B  }
0xa2: {  	_ =	swait.ge [sflag:s23], $0x1  }
0xa3: {  	[sflag:s23] =	ssyncset.done $0x0  }
0xa4: {  	s25 =	simm.s32 $0x1B8E;
	s24 =	sld [smem:$0x3FFE];
	[sflag:s23] =	ssyncadd.s32 $0xFFFFFFFF  }
0xa5: {  	s26 =	simm.s32 $execute0_lowered;
	[smem:$0x3FD2] =	sst s25  }
0xa6: {  	s4 =	sshll.u32 s26, $0x1;
	_ =	strace $0x80000046;
	[dreg:$0x1] =	wrdreg $0xFFFFFFFF  }
0xa7: {  	s28 =	simm.s32 $_size_execute0_lowered;
	s2 =	sadd.s32 s2, s4;
	[dreg:$0x0] =	wrdreg $0x0  }
0xa8: {  	s4 =	sshll.u32 s28, $0x1;
	[dreg:$0x2] =	wrdreg s2  }
0xa9: {  	[dreg:$0x3] =	wrdreg s4  }
0xaa: {  	[dreg:$0x4] =	wrdreg $0xC0  }
0xab: {  	_ =	task [dreg:s6], $0x5FFFF  }
0xac: {  	[dreg:$0x1] =	wrdreg $0xFFFFFFFF  }
0xad: {  	[dreg:$0x0] =	wrdreg $0x60  }
0xae: {  	[dreg:$0x2] =	wrdreg s24  }
0xaf: {  	[dreg:$0x3] =	wrdreg $0x0  }
0xb0: {  	[dreg:$0x4] =	wrdreg $0x9  }
0xb1: {  	_ =	task.clear_ibuf [dreg:s6], $0x5FFFF;
	_ =	strace $0x90000046  }
0xb2: {  	s29 =	simm.s32 $0x9;
	_ =	strace $0x80000048  }
0xb3: {  	_ =	swait.ge [sflag:s29], $0x1  }
0xb4: {  	[sflag:s29] =	ssyncadd.s32 $0xFFFFFFFF  }
0xb5: {  	_ =	strace $0x90000048  }
0xb6: {  	_ =	sfence  }
0xb7: {  	s30 =	sld [smem:$0x0];
	_ =	sdelay $0x2  }
0xb8: {  	s31 =	sshll.u32 s1, $0xD;
	s1 =	sshrl.u32 s1, $0x2  }
0xb9: {  	s3 =	sand.u32 $0x4000, s31;
	s1 =	sadd.s32 s1, s30  }
0xba: {  	s0 =	sor.u32 s3, s0;
	s1 =	sshll.u32 s1, $0x11  }
0xbb: {  	s0 =	sor.u32 s1, s0  }
0xbc: {  	s0 =	sadd.s32 $0x8F2B, s0  }
0xbd: {  	[sflag:s0] =	ssyncadd.remote.s32 $0x1  }
0xbe: {  	_ =	sfence.sel $0xFFFF  }
0xbf: {  	[dreg:$0x0] =	wrdreg $0xFFFFFFFF;
	(pc) =	sbr.abs _section_cstart, $3  }
0xc0: {  	[dreg:$0x1] =	wrdreg $0xFFFFFFFF  }
0xc1: {  	_ =	task.clear_ibuf [dreg:s6], $0x2FFFF;
	_ =	strace $0x9FFFFFFF  }
0xc2: {  	(tm) =	ssettm $0x7FFFFFFF  }
0xc3: {  	_ =	shalt  }
tec
execute0_lowered:
.L_overlay_start_1:
0x0: {  	(tag) =	ssettag $0x1  }
0x1: {  	s1 =	srdreg.scid;
	s5 =	rddreg [dreg:$0x0]  }
0x2: {  	s0 =	stileid.u32;
	s2 =	rddreg [dreg:$0x1]  }
0x3: {  	s3 =	simm.s32 $0x0;
	s13 =	simm.s32 $0x3;
	s14 =	simm.s32 $0x2D00  }
0x4: {  	s15 =	simm.s32 $0x1;
	s16 =	simm.s32 $0x34D0;
	s17 =	simm.s32 $0x7D0  }
0x5: {  	s18 =	simm.s32 $0x3CA0;
	s19 =	simm.s32 $0x2;
	s20 =	simm.s32 $0x10  }
0x6: {  	s21 =	simm.s32 $0x80;
	s22 =	simm.s32 $0x500;
	s8 =	smul.u32 $0x14000, s0  }
0x7: {  	s4 =	sand.u32 $0x1, s1;
	s28 =	sshll.u32 s0, $0x1;
	s9 =	smul.u32 $0xA00, s0  }
0x8: {  	[smem:$0x7FF] =	sst s3;
	s1 =	sor.u32 s4, s28;
	s7 =	smul.u32 $0x140000, s4  }
0x9: {  	s4 =	ssub.s32 $0x2, s4;
	s6 =	smul.u32 $0x2710, s1;
	s1 =	rddreg [dreg:$0x2]  }
0xa: {  	_ =	strace $0x80000047;
	s30 =	sshrl.u32 s4, $0x1;
	s31 =	sshrl.u32 s9, $0x2  }
0xb: {  	s29 =	sadd.s32 s8, s7;
	s12 =	ssub.s32 s4, s30;
	s6 =	sshrl.u32 s6, $0x3  }
0xc: {  	s4 =	sadd.s32 s31, s2;
	s10 =	sadd.s32 s6, s5;
	s6 =	sshrl.u32 s29, $0x3  }
0xd: {  	s11 =	sadd.s32 s6, s5;
	s5 =	sadd.s32 $0xBC00, s10;
	s6 =	sadd.s32 $0xBCFA, s10  }
0xe: {  	s7 =	sadd.s32 $0xBDF4, s10;
	s8 =	sadd.s32 $0xBEEE, s10;
	s9 =	sadd.s32 $0xBFE8, s10  }
0xf: {  	v0 =	vimm.f32 $0.0e+00;
	v1 =	vimm.f32 $1.000000000e+00;
	s10 =	sadd.s32 $0x15A00, s11;
	s11 =	smax.u32 s12, $0x1;
	s12 =	simm.s32 $0x280  }
.LBB2_1:
0x10: {  	[tilespmem:$0x280] =	vst v0  }
0x11: {  	[tilespmem:$0x290] =	vst v0  }
0x12: {  	[tilespmem:$0x2A0] =	vst v0  }
0x13: {  	[tilespmem:$0x2B0] =	vst v0  }
0x14: {  	[tilespmem:$0x2C0] =	vst v0  }
0x15: {  	[tilespmem:$0x2D0] =	vst v0  }
0x16: {  	[tilespmem:$0x2E0] =	vst v0  }
0x17: {  	[tilespmem:$0x2F0] =	vst v0  }
0x18: {  	[tilespmem:$0x300] =	vst v0  }
0x19: {  	[tilespmem:$0x310] =	vst v0  }
0x1a: {  	[tilespmem:$0x320] =	vst v0  }
0x1b: {  	[tilespmem:$0x330] =	vst v0  }
0x1c: {  	[tilespmem:$0x340] =	vst v0  }
0x1d: {  	[tilespmem:$0x350] =	vst v0  }
0x1e: {  	[tilespmem:$0x360] =	vst v0  }
0x1f: {  	[tilespmem:$0x370] =	vst v0  }
0x20: {  	[tilespmem:$0x380] =	vst v0  }
0x21: {  	[tilespmem:$0x390] =	vst v0  }
0x22: {  	[tilespmem:$0x3A0] =	vst v0  }
0x23: {  	[tilespmem:$0x3B0] =	vst v0  }
0x24: {  	[tilespmem:$0x3C0] =	vst v0  }
0x25: {  	[tilespmem:$0x3D0] =	vst v0  }
0x26: {  	[tilespmem:$0x3E0] =	vst v0  }
0x27: {  	[tilespmem:$0x3F0] =	vst v0  }
0x28: {  	[tilespmem:$0x400] =	vst v0  }
0x29: {  	[tilespmem:$0x410] =	vst v0  }
0x2a: {  	[tilespmem:$0x420] =	vst v0  }
0x2b: {  	[tilespmem:$0x430] =	vst v0  }
0x2c: {  	[tilespmem:$0x440] =	vst v0  }
0x2d: {  	[tilespmem:$0x450] =	vst v0  }
0x2e: {  	[tilespmem:$0x460] =	vst v0  }
0x2f: {  	[tilespmem:$0x470] =	vst v0  }
0x30: {  	[tilespmem:$0x480] =	vst v0  }
0x31: {  	[tilespmem:$0x490] =	vst v0  }
0x32: {  	[tilespmem:$0x4A0] =	vst v0  }
0x33: {  	[tilespmem:$0x4B0] =	vst v0  }
0x34: {  	[tilespmem:$0x4C0] =	vst v0  }
0x35: {  	[tilespmem:$0x4D0] =	vst v0  }
0x36: {  	[tilespmem:$0x4E0] =	vst v0  }
0x37: {  	[tilespmem:$0x4F0] =	vst v0;
	s23 =	simm.s32 $0x40;
	s24 =	simm.s32 $0x0  }
.LBB2_2:
0x38: {  	p0 =	sne.s32 s23, $0x1F00;
	[tilespmem:s24+$0x3CA0] =	vst v1;
	s24 =	smov.u32 s23;
	s23 =	sadd.s32 $0x40, s23  }
.Ltmp0:
0x39: {  	(pc) =	sbr.rel @p0 .LBB2_2-.Ltmp0, $2  }
0x3a: {  	_ =	sdelay $0x2  }
0x3b: {  	s24 =	sshra.s32 s24, $0x2  }
0x3c: {  	[tilespmem:s24+$0x3CA0] =	vst v1  }
0x3d: {  	[spmem:s4] =	stream.linear.scatter [tilespmem:s12], [sflag:$0x3], $0x280, $0x38;
	[tilespmem:$0x4470] =	vst v63  }
0x3e: {  	_ =	swait.ge [sflag:s13], $0x280  }
0x3f: {  	[sflag:s13] =	ssyncset.done $0x0  }
0x40: {  	[sflag:s13] =	ssyncadd.s32 $0xFFFFFD80  }
0x41: {  	s23 =	simm.s32 $0x0;
	[bflag:$0x0] =	sbarrier.arrive $0xFFFF  }
0x42: {  	[tilespmem:s14], [sflag:$0x1] =	stream.linear.gather [hbm4b:s5+s23], $0x7D0, $0x38;
	[tilespmem:$0x4470] =	vst v63  }
0x43: {  	_ =	swait.ge [sflag:s15], $0x7D0  }
0x44: {  	[sflag:s15] =	ssyncset.done $0x0  }
0x45: {  	[sflag:s15] =	ssyncadd.s32 $0xFFFFF830  }
0x46: {  	[tilespmem:s16], [sflag:$0x2] =	stream.linear.gather [hbm4b:s6+s23], $0x7D0, $0x38;
	[tilespmem:$0x4470] =	vst v63  }
0x47: {  	_ = 	snop  }
0x48: {  	[spmem:s2] =	stream.indirect.scatter.add.f32 [tilespmem:s18], [sflag:$0x3], $0x1, s14, s17, $0xb8;
	[tilespmem:$0x4470] =	vst v63  }
0x49: {  	_ =	swait.ge [sflag:s13], $0x7D0  }
0x4a: {  	[sflag:s13] =	ssyncset.done $0x0  }
0x4b: {  	[sflag:s13] =	ssyncadd.s32 $0xFFFFF830  }
0x4c: {  	_ =	swait.ge [sflag:s19], $0x7D0  }
0x4d: {  	[sflag:s19] =	ssyncset.done $0x0  }
0x4e: {  	[sflag:s19] =	ssyncadd.s32 $0xFFFFF830  }
0x4f: {  	[tilespmem:s14], [sflag:$0x1] =	stream.linear.gather [hbm4b:s7+s23], $0x7D0, $0x38;
	[tilespmem:$0x4470] =	vst v63  }
0x50: {  	_ = 	snop  }
0x51: {  	[spmem:s2] =	stream.indirect.scatter.add.f32 [tilespmem:s18], [sflag:$0x3], $0x1, s16, s17, $0xb8;
	[tilespmem:$0x4470] =	vst v63  }
0x52: {  	_ =	swait.ge [sflag:s13], $0x7D0  }
0x53: {  	[sflag:s13] =	ssyncset.done $0x0  }
0x54: {  	[sflag:s13] =	ssyncadd.s32 $0xFFFFF830  }
0x55: {  	_ =	swait.ge [sflag:s15], $0x7D0  }
0x56: {  	[sflag:s15] =	ssyncset.done $0x0  }
0x57: {  	[sflag:s15] =	ssyncadd.s32 $0xFFFFF830  }
0x58: {  	[tilespmem:s16], [sflag:$0x2] =	stream.linear.gather [hbm4b:s8+s23], $0x7D0, $0x38;
	[tilespmem:$0x4470] =	vst v63  }
0x59: {  	_ = 	snop  }
0x5a: {  	[spmem:s2] =	stream.indirect.scatter.add.f32 [tilespmem:s18], [sflag:$0x3], $0x1, s14, s17, $0xb8;
	[tilespmem:$0x4470] =	vst v63  }
0x5b: {  	_ =	swait.ge [sflag:s13], $0x7D0  }
0x5c: {  	[sflag:s13] =	ssyncset.done $0x0  }
0x5d: {  	[sflag:s13] =	ssyncadd.s32 $0xFFFFF830  }
0x5e: {  	_ =	swait.ge [sflag:s19], $0x7D0  }
0x5f: {  	[sflag:s19] =	ssyncset.done $0x0  }
0x60: {  	[sflag:s19] =	ssyncadd.s32 $0xFFFFF830  }
0x61: {  	[tilespmem:s14], [sflag:$0x1] =	stream.linear.gather [hbm4b:s9+s23], $0x7D0, $0x38;
	[tilespmem:$0x4470] =	vst v63  }
0x62: {  	_ = 	snop  }
0x63: {  	[spmem:s2] =	stream.indirect.scatter.add.f32 [tilespmem:s18], [sflag:$0x3], $0x1, s16, s17, $0xb8;
	[tilespmem:$0x4470] =	vst v63  }
0x64: {  	_ =	swait.ge [sflag:s13], $0x7D0  }
0x65: {  	[sflag:s13] =	ssyncset.done $0x0  }
0x66: {  	[sflag:s13] =	ssyncadd.s32 $0xFFFFF830  }
0x67: {  	_ =	swait.ge [sflag:s15], $0x7D0  }
0x68: {  	[sflag:s15] =	ssyncset.done $0x0  }
0x69: {  	[sflag:s15] =	ssyncadd.s32 $0xFFFFF830  }
0x6a: {  	[spmem:s2] =	stream.indirect.scatter.add.f32 [tilespmem:s18], [sflag:$0x3], $0x1, s14, s17, $0xb8;
	[tilespmem:$0x4470] =	vst v63  }
0x6b: {  	_ =	swait.ge [sflag:s13], $0x7D0  }
0x6c: {  	[sflag:s13] =	ssyncset.done $0x0  }
0x6d: {  	[sflag:s13] =	ssyncadd.s32 $0xFFFFF830  }
0x6e: {  	[bflag:$0x0] =	sbarrier.arrive $0xFFFF  }
0x6f: {  	[tilespmem:s12], [sflag:$0x3] =	stream.linear.gather [spmem:s4], $0x280, $0x38;
	[tilespmem:$0x4470] =	vst v63  }
0x70: {  	_ =	swait.ge [sflag:s13], $0x280  }
0x71: {  	[sflag:s13] =	ssyncset.done $0x0  }
0x72: {  	s31 =	simm.s32 $0x0;
	[sflag:s13] =	ssyncadd.s32 $0xFFFFFD80  }
0x73: {  	v2 =	vld [tilespmem:s31+$0x280];
	_ =	sdelay $0x4  }
0x74: {  	v3 =	vbroadcast v2, $0x0  }
0x75: {  	s23 =	simm.s32 $0x580;
	v4 =	vbroadcast v2, $0x1  }
0x76: {  	v5 =	vbroadcast v2, $0x2;
	[tilespmem:s23+$0xFFFFFF80] =	vst v3  }
0x77: {  	v56 =	vbroadcast v2, $0x4;
	[tilespmem:s23+$0xFFFFFF90] =	vst v4  }
0x78: {  	v57 =	vbroadcast v2, $0x5;
	[tilespmem:s23+$0xFFFFFFA0] =	vst v5  }
0x79: {  	v58 =	vbroadcast v2, $0x7;
	[tilespmem:s23+$0xFFFFFFC0] =	vst v56  }
0x7a: {  	v59 =	vbroadcast v2, $0x8;
	[tilespmem:s23+$0xFFFFFFD0] =	vst v57  }
0x7b: {  	v60 =	vbroadcast v2, $0xA;
	[tilespmem:s23+$0xFFFFFFF0] =	vst v58  }
0x7c: {  	v3 =	vbroadcast v2, $0x3;
	[tilespmem:s23+$0x0] =	vst v59  }
0x7d: {  	v61 =	vbroadcast v2, $0xB;
	[tilespmem:s23+$0x20] =	vst v60  }
0x7e: {  	[tilespmem:s23+$0xFFFFFFB0] =	vst v3;
	v3 =	vbroadcast v2, $0x6  }
0x7f: {  	v62 =	vbroadcast v2, $0xD;
	[tilespmem:s23+$0x30] =	vst v61  }
0x80: {  	[tilespmem:s23+$0xFFFFFFE0] =	vst v3;
	v3 =	vbroadcast v2, $0x9  }
0x81: {  	v63 =	vbroadcast v2, $0xE;
	[tilespmem:s23+$0x50] =	vst v62  }
0x82: {  	[tilespmem:s23+$0x10] =	vst v3;
	v3 =	vbroadcast v2, $0xC  }
0x83: {  	[tilespmem:s23+$0x60] =	vst v63;
	v2 =	vbroadcast v2, $0xF  }
0x84: {  	[tilespmem:s23+$0x40] =	vst v3  }
0x85: {  	s25 =	simm.s32 $0x10;
	s24 =	simm.s32 $0x80;
	[tilespmem:s23+$0x70] =	vst v2  }
.LBB2_4:
0x86: {  	p0 =	sne.s32 s24, $0x9C0;
	v2 =	vld [tilespmem:s25+$0x280];
	_ =	sdelay $0x4  }
0x87: {  	v3 =	vbroadcast v2, $0x0;
	v4 =	vbroadcast v2, $0x1  }
0x88: {  	s23 =	sadd.s32 $0x100, s23;
	v5 =	vbroadcast v2, $0x2;
	v6 =	vbroadcast v2, $0x3  }
0x89: {  	v7 =	vbroadcast v2, $0x5;
	[tilespmem:s23+$0xFFFFFF80] =	vst v3;
	v3 =	vbroadcast v2, $0x4  }
0x8a: {  	v8 =	vbroadcast v2, $0x7;
	[tilespmem:s23+$0xFFFFFF90] =	vst v4;
	v4 =	vbroadcast v2, $0x6  }
0x8b: {  	v9 =	vbroadcast v2, $0x9;
	[tilespmem:s23+$0xFFFFFFA0] =	vst v5;
	v5 =	vbroadcast v2, $0x8  }
0x8c: {  	v10 =	vbroadcast v2, $0xB;
	[tilespmem:s23+$0xFFFFFFB0] =	vst v6;
	v6 =	vbroadcast v2, $0xA  }
0x8d: {  	v11 =	vbroadcast v2, $0xD;
	[tilespmem:s23+$0xFFFFFFC0] =	vst v3;
	v3 =	vbroadcast v2, $0xC  }
0x8e: {  	[tilespmem:s23+$0xFFFFFFD0] =	vst v7;
	v7 =	vbroadcast v2, $0xE;
	v2 =	vbroadcast v2, $0xF  }
0x8f: {  	[tilespmem:s23+$0xFFFFFFE0] =	vst v4  }
0x90: {  	[tilespmem:s23+$0xFFFFFFF0] =	vst v8  }
0x91: {  	[tilespmem:s23+$0x0] =	vst v5  }
0x92: {  	[tilespmem:s23+$0x10] =	vst v9  }
0x93: {  	[tilespmem:s23+$0x20] =	vst v6  }
.Ltmp1:
0x94: {  	[tilespmem:s23+$0x30] =	vst v10;
	(pc) =	sbr.rel @p0 .LBB2_4-.Ltmp1, $4  }
0x95: {  	[tilespmem:s23+$0x40] =	vst v3  }
0x96: {  	[tilespmem:s23+$0x50] =	vst v11  }
0x97: {  	[tilespmem:s23+$0x60] =	vst v7  }
0x98: {  	s25 =	sshra.s32 s24, $0x2;
	s24 =	sadd.s32 $0x40, s24;
	[tilespmem:s23+$0x70] =	vst v2  }
0x99: {  	v2 =	vld [tilespmem:s25+$0x280];
	_ =	sdelay $0x4  }
0x9a: {  	v3 =	vbroadcast v2, $0x0  }
0x9b: {  	s23 =	sadd.s32 $0x100, s23;
	v4 =	vbroadcast v2, $0x1  }
0x9c: {  	v5 =	vbroadcast v2, $0x2;
	[tilespmem:s23+$0xFFFFFF80] =	vst v3  }
0x9d: {  	v56 =	vbroadcast v2, $0x4;
	[tilespmem:s23+$0xFFFFFF90] =	vst v4  }
0x9e: {  	v57 =	vbroadcast v2, $0x5;
	[tilespmem:s23+$0xFFFFFFA0] =	vst v5  }
0x9f: {  	v58 =	vbroadcast v2, $0x7;
	[tilespmem:s23+$0xFFFFFFC0] =	vst v56  }
0xa0: {  	v59 =	vbroadcast v2, $0x8;
	[tilespmem:s23+$0xFFFFFFD0] =	vst v57  }
0xa1: {  	v60 =	vbroadcast v2, $0xA;
	[tilespmem:s23+$0xFFFFFFF0] =	vst v58  }
0xa2: {  	v3 =	vbroadcast v2, $0x3;
	[tilespmem:s23+$0x0] =	vst v59  }
0xa3: {  	v61 =	vbroadcast v2, $0xB;
	[tilespmem:s23+$0x20] =	vst v60  }
0xa4: {  	[tilespmem:s23+$0xFFFFFFB0] =	vst v3;
	v3 =	vbroadcast v2, $0x6  }
0xa5: {  	v62 =	vbroadcast v2, $0xD;
	[tilespmem:s23+$0x30] =	vst v61  }
0xa6: {  	[tilespmem:s23+$0xFFFFFFE0] =	vst v3;
	v3 =	vbroadcast v2, $0x9  }
0xa7: {  	v63 =	vbroadcast v2, $0xE;
	[tilespmem:s23+$0x50] =	vst v62  }
0xa8: {  	[tilespmem:s23+$0x10] =	vst v3;
	v3 =	vbroadcast v2, $0xC  }
0xa9: {  	s3 =	sadd.s32 $0x1, s3;
	[tilespmem:s23+$0x60] =	vst v63;
	v2 =	vbroadcast v2, $0xF  }
0xaa: {  	p0 =	sne.s32 s3, s11;
	[tilespmem:s23+$0x40] =	vst v3  }
.Ltmp2:
0xab: {  	[tilespmem:s23+$0x70] =	vst v2;
	(pc) =	sbr.rel @p0 .LBB2_1-.Ltmp2, $4  }
0xac: {  	[hbm4b:s10+s20] =	stream.strided.scatter [tilespmem:s22], [sflag:$0x3], $0x2800, s21, s20, $0x38;
	[tilespmem:$0x4470] =	vst v63  }
0xad: {  	_ =	swait.ge [sflag:s13], $0x2800  }
0xae: {  	[sflag:s13] =	ssyncset.done $0x0  }
0xaf: {  	[sflag:s13] =	ssyncadd.s32 $0xFFFFD800  }
0xb0: {  	_ =	sfence.sel $0x180000  }
0xb1: {  	[bflag:$0x0] =	sbarrier.arrive $0xFFFF  }
0xb2: {  	p0 =	sne.s32 s0, $0x0;
	_ =	strace $0x90000047  }
0xb3: {  	s0 =	sadd.s32 @!p0 $0x100000, s1;
	[bflag:$0x2] =	sbarrier.arrive $0xFFFF  }
0xb4: {  	[sflag:s0] =	ssyncadd.tile.s32 @!p0 $0x1;
	_ =	shalt  }
.Lfunc_end2:
_tile_overlayer_lowered:
.L_overlay_start_2:
0xb5: {  	(tag) =	ssettag $0x2  }
0xb6: {  	s0 =	rddreg [dreg:$0x0];
	s2 =	stileid.u32  }
0xb7: {  	s1 =	rddreg [dreg:$0x1];
	p0 =	sne.s32 s2, $0x0  }
0xb8: {  	s3 =	rddreg [dreg:$0x2];
	[bflag:$0x3] =	sbarrier.arrive $0xFFFF;
	s2 =	simm.s32 @!p0 $0x1C03  }
0xb9: {  	[timem:s3], [sflag:s2] =	dma.local @!p0 [hbm:s0], s1  }
0xba: {  	s0 =	simm.s32 @!p0 $0x3  }
0xbb: {  	_ =	swait.ge @!p0 [sflag:s0], s1  }
0xbc: {  	s1 =	ssub.s32 @!p0 $0x0, s1;
	[sflag:s0] =	ssyncset.done @!p0 $0x0  }
0xbd: {  	[sflag:s0] =	ssyncadd.s32 @!p0 s1  }
0xbe: {  	[bflag:$0x3] =	sbarrier.arrive $0xFFFF  }
0xbf: {  	_ =	shalt  }

</sc_bundles>
